<compile_context>
chip_gen: v7x
topology: tpu7x:2x2x1
jax: 0.10.2.dev20260603
libtpu: 0.0.44.dev20260713+nightly
codegen_flags: <defaults>
</compile_context>

<pallas_src>
import functools

import jax
import jax.numpy as jnp
from jax import lax
from jax.experimental import pallas as pl
from jax.experimental.pallas import tpu as pltpu
from jax.experimental.pallas import tpu_sc as plsc

_NC = 2
_NS = 16
_LANES = 16

_CUT = 5.0
_K = 32


def _geom_body(Ec, c0, N, E, posf_h, z_h, eif_h, d2_h, zc_h,
               posf_v, z_v, src_v, dst_v, d2_v, zc_v):
    c = lax.axis_index("c")
    s = lax.axis_index("s")
    wid = c * _NS + s
    ew = Ec // (_NC * _NS)
    base = wid * ew

    pltpu.sync_copy(posf_h, posf_v)
    pltpu.sync_copy(z_h, z_v)
    pltpu.sync_copy(eif_h.at[pl.ds(c0 + base, ew)], src_v.at[pl.ds(0, ew)])
    pltpu.sync_copy(eif_h.at[pl.ds(E + c0 + base, ew)], dst_v.at[pl.ds(0, ew)])

    def body(i, carry):
        o = i * _LANES
        sv = jnp.clip(src_v[pl.ds(o, _LANES)], 0, N - 1)
        dv = jnp.clip(dst_v[pl.ds(o, _LANES)], 0, N - 1) * 3
        sv3 = sv * 3
        dx = plsc.load_gather(posf_v, [sv3]) - plsc.load_gather(posf_v, [dv])
        dy = (plsc.load_gather(posf_v, [sv3 + 1])
              - plsc.load_gather(posf_v, [dv + 1]))
        dz = (plsc.load_gather(posf_v, [sv3 + 2])
              - plsc.load_gather(posf_v, [dv + 2]))
        d2_v[pl.ds(o, _LANES)] = dx * dx + dy * dy + dz * dz
        zc_v[pl.ds(o, _LANES)] = plsc.load_gather(z_v, [sv])
        return carry

    lax.fori_loop(0, (ew + _LANES - 1) // _LANES, body, 0)

    pltpu.sync_copy(d2_v.at[pl.ds(0, ew)], d2_h.at[pl.ds(base, ew)])
    pltpu.sync_copy(zc_v.at[pl.ds(0, ew)], zc_h.at[pl.ds(base, ew)])


def _make_geom(Ec, c0, N, E):
    ew = Ec // (_NC * _NS)
    ewp = (ew + _LANES - 1) // _LANES * _LANES
    mesh = plsc.VectorSubcoreMesh(core_axis_name="c", subcore_axis_name="s")
    return pl.kernel(
        functools.partial(_geom_body, Ec, c0, N, E),
        out_type=(jax.ShapeDtypeStruct((Ec,), jnp.float32),
                  jax.ShapeDtypeStruct((Ec,), jnp.int32)),
        mesh=mesh,
        scratch_types=[
            pltpu.VMEM((3 * N,), jnp.float32),
            pltpu.VMEM((N,), jnp.int32),
            pltpu.VMEM((ewp,), jnp.int32),
            pltpu.VMEM((ewp,), jnp.int32),
            pltpu.VMEM((ewp,), jnp.float32),
            pltpu.VMEM((ewp,), jnp.int32),
        ],
        compiler_params=pltpu.CompilerParams(needs_layout_passes=False),
    )


def _edge_tc_body(Eb, d2_ref, zc_ref, emb_ref, wrbf_ref, out_ref):
    d = jnp.sqrt(d2_ref[...] + 1e-9)
    mus = (lax.broadcasted_iota(jnp.int32, (_K, Eb), 0).astype(jnp.float32)
           * (_CUT / (_K - 1)))
    rbf = jnp.exp(-10.0 * (d[None, :] - mus) ** 2)
    cut = 0.5 * (jnp.cos(jnp.pi * jnp.clip(d, 0.0, _CUT) / _CUT) + 1.0)
    f = rbf * cut[None, :]
    w = lax.dot_general(f, wrbf_ref[...], (((0,), (0,)), ((), ())),
                        preferred_element_type=jnp.float32)
    zc = zc_ref[...]
    oh = (lax.broadcasted_iota(jnp.int32, (128, Eb), 0)
          == zc[None, :]).astype(jnp.float32)
    x = lax.dot_general(oh, emb_ref[...], (((0,), (0,)), ((), ())),
                        preferred_element_type=jnp.float32)
    out_ref[...] = x * w


def _edge_tc(d2, zc, emb_pad, wrbf, Eb=2048):
    E = d2.shape[0]
    H = wrbf.shape[1]
    grid = pl.cdiv(E, Eb)
    return pl.pallas_call(
        functools.partial(_edge_tc_body, Eb),
        grid=(grid,),
        in_specs=[
            pl.BlockSpec((Eb,), lambda i: (i,)),
            pl.BlockSpec((Eb,), lambda i: (i,)),
            pl.BlockSpec((128, H), lambda i: (0, 0)),
            pl.BlockSpec((_K, H), lambda i: (0, 0)),
        ],
        out_specs=pl.BlockSpec((Eb, H), lambda i: (i, 0)),
        out_shape=jax.ShapeDtypeStruct((E, H), jnp.float32),
    )(d2, zc, emb_pad, wrbf)


_CW = 128


def _scatter_body(Ec, c0, N, H, msg_h, dst2d_h, zeros_h, out_h,
                  idx2d_v, rows_v, rows2_v, agg_sh, sem_a, sem_b):
    c = lax.axis_index("c")
    s = lax.axis_index("s")
    wid = c * _NS + s
    nfull = Ec // (_NC * _NS * _CW)
    ntail = Ec // _CW - nfull * _NC * _NS
    base = wid * nfull * _CW
    is_tail = jnp.logical_and(c == _NC - 1, s == _NS - 1)
    nch = nfull + jnp.where(is_tail, ntail, 0)

    step = 8 * (N // (8 * _NS))
    nr = step + (N - _NS * step)
    r0 = pl.multiple_of(jnp.minimum(s * step, N - nr), 8)

    win = (nfull + ntail + 7) // 8 * 8 + 8
    row0 = c0 // _CW + wid * nfull
    wstart = pl.multiple_of(
        jnp.minimum(row0 // 8 * 8, dst2d_h.shape[0] - win), 8)
    off = row0 - wstart
    pltpu.async_copy(dst2d_h.at[pl.ds(wstart, win)], idx2d_v, sem_a)
    pltpu.sync_copy(zeros_h.at[pl.ds(r0, nr)], agg_sh.at[pl.ds(r0, nr)])
    pltpu.make_async_copy(dst2d_h.at[pl.ds(0, win)], idx2d_v, sem_a).wait()
    plsc.subcore_barrier()

    def start(j, rowsb, sem):
        pltpu.async_copy(msg_h.at[pl.ds(base + j * _CW, _CW)], rowsb, sem)

    def drain(rowsb, sem):
        pltpu.make_async_copy(msg_h.at[pl.ds(base, _CW)], rowsb, sem).wait()

    start(0, rows_v, sem_a)
    start(1, rows2_v, sem_b)

    def pair(p, carry):
        drain(rows_v, sem_a)
        pltpu.sync_copy(rows_v, agg_sh.at[idx2d_v.at[off + 2 * p]], add=True)

        @pl.when(2 * p + 2 < nch)
        def _():
            start(2 * p + 2, rows_v, sem_a)

        drain(rows2_v, sem_b)
        pltpu.sync_copy(rows2_v, agg_sh.at[idx2d_v.at[off + 2 * p + 1]], add=True)

        @pl.when(2 * p + 3 < nch)
        def _():
            start(2 * p + 3, rows2_v, sem_b)

        return carry

    lax.fori_loop(0, nch // 2, pair, 0)
    drain(rows_v, sem_a)
    pltpu.sync_copy(rows_v, agg_sh.at[idx2d_v.at[off + nch - 1]], add=True)
    plsc.subcore_barrier()

    pltpu.sync_copy(agg_sh.at[pl.ds(r0, nr)], out_h.at[c, pl.ds(r0, nr)])


def _make_scatter(Ec, c0, N, H):
    nfull = Ec // (_NC * _NS * _CW)
    ntail = Ec // _CW - nfull * _NC * _NS
    assert Ec % _CW == 0 and nfull % 2 == 1 and (nfull + ntail) % 2 == 1
    mesh = plsc.VectorSubcoreMesh(core_axis_name="c", subcore_axis_name="s")
    return pl.kernel(
        functools.partial(_scatter_body, Ec, c0, N, H),
        out_type=jax.ShapeDtypeStruct((_NC, N, H), jnp.float32),
        mesh=mesh,
        scratch_types=[
            pltpu.VMEM(((nfull + ntail + 7) // 8 * 8 + 8, _CW), jnp.int32),
            pltpu.VMEM((_CW, H), jnp.float32),
            pltpu.VMEM((_CW, H), jnp.float32),
            pltpu.VMEM_SHARED((N, H), jnp.float32),
            pltpu.SemaphoreType.DMA,
            pltpu.SemaphoreType.DMA,
        ],
    )


def _silu(t):
    return t / (1.0 + jnp.exp(-t))


def _node_tc_body(Nb, G, agg_ref, agg2_ref, z_ref, batch_ref, emb_ref,
                  w1_ref, b1_ref, wo1_ref, bo1_ref, wo2t_ref, bo2_ref,
                  out_ref):
    i = pl.program_id(0)
    agg = (agg_ref[0] + agg_ref[1]) + (agg2_ref[0] + agg2_ref[1])
    z = z_ref[...][0, 0]
    oh = (lax.broadcasted_iota(jnp.int32, (128, Nb), 0)
          == z[None, :]).astype(jnp.float32)
    x = lax.dot_general(oh, emb_ref[...], (((0,), (0,)), ((), ())),
                        preferred_element_type=jnp.float32)
    t = jnp.dot(agg, w1_ref[...],
                preferred_element_type=jnp.float32) + b1_ref[...]
    xn = x + _silu(t)
    h = _silu(jnp.dot(xn, wo1_ref[...],
                      preferred_element_type=jnp.float32) + bo1_ref[...])
    y = jnp.sum(h * wo2t_ref[...], axis=1) + bo2_ref[0, 0]
    b = batch_ref[...][0, 0]
    m = (lax.broadcasted_iota(jnp.int32, (G, Nb), 0)
         == b[None, :]).astype(jnp.float32)
    contrib = jnp.sum(m * y[None, :], axis=1, keepdims=True)

    @pl.when(i == 0)
    def _():
        out_ref[...] = jnp.zeros_like(out_ref)

    out_ref[...] += contrib


def _node_tc(aggp, aggp2, z, batch, emb_pad, w1, b1, wo1, bo1, wo2t, bo2, G,
             Nb=2000):
    N, H = aggp.shape[1], aggp.shape[2]
    grid = N // Nb
    return pl.pallas_call(
        functools.partial(_node_tc_body, Nb, G),
        grid=(grid,),
        in_specs=[
            pl.BlockSpec((_NC, Nb, H), lambda i: (0, i, 0)),
            pl.BlockSpec((_NC, Nb, H), lambda i: (0, i, 0)),
            pl.BlockSpec((1, 1, Nb), lambda i: (i, 0, 0)),
            pl.BlockSpec((1, 1, Nb), lambda i: (i, 0, 0)),
            pl.BlockSpec((128, H), lambda i: (0, 0)),
            pl.BlockSpec((H, H), lambda i: (0, 0)),
            pl.BlockSpec((1, H), lambda i: (0, 0)),
            pl.BlockSpec((H, 64), lambda i: (0, 0)),
            pl.BlockSpec((1, 64), lambda i: (0, 0)),
            pl.BlockSpec((1, 64), lambda i: (0, 0)),
            pl.BlockSpec((1, 1), lambda i: (0, 0)),
        ],
        out_specs=pl.BlockSpec((G, 1), lambda i: (0, 0)),
        out_shape=jax.ShapeDtypeStruct((G, 1), jnp.float32),
    )(aggp, aggp2, z.reshape(grid, 1, Nb), batch.reshape(grid, 1, Nb),
      emb_pad, w1, b1, wo1, bo1, wo2t, bo2)


def kernel(z, pos, batch, edge_index, emb, Wrbf, W1, b1, Wo1, bo1, Wo2, bo2):
    N = z.shape[0]
    E = edge_index.shape[1]
    H = emb.shape[1]
    G = 64

    eiflat = edge_index.astype(jnp.int32).reshape(2 * E)
    nrow = E // _CW
    nrow_pad = (nrow + 7) // 8 * 8
    dst2d = jnp.zeros((nrow_pad, _CW), jnp.int32).at[:nrow].set(
        edge_index[1].astype(jnp.int32).reshape(nrow, _CW))
    posf = pos.reshape(3 * N)
    z32 = z.astype(jnp.int32)
    emb_pad = jnp.zeros((128, H), jnp.float32).at[:emb.shape[0]].set(emb)
    zeros = jnp.zeros((N, H), jnp.float32)

    nch = 2
    ec = E // nch
    aggs = []
    for k in range(nch):
        d2, zc = _make_geom(ec, k * ec, N, E)(posf, z32, eiflat)
        msg = _edge_tc(d2, zc, emb_pad, Wrbf)
        aggs.append(_make_scatter(ec, k * ec, N, H)(msg, dst2d, zeros))
    out = _node_tc(aggs[0], aggs[1], z32, batch.astype(jnp.int32),
                   emb_pad, W1, b1.reshape(1, H), Wo1, bo1.reshape(1, 64),
                   Wo2.reshape(1, 64), bo2.reshape(1, 1), G)
    return out

# --- scband reference (transcript-rebuilt; emitter-appended) ---
"""Pipeline reference for scband-torch-md-net-83459804496034 (READ-ONLY COPY).

The authoritative reference and input builder live on the scoring server;
editing this copy changes nothing except your own understanding.
"""

import jax, jax.numpy as jnp
import numpy as np

N = 10000       # n_nodes
E = 320000      # n_edges (avg_degree 32)
H = 128         # hidden_channels
K = 32          # rbf basis size
G = 64          # number of graphs in batch
MAXZ = 100      # max atomic number (max_z)
CUT = 5.0       # cutoff_upper


def setup_inputs(seed: int = 0) -> dict:
    key = jax.random.key(seed)
    ks = jax.random.split(key, 12)
    z = jax.random.randint(ks[0], (N,), 0, MAXZ)
    pos = jax.random.normal(ks[1], (N, 3), dtype=jnp.float32) * 3.0
    batch = jnp.sort(jax.random.randint(ks[2], (N,), 0, G))
    edge_index = jax.random.randint(ks[3], (2, E), 0, N)
    # learned parameters (canonical SchNet-style representation + scalar output head)
    emb = jax.random.normal(ks[4], (MAXZ, H), dtype=jnp.float32) * 0.1
    Wrbf = jax.random.normal(ks[5], (K, H), dtype=jnp.float32) * 0.1
    W1 = jax.random.normal(ks[6], (H, H), dtype=jnp.float32) * 0.05
    b1 = jnp.zeros((H,), dtype=jnp.float32)
    Wo1 = jax.random.normal(ks[7], (H, 64), dtype=jnp.float32) * 0.05
    bo1 = jnp.zeros((64,), dtype=jnp.float32)
    Wo2 = jax.random.normal(ks[8], (64, 1), dtype=jnp.float32) * 0.05
    bo2 = jnp.zeros((1,), dtype=jnp.float32)
    return {"z": z, "pos": pos, "batch": batch, "edge_index": edge_index,
            "emb": emb, "Wrbf": Wrbf, "W1": W1, "b1": b1,
            "Wo1": Wo1, "bo1": bo1, "Wo2": Wo2, "bo2": bo2}


def reference(z, pos, batch, edge_index, emb, Wrbf, W1, b1, Wo1, bo1, Wo2, bo2):
    src = edge_index[0]
    dst = edge_index[1]
    # representation_model: atom embedding + one radial message-passing interaction
    x = jnp.take(emb, z, axis=0)                              # gather [N, H]
    vec = pos[src] - pos[dst]                                 # gather [E, 3]
    d = jnp.sqrt(jnp.sum(vec * vec, axis=-1) + 1e-9)          # edge_weight [E]
    mus = jnp.linspace(0.0, CUT, K)
    rbf = jnp.exp(-10.0 * (d[:, None] - mus[None, :]) ** 2)   # [E, K]
    # cosine cutoff_function(edge_weight, cutoff_upper)
    cutoff = 0.5 * (jnp.cos(jnp.pi * jnp.clip(d, 0.0, CUT) / CUT) + 1.0)
    W_e = (rbf @ Wrbf) * cutoff[:, None]                      # [E, H]
    msg = jnp.take(x, src, axis=0) * W_e                      # gather + mul [E, H]
    agg = jax.ops.segment_sum(msg, dst, num_segments=N)       # scatter-add [N, H]
    x = x + jax.nn.silu(agg @ W1 + b1)
    # output_model.pre_reduce: per-atom scalar head
    h = jax.nn.silu(x @ Wo1 + bo1)
    y_atom = h @ Wo2 + bo2                                    # [N, 1]
    # scatter(x, batch, reduce='add') over graphs; post_reduce is identity
    out = jax.ops.segment_sum(y_atom, batch, num_segments=G)  # [G, 1]
    return out

if __name__ == "__main__":
    import jax
    _d = setup_inputs()
    print(jax.jit(kernel)(*tuple(_d.values())))

</pallas_src>

<mosaic_0001>
#map = affine_map<(d0, d1) -> (0)>
module attributes {stable_mosaic.version = 14 : i64} {
  func.func @_geom_body(%arg0: i32, %arg1: i32, %arg2: memref<30000xf32, #tpu.memory_space<hbm>>, %arg3: memref<10000xi32, #tpu.memory_space<hbm>>, %arg4: memref<640000xi32, #tpu.memory_space<hbm>>, %arg5: memref<160000xf32, #tpu.memory_space<hbm>>, %arg6: memref<160000xi32, #tpu.memory_space<hbm>>, %arg7: memref<30000xf32, #tpu.memory_space<vmem>>, %arg8: memref<10000xi32, #tpu.memory_space<vmem>>, %arg9: memref<5008xi32, #tpu.memory_space<vmem>>, %arg10: memref<5008xi32, #tpu.memory_space<vmem>>, %arg11: memref<5008xf32, #tpu.memory_space<vmem>>, %arg12: memref<5008xi32, #tpu.memory_space<vmem>>) attributes {dimension_semantics = [#tpu.dimension_semantics<core_parallel>, #tpu.dimension_semantics<subcore_parallel>], iteration_bounds = array<i64: 2, 16>, scalar_prefetch = 0 : i64, scratch_operands = 6 : i64, tpu.core_type = #tpu.core_type<sc_vector_subcore>, window_params = [{transform_indices = #map}, {transform_indices = #map}, {transform_indices = #map}, {transform_indices = #map}, {transform_indices = #map}]} {
    %mul3A = arith.constant 16 : i32
    %mul3A_0 = arith.muli %arg0, %mul3A : i32
    %add3A = arith.addi %mul3A_0, %arg1 : i32
    %mul3A_1 = arith.constant 5000 : i32
    %mul3A_2 = arith.muli %add3A, %mul3A_1 : i32
    "tpu.region"() ({
      %run_scoped3A = tpu.sem_alloc : memref<!tpu.dma_semaphore, #tpu.memory_space<semaphore_mem>>
      tpu.enqueue_dma source(%arg2 : memref<30000xf32, #tpu.memory_space<hbm>>) target(%arg7 : memref<30000xf32, #tpu.memory_space<vmem>>) target_semaphore(%run_scoped3A : memref<!tpu.dma_semaphore, #tpu.memory_space<semaphore_mem>>)
      tpu.wait_dma2 semaphore(%run_scoped3A : memref<!tpu.dma_semaphore, #tpu.memory_space<semaphore_mem>>) src(%arg2 : memref<30000xf32, #tpu.memory_space<hbm>>) dst(%arg7 : memref<30000xf32, #tpu.memory_space<vmem>>)
      tpu.yield
    }) : () -> ()
    "tpu.region"() ({
      %run_scoped3A = tpu.sem_alloc : memref<!tpu.dma_semaphore, #tpu.memory_space<semaphore_mem>>
      tpu.enqueue_dma source(%arg3 : memref<10000xi32, #tpu.memory_space<hbm>>) target(%arg8 : memref<10000xi32, #tpu.memory_space<vmem>>) target_semaphore(%run_scoped3A : memref<!tpu.dma_semaphore, #tpu.memory_space<semaphore_mem>>)
      tpu.wait_dma2 semaphore(%run_scoped3A : memref<!tpu.dma_semaphore, #tpu.memory_space<semaphore_mem>>) src(%arg3 : memref<10000xi32, #tpu.memory_space<hbm>>) dst(%arg8 : memref<10000xi32, #tpu.memory_space<vmem>>)
      tpu.yield
    }) : () -> ()
    %add3A_3 = arith.constant 160000 : i32
    %add3A_4 = arith.addi %add3A_3, %mul3A_2 : i32
    "tpu.region"() ({
      %run_scoped3A = tpu.sem_alloc : memref<!tpu.dma_semaphore, #tpu.memory_space<semaphore_mem>>
      %dma_start3A = arith.constant 0 : i32
      %dma_start3A_12 = tpu.memref_slice %arg9[%dma_start3A] : memref<5008xi32, #tpu.memory_space<vmem>> -> memref<5000xi32, #tpu.memory_space<vmem>>
      %dma_start3A_13 = tpu.memref_slice %arg4[%add3A_4] : memref<640000xi32, #tpu.memory_space<hbm>> -> memref<5000xi32, #tpu.memory_space<hbm>>
      %dma_start3A_14 = arith.constant 0 : i32
      %dma_start3A_15 = tpu.memref_slice %arg9[%dma_start3A_14] : memref<5008xi32, #tpu.memory_space<vmem>> -> memref<5000xi32, #tpu.memory_space<vmem>>
      %dma_start3A_16 = tpu.memref_slice %arg4[%add3A_4] : memref<640000xi32, #tpu.memory_space<hbm>> -> memref<5000xi32, #tpu.memory_space<hbm>>
      tpu.enqueue_dma source(%dma_start3A_16 : memref<5000xi32, #tpu.memory_space<hbm>>) target(%dma_start3A_15 : memref<5000xi32, #tpu.memory_space<vmem>>) target_semaphore(%run_scoped3A : memref<!tpu.dma_semaphore, #tpu.memory_space<semaphore_mem>>)
      %dma_wait3A = arith.constant 0 : i32
      %dma_wait3A_17 = tpu.memref_slice %arg9[%dma_wait3A] : memref<5008xi32, #tpu.memory_space<vmem>> -> memref<5000xi32, #tpu.memory_space<vmem>>
      %dma_wait3A_18 = tpu.memref_slice %arg4[%add3A_4] : memref<640000xi32, #tpu.memory_space<hbm>> -> memref<5000xi32, #tpu.memory_space<hbm>>
      %dma_wait3A_19 = arith.constant 0 : i32
      %dma_wait3A_20 = tpu.memref_slice %arg9[%dma_wait3A_19] : memref<5008xi32, #tpu.memory_space<vmem>> -> memref<5000xi32, #tpu.memory_space<vmem>>
      %dma_wait3A_21 = tpu.memref_slice %arg4[%add3A_4] : memref<640000xi32, #tpu.memory_space<hbm>> -> memref<5000xi32, #tpu.memory_space<hbm>>
      tpu.wait_dma2 semaphore(%run_scoped3A : memref<!tpu.dma_semaphore, #tpu.memory_space<semaphore_mem>>) src(%dma_wait3A_21 : memref<5000xi32, #tpu.memory_space<hbm>>) dst(%dma_wait3A_20 : memref<5000xi32, #tpu.memory_space<vmem>>)
      tpu.yield
    }) : () -> ()
    %add3A_5 = arith.constant 480000 : i32
    %add3A_6 = arith.addi %add3A_5, %mul3A_2 : i32
    "tpu.region"() ({
      %run_scoped3A = tpu.sem_alloc : memref<!tpu.dma_semaphore, #tpu.memory_space<semaphore_mem>>
      %dma_start3A = arith.constant 0 : i32
      %dma_start3A_12 = tpu.memref_slice %arg10[%dma_start3A] : memref<5008xi32, #tpu.memory_space<vmem>> -> memref<5000xi32, #tpu.memory_space<vmem>>
      %dma_start3A_13 = tpu.memref_slice %arg4[%add3A_6] : memref<640000xi32, #tpu.memory_space<hbm>> -> memref<5000xi32, #tpu.memory_space<hbm>>
      %dma_start3A_14 = arith.constant 0 : i32
      %dma_start3A_15 = tpu.memref_slice %arg10[%dma_start3A_14] : memref<5008xi32, #tpu.memory_space<vmem>> -> memref<5000xi32, #tpu.memory_space<vmem>>
      %dma_start3A_16 = tpu.memref_slice %arg4[%add3A_6] : memref<640000xi32, #tpu.memory_space<hbm>> -> memref<5000xi32, #tpu.memory_space<hbm>>
      tpu.enqueue_dma source(%dma_start3A_16 : memref<5000xi32, #tpu.memory_space<hbm>>) target(%dma_start3A_15 : memref<5000xi32, #tpu.memory_space<vmem>>) target_semaphore(%run_scoped3A : memref<!tpu.dma_semaphore, #tpu.memory_space<semaphore_mem>>)
      %dma_wait3A = arith.constant 0 : i32
      %dma_wait3A_17 = tpu.memref_slice %arg10[%dma_wait3A] : memref<5008xi32, #tpu.memory_space<vmem>> -> memref<5000xi32, #tpu.memory_space<vmem>>
      %dma_wait3A_18 = tpu.memref_slice %arg4[%add3A_6] : memref<640000xi32, #tpu.memory_space<hbm>> -> memref<5000xi32, #tpu.memory_space<hbm>>
      %dma_wait3A_19 = arith.constant 0 : i32
      %dma_wait3A_20 = tpu.memref_slice %arg10[%dma_wait3A_19] : memref<5008xi32, #tpu.memory_space<vmem>> -> memref<5000xi32, #tpu.memory_space<vmem>>
      %dma_wait3A_21 = tpu.memref_slice %arg4[%add3A_6] : memref<640000xi32, #tpu.memory_space<hbm>> -> memref<5000xi32, #tpu.memory_space<hbm>>
      tpu.wait_dma2 semaphore(%run_scoped3A : memref<!tpu.dma_semaphore, #tpu.memory_space<semaphore_mem>>) src(%dma_wait3A_21 : memref<5000xi32, #tpu.memory_space<hbm>>) dst(%dma_wait3A_20 : memref<5000xi32, #tpu.memory_space<vmem>>)
      tpu.yield
    }) : () -> ()
    %scan3A = arith.constant 0 : i32
    %scan3A_7 = arith.constant 0 : i32
    %scan3A_8 = arith.constant 313 : i32
    %scan3A_9 = arith.addi %scan3A_7, %scan3A_8 : i32
    %scan3A_10 = arith.constant 1 : i32
    scf.for %scan3A_12 = %scan3A_7 to %scan3A_9 step %scan3A_10  : i32 {
      %mul3A_13 = arith.constant 16 : i32
      %mul3A_14 = arith.muli %scan3A_12, %mul3A_13 : i32
      %get3A = arith.index_cast %mul3A_14 : i32 to index
      %get3A_15 = tpu.vector_load %arg9[%get3A] {strides = array<i32>} : memref<5008xi32, #tpu.memory_space<vmem>>, vector<16xi32>,
      %jit3A = arith.constant 0 : i32
      %jit3A_16 = arith.constant 9999 : i32
      %max3A = vector.broadcast %jit3A : i32 to vector<16xi32>
      %max3A_17 = arith.maxsi %max3A, %get3A_15 : vector<16xi32>
      %min3A = vector.broadcast %jit3A_16 : i32 to vector<16xi32>
      %min3A_18 = arith.minsi %min3A, %max3A_17 : vector<16xi32>
      %get3A_19 = arith.index_cast %mul3A_14 : i32 to index
      %get3A_20 = tpu.vector_load %arg10[%get3A_19] {strides = array<i32>} : memref<5008xi32, #tpu.memory_space<vmem>>, vector<16xi32>,
      %jit3A_21 = arith.constant 0 : i32
      %jit3A_22 = arith.constant 9999 : i32
      %max3A_23 = vector.broadcast %jit3A_21 : i32 to vector<16xi32>
      %max3A_24 = arith.maxsi %max3A_23, %get3A_20 : vector<16xi32>
      %min3A_25 = vector.broadcast %jit3A_22 : i32 to vector<16xi32>
      %min3A_26 = arith.minsi %min3A_25, %max3A_24 : vector<16xi32>
      %mul3A_27 = arith.constant 3 : i32
      %mul3A_28 = vector.broadcast %mul3A_27 : i32 to vector<16xi32>
      %mul3A_29 = arith.muli %min3A_26, %mul3A_28 : vector<16xi32>
      %mul3A_30 = arith.constant 3 : i32
      %mul3A_31 = vector.broadcast %mul3A_30 : i32 to vector<16xi32>
      %mul3A_32 = arith.muli %min3A_18, %mul3A_31 : vector<16xi32>
      %gather3A = tpu.vector_load_idx %arg7[%mul3A_32] : memref<30000xf32, #tpu.memory_space<vmem>>[vector<16xi32>], vector<16xf32>,
      %gather3A_33 = tpu.vector_load_idx %arg7[%mul3A_29] : memref<30000xf32, #tpu.memory_space<vmem>>[vector<16xi32>], vector<16xf32>,
      %sub3A = arith.subf %gather3A, %gather3A_33 : vector<16xf32>
      %add3A_34 = arith.constant 1 : i32
      %add3A_35 = vector.broadcast %add3A_34 : i32 to vector<16xi32>
      %add3A_36 = arith.addi %mul3A_32, %add3A_35 : vector<16xi32>
      %gather3A_37 = tpu.vector_load_idx %arg7[%add3A_36] : memref<30000xf32, #tpu.memory_space<vmem>>[vector<16xi32>], vector<16xf32>,
      %add3A_38 = arith.constant 1 : i32
      %add3A_39 = vector.broadcast %add3A_38 : i32 to vector<16xi32>
      %add3A_40 = arith.addi %mul3A_29, %add3A_39 : vector<16xi32>
      %gather3A_41 = tpu.vector_load_idx %arg7[%add3A_40] : memref<30000xf32, #tpu.memory_space<vmem>>[vector<16xi32>], vector<16xf32>,
      %sub3A_42 = arith.subf %gather3A_37, %gather3A_41 : vector<16xf32>
      %add3A_43 = arith.constant 2 : i32
      %add3A_44 = vector.broadcast %add3A_43 : i32 to vector<16xi32>
      %add3A_45 = arith.addi %mul3A_32, %add3A_44 : vector<16xi32>
      %gather3A_46 = tpu.vector_load_idx %arg7[%add3A_45] : memref<30000xf32, #tpu.memory_space<vmem>>[vector<16xi32>], vector<16xf32>,
      %add3A_47 = arith.constant 2 : i32
      %add3A_48 = vector.broadcast %add3A_47 : i32 to vector<16xi32>
      %add3A_49 = arith.addi %mul3A_29, %add3A_48 : vector<16xi32>
      %gather3A_50 = tpu.vector_load_idx %arg7[%add3A_49] : memref<30000xf32, #tpu.memory_space<vmem>>[vector<16xi32>], vector<16xf32>,
      %sub3A_51 = arith.subf %gather3A_46, %gather3A_50 : vector<16xf32>
      %mul3A_52 = arith.mulf %sub3A, %sub3A : vector<16xf32>
      %mul3A_53 = arith.mulf %sub3A_42, %sub3A_42 : vector<16xf32>
      %add3A_54 = arith.addf %mul3A_52, %mul3A_53 : vector<16xf32>
      %mul3A_55 = arith.mulf %sub3A_51, %sub3A_51 : vector<16xf32>
      %add3A_56 = arith.addf %add3A_54, %mul3A_55 : vector<16xf32>
      %swap3A = arith.index_cast %mul3A_14 : i32 to index
      %swap3A_57 = tpu.vector_load %arg11[%swap3A] {strides = array<i32>} : memref<5008xf32, #tpu.memory_space<vmem>>, vector<16xf32>,
      tpu.vector_store %arg11[%swap3A], %add3A_56 {strides = array<i32>} : memref<5008xf32, #tpu.memory_space<vmem>>, vector<16xf32>,
      %gather3A_58 = tpu.vector_load_idx %arg8[%min3A_18] : memref<10000xi32, #tpu.memory_space<vmem>>[vector<16xi32>], vector<16xi32>,
      %swap3A_59 = arith.index_cast %mul3A_14 : i32 to index
      %swap3A_60 = tpu.vector_load %arg12[%swap3A_59] {strides = array<i32>} : memref<5008xi32, #tpu.memory_space<vmem>>, vector<16xi32>,
      tpu.vector_store %arg12[%swap3A_59], %gather3A_58 {strides = array<i32>} : memref<5008xi32, #tpu.memory_space<vmem>>, vector<16xi32>,
    }
    %scan3A_11 = arith.constant 313 : i32
    "tpu.region"() ({
      %run_scoped3A = tpu.sem_alloc : memref<!tpu.dma_semaphore, #tpu.memory_space<semaphore_mem>>
      %dma_start3A = arith.constant 0 : i32
      %dma_start3A_12 = tpu.memref_slice %arg11[%dma_start3A] : memref<5008xf32, #tpu.memory_space<vmem>> -> memref<5000xf32, #tpu.memory_space<vmem>>
      %dma_start3A_13 = tpu.memref_slice %arg5[%mul3A_2] : memref<160000xf32, #tpu.memory_space<hbm>> -> memref<5000xf32, #tpu.memory_space<hbm>>
      %dma_start3A_14 = tpu.memref_slice %arg5[%mul3A_2] : memref<160000xf32, #tpu.memory_space<hbm>> -> memref<5000xf32, #tpu.memory_space<hbm>>
      %dma_start3A_15 = arith.constant 0 : i32
      %dma_start3A_16 = tpu.memref_slice %arg11[%dma_start3A_15] : memref<5008xf32, #tpu.memory_space<vmem>> -> memref<5000xf32, #tpu.memory_space<vmem>>
      tpu.enqueue_dma source(%dma_start3A_16 : memref<5000xf32, #tpu.memory_space<vmem>>) target(%dma_start3A_14 : memref<5000xf32, #tpu.memory_space<hbm>>) target_semaphore(%run_scoped3A : memref<!tpu.dma_semaphore, #tpu.memory_space<semaphore_mem>>)
      %dma_wait3A = arith.constant 0 : i32
      %dma_wait3A_17 = tpu.memref_slice %arg11[%dma_wait3A] : memref<5008xf32, #tpu.memory_space<vmem>> -> memref<5000xf32, #tpu.memory_space<vmem>>
      %dma_wait3A_18 = tpu.memref_slice %arg5[%mul3A_2] : memref<160000xf32, #tpu.memory_space<hbm>> -> memref<5000xf32, #tpu.memory_space<hbm>>
      %dma_wait3A_19 = tpu.memref_slice %arg5[%mul3A_2] : memref<160000xf32, #tpu.memory_space<hbm>> -> memref<5000xf32, #tpu.memory_space<hbm>>
      %dma_wait3A_20 = arith.constant 0 : i32
      %dma_wait3A_21 = tpu.memref_slice %arg11[%dma_wait3A_20] : memref<5008xf32, #tpu.memory_space<vmem>> -> memref<5000xf32, #tpu.memory_space<vmem>>
      tpu.wait_dma2 semaphore(%run_scoped3A : memref<!tpu.dma_semaphore, #tpu.memory_space<semaphore_mem>>) src(%dma_wait3A_21 : memref<5000xf32, #tpu.memory_space<vmem>>) dst(%dma_wait3A_19 : memref<5000xf32, #tpu.memory_space<hbm>>)
      tpu.yield
    }) : () -> ()
    "tpu.region"() ({
      %run_scoped3A = tpu.sem_alloc : memref<!tpu.dma_semaphore, #tpu.memory_space<semaphore_mem>>
      %dma_start3A = arith.constant 0 : i32
      %dma_start3A_12 = tpu.memref_slice %arg12[%dma_start3A] : memref<5008xi32, #tpu.memory_space<vmem>> -> memref<5000xi32, #tpu.memory_space<vmem>>
      %dma_start3A_13 = tpu.memref_slice %arg6[%mul3A_2] : memref<160000xi32, #tpu.memory_space<hbm>> -> memref<5000xi32, #tpu.memory_space<hbm>>
      %dma_start3A_14 = tpu.memref_slice %arg6[%mul3A_2] : memref<160000xi32, #tpu.memory_space<hbm>> -> memref<5000xi32, #tpu.memory_space<hbm>>
      %dma_start3A_15 = arith.constant 0 : i32
      %dma_start3A_16 = tpu.memref_slice %arg12[%dma_start3A_15] : memref<5008xi32, #tpu.memory_space<vmem>> -> memref<5000xi32, #tpu.memory_space<vmem>>
      tpu.enqueue_dma source(%dma_start3A_16 : memref<5000xi32, #tpu.memory_space<vmem>>) target(%dma_start3A_14 : memref<5000xi32, #tpu.memory_space<hbm>>) target_semaphore(%run_scoped3A : memref<!tpu.dma_semaphore, #tpu.memory_space<semaphore_mem>>)
      %dma_wait3A = arith.constant 0 : i32
      %dma_wait3A_17 = tpu.memref_slice %arg12[%dma_wait3A] : memref<5008xi32, #tpu.memory_space<vmem>> -> memref<5000xi32, #tpu.memory_space<vmem>>
      %dma_wait3A_18 = tpu.memref_slice %arg6[%mul3A_2] : memref<160000xi32, #tpu.memory_space<hbm>> -> memref<5000xi32, #tpu.memory_space<hbm>>
      %dma_wait3A_19 = tpu.memref_slice %arg6[%mul3A_2] : memref<160000xi32, #tpu.memory_space<hbm>> -> memref<5000xi32, #tpu.memory_space<hbm>>
      %dma_wait3A_20 = arith.constant 0 : i32
      %dma_wait3A_21 = tpu.memref_slice %arg12[%dma_wait3A_20] : memref<5008xi32, #tpu.memory_space<vmem>> -> memref<5000xi32, #tpu.memory_space<vmem>>
      tpu.wait_dma2 semaphore(%run_scoped3A : memref<!tpu.dma_semaphore, #tpu.memory_space<semaphore_mem>>) src(%dma_wait3A_21 : memref<5000xi32, #tpu.memory_space<vmem>>) dst(%dma_wait3A_19 : memref<5000xi32, #tpu.memory_space<hbm>>)
      tpu.yield
    }) : () -> ()
    return
  }
}

#map = affine_map<(d0, d1) -> (0)>
module attributes {stable_mosaic.version = 14 : i64} {
  func.func @_geom_body(%arg0: i32, %arg1: i32, %arg2: memref<30000xf32, #tpu.memory_space<hbm>>, %arg3: memref<10000xi32, #tpu.memory_space<hbm>>, %arg4: memref<640000xi32, #tpu.memory_space<hbm>>, %arg5: memref<160000xf32, #tpu.memory_space<hbm>>, %arg6: memref<160000xi32, #tpu.memory_space<hbm>>, %arg7: memref<30000xf32, #tpu.memory_space<vmem>>, %arg8: memref<10000xi32, #tpu.memory_space<vmem>>, %arg9: memref<5008xi32, #tpu.memory_space<vmem>>, %arg10: memref<5008xi32, #tpu.memory_space<vmem>>, %arg11: memref<5008xf32, #tpu.memory_space<vmem>>, %arg12: memref<5008xi32, #tpu.memory_space<vmem>>) attributes {dimension_semantics = [#tpu.dimension_semantics<core_parallel>, #tpu.dimension_semantics<subcore_parallel>], iteration_bounds = array<i64: 2, 16>, scalar_prefetch = 0 : i64, scratch_operands = 6 : i64, tpu.core_type = #tpu.core_type<sc_vector_subcore>, window_params = [{transform_indices = #map}, {transform_indices = #map}, {transform_indices = #map}, {transform_indices = #map}, {transform_indices = #map}]} {
    %mul3A = arith.constant 16 : i32
    %mul3A_0 = arith.muli %arg0, %mul3A : i32
    %add3A = arith.addi %mul3A_0, %arg1 : i32
    %mul3A_1 = arith.constant 5000 : i32
    %mul3A_2 = arith.muli %add3A, %mul3A_1 : i32
    "tpu.region"() ({
      %run_scoped3A = tpu.sem_alloc : memref<!tpu.dma_semaphore, #tpu.memory_space<semaphore_mem>>
      tpu.enqueue_dma source(%arg2 : memref<30000xf32, #tpu.memory_space<hbm>>) target(%arg7 : memref<30000xf32, #tpu.memory_space<vmem>>) target_semaphore(%run_scoped3A : memref<!tpu.dma_semaphore, #tpu.memory_space<semaphore_mem>>)
      tpu.wait_dma2 semaphore(%run_scoped3A : memref<!tpu.dma_semaphore, #tpu.memory_space<semaphore_mem>>) src(%arg2 : memref<30000xf32, #tpu.memory_space<hbm>>) dst(%arg7 : memref<30000xf32, #tpu.memory_space<vmem>>)
      tpu.yield
    }) : () -> ()
    "tpu.region"() ({
      %run_scoped3A = tpu.sem_alloc : memref<!tpu.dma_semaphore, #tpu.memory_space<semaphore_mem>>
      tpu.enqueue_dma source(%arg3 : memref<10000xi32, #tpu.memory_space<hbm>>) target(%arg8 : memref<10000xi32, #tpu.memory_space<vmem>>) target_semaphore(%run_scoped3A : memref<!tpu.dma_semaphore, #tpu.memory_space<semaphore_mem>>)
      tpu.wait_dma2 semaphore(%run_scoped3A : memref<!tpu.dma_semaphore, #tpu.memory_space<semaphore_mem>>) src(%arg3 : memref<10000xi32, #tpu.memory_space<hbm>>) dst(%arg8 : memref<10000xi32, #tpu.memory_space<vmem>>)
      tpu.yield
    }) : () -> ()
    %add3A_3 = arith.constant 0 : i32
    %add3A_4 = arith.addi %add3A_3, %mul3A_2 : i32
    "tpu.region"() ({
      %run_scoped3A = tpu.sem_alloc : memref<!tpu.dma_semaphore, #tpu.memory_space<semaphore_mem>>
      %dma_start3A = arith.constant 0 : i32
      %dma_start3A_12 = tpu.memref_slice %arg9[%dma_start3A] : memref<5008xi32, #tpu.memory_space<vmem>> -> memref<5000xi32, #tpu.memory_space<vmem>>
      %dma_start3A_13 = tpu.memref_slice %arg4[%add3A_4] : memref<640000xi32, #tpu.memory_space<hbm>> -> memref<5000xi32, #tpu.memory_space<hbm>>
      %dma_start3A_14 = arith.constant 0 : i32
      %dma_start3A_15 = tpu.memref_slice %arg9[%dma_start3A_14] : memref<5008xi32, #tpu.memory_space<vmem>> -> memref<5000xi32, #tpu.memory_space<vmem>>
      %dma_start3A_16 = tpu.memref_slice %arg4[%add3A_4] : memref<640000xi32, #tpu.memory_space<hbm>> -> memref<5000xi32, #tpu.memory_space<hbm>>
      tpu.enqueue_dma source(%dma_start3A_16 : memref<5000xi32, #tpu.memory_space<hbm>>) target(%dma_start3A_15 : memref<5000xi32, #tpu.memory_space<vmem>>) target_semaphore(%run_scoped3A : memref<!tpu.dma_semaphore, #tpu.memory_space<semaphore_mem>>)
      %dma_wait3A = arith.constant 0 : i32
      %dma_wait3A_17 = tpu.memref_slice %arg9[%dma_wait3A] : memref<5008xi32, #tpu.memory_space<vmem>> -> memref<5000xi32, #tpu.memory_space<vmem>>
      %dma_wait3A_18 = tpu.memref_slice %arg4[%add3A_4] : memref<640000xi32, #tpu.memory_space<hbm>> -> memref<5000xi32, #tpu.memory_space<hbm>>
      %dma_wait3A_19 = arith.constant 0 : i32
      %dma_wait3A_20 = tpu.memref_slice %arg9[%dma_wait3A_19] : memref<5008xi32, #tpu.memory_space<vmem>> -> memref<5000xi32, #tpu.memory_space<vmem>>
      %dma_wait3A_21 = tpu.memref_slice %arg4[%add3A_4] : memref<640000xi32, #tpu.memory_space<hbm>> -> memref<5000xi32, #tpu.memory_space<hbm>>
      tpu.wait_dma2 semaphore(%run_scoped3A : memref<!tpu.dma_semaphore, #tpu.memory_space<semaphore_mem>>) src(%dma_wait3A_21 : memref<5000xi32, #tpu.memory_space<hbm>>) dst(%dma_wait3A_20 : memref<5000xi32, #tpu.memory_space<vmem>>)
      tpu.yield
    }) : () -> ()
    %add3A_5 = arith.constant 320000 : i32
    %add3A_6 = arith.addi %add3A_5, %mul3A_2 : i32
    "tpu.region"() ({
      %run_scoped3A = tpu.sem_alloc : memref<!tpu.dma_semaphore, #tpu.memory_space<semaphore_mem>>
      %dma_start3A = arith.constant 0 : i32
      %dma_start3A_12 = tpu.memref_slice %arg10[%dma_start3A] : memref<5008xi32, #tpu.memory_space<vmem>> -> memref<5000xi32, #tpu.memory_space<vmem>>
      %dma_start3A_13 = tpu.memref_slice %arg4[%add3A_6] : memref<640000xi32, #tpu.memory_space<hbm>> -> memref<5000xi32, #tpu.memory_space<hbm>>
      %dma_start3A_14 = arith.constant 0 : i32
      %dma_start3A_15 = tpu.memref_slice %arg10[%dma_start3A_14] : memref<5008xi32, #tpu.memory_space<vmem>> -> memref<5000xi32, #tpu.memory_space<vmem>>
      %dma_start3A_16 = tpu.memref_slice %arg4[%add3A_6] : memref<640000xi32, #tpu.memory_space<hbm>> -> memref<5000xi32, #tpu.memory_space<hbm>>
      tpu.enqueue_dma source(%dma_start3A_16 : memref<5000xi32, #tpu.memory_space<hbm>>) target(%dma_start3A_15 : memref<5000xi32, #tpu.memory_space<vmem>>) target_semaphore(%run_scoped3A : memref<!tpu.dma_semaphore, #tpu.memory_space<semaphore_mem>>)
      %dma_wait3A = arith.constant 0 : i32
      %dma_wait3A_17 = tpu.memref_slice %arg10[%dma_wait3A] : memref<5008xi32, #tpu.memory_space<vmem>> -> memref<5000xi32, #tpu.memory_space<vmem>>
      %dma_wait3A_18 = tpu.memref_slice %arg4[%add3A_6] : memref<640000xi32, #tpu.memory_space<hbm>> -> memref<5000xi32, #tpu.memory_space<hbm>>
      %dma_wait3A_19 = arith.constant 0 : i32
      %dma_wait3A_20 = tpu.memref_slice %arg10[%dma_wait3A_19] : memref<5008xi32, #tpu.memory_space<vmem>> -> memref<5000xi32, #tpu.memory_space<vmem>>
      %dma_wait3A_21 = tpu.memref_slice %arg4[%add3A_6] : memref<640000xi32, #tpu.memory_space<hbm>> -> memref<5000xi32, #tpu.memory_space<hbm>>
      tpu.wait_dma2 semaphore(%run_scoped3A : memref<!tpu.dma_semaphore, #tpu.memory_space<semaphore_mem>>) src(%dma_wait3A_21 : memref<5000xi32, #tpu.memory_space<hbm>>) dst(%dma_wait3A_20 : memref<5000xi32, #tpu.memory_space<vmem>>)
      tpu.yield
    }) : () -> ()
    %scan3A = arith.constant 0 : i32
    %scan3A_7 = arith.constant 0 : i32
    %scan3A_8 = arith.constant 313 : i32
    %scan3A_9 = arith.addi %scan3A_7, %scan3A_8 : i32
    %scan3A_10 = arith.constant 1 : i32
    scf.for %scan3A_12 = %scan3A_7 to %scan3A_9 step %scan3A_10  : i32 {
      %mul3A_13 = arith.constant 16 : i32
      %mul3A_14 = arith.muli %scan3A_12, %mul3A_13 : i32
      %get3A = arith.index_cast %mul3A_14 : i32 to index
      %get3A_15 = tpu.vector_load %arg9[%get3A] {strides = array<i32>} : memref<5008xi32, #tpu.memory_space<vmem>>, vector<16xi32>,
      %jit3A = arith.constant 0 : i32
      %jit3A_16 = arith.constant 9999 : i32
      %max3A = vector.broadcast %jit3A : i32 to vector<16xi32>
      %max3A_17 = arith.maxsi %max3A, %get3A_15 : vector<16xi32>
      %min3A = vector.broadcast %jit3A_16 : i32 to vector<16xi32>
      %min3A_18 = arith.minsi %min3A, %max3A_17 : vector<16xi32>
      %get3A_19 = arith.index_cast %mul3A_14 : i32 to index
      %get3A_20 = tpu.vector_load %arg10[%get3A_19] {strides = array<i32>} : memref<5008xi32, #tpu.memory_space<vmem>>, vector<16xi32>,
      %jit3A_21 = arith.constant 0 : i32
      %jit3A_22 = arith.constant 9999 : i32
      %max3A_23 = vector.broadcast %jit3A_21 : i32 to vector<16xi32>
      %max3A_24 = arith.maxsi %max3A_23, %get3A_20 : vector<16xi32>
      %min3A_25 = vector.broadcast %jit3A_22 : i32 to vector<16xi32>
      %min3A_26 = arith.minsi %min3A_25, %max3A_24 : vector<16xi32>
      %mul3A_27 = arith.constant 3 : i32
      %mul3A_28 = vector.broadcast %mul3A_27 : i32 to vector<16xi32>
      %mul3A_29 = arith.muli %min3A_26, %mul3A_28 : vector<16xi32>
      %mul3A_30 = arith.constant 3 : i32
      %mul3A_31 = vector.broadcast %mul3A_30 : i32 to vector<16xi32>
      %mul3A_32 = arith.muli %min3A_18, %mul3A_31 : vector<16xi32>
      %gather3A = tpu.vector_load_idx %arg7[%mul3A_32] : memref<30000xf32, #tpu.memory_space<vmem>>[vector<16xi32>], vector<16xf32>,
      %gather3A_33 = tpu.vector_load_idx %arg7[%mul3A_29] : memref<30000xf32, #tpu.memory_space<vmem>>[vector<16xi32>], vector<16xf32>,
      %sub3A = arith.subf %gather3A, %gather3A_33 : vector<16xf32>
      %add3A_34 = arith.constant 1 : i32
      %add3A_35 = vector.broadcast %add3A_34 : i32 to vector<16xi32>
      %add3A_36 = arith.addi %mul3A_32, %add3A_35 : vector<16xi32>
      %gather3A_37 = tpu.vector_load_idx %arg7[%add3A_36] : memref<30000xf32, #tpu.memory_space<vmem>>[vector<16xi32>], vector<16xf32>,
      %add3A_38 = arith.constant 1 : i32
      %add3A_39 = vector.broadcast %add3A_38 : i32 to vector<16xi32>
      %add3A_40 = arith.addi %mul3A_29, %add3A_39 : vector<16xi32>
      %gather3A_41 = tpu.vector_load_idx %arg7[%add3A_40] : memref<30000xf32, #tpu.memory_space<vmem>>[vector<16xi32>], vector<16xf32>,
      %sub3A_42 = arith.subf %gather3A_37, %gather3A_41 : vector<16xf32>
      %add3A_43 = arith.constant 2 : i32
      %add3A_44 = vector.broadcast %add3A_43 : i32 to vector<16xi32>
      %add3A_45 = arith.addi %mul3A_32, %add3A_44 : vector<16xi32>
      %gather3A_46 = tpu.vector_load_idx %arg7[%add3A_45] : memref<30000xf32, #tpu.memory_space<vmem>>[vector<16xi32>], vector<16xf32>,
      %add3A_47 = arith.constant 2 : i32
      %add3A_48 = vector.broadcast %add3A_47 : i32 to vector<16xi32>
      %add3A_49 = arith.addi %mul3A_29, %add3A_48 : vector<16xi32>
      %gather3A_50 = tpu.vector_load_idx %arg7[%add3A_49] : memref<30000xf32, #tpu.memory_space<vmem>>[vector<16xi32>], vector<16xf32>,
      %sub3A_51 = arith.subf %gather3A_46, %gather3A_50 : vector<16xf32>
      %mul3A_52 = arith.mulf %sub3A, %sub3A : vector<16xf32>
      %mul3A_53 = arith.mulf %sub3A_42, %sub3A_42 : vector<16xf32>
      %add3A_54 = arith.addf %mul3A_52, %mul3A_53 : vector<16xf32>
      %mul3A_55 = arith.mulf %sub3A_51, %sub3A_51 : vector<16xf32>
      %add3A_56 = arith.addf %add3A_54, %mul3A_55 : vector<16xf32>
      %swap3A = arith.index_cast %mul3A_14 : i32 to index
      %swap3A_57 = tpu.vector_load %arg11[%swap3A] {strides = array<i32>} : memref<5008xf32, #tpu.memory_space<vmem>>, vector<16xf32>,
      tpu.vector_store %arg11[%swap3A], %add3A_56 {strides = array<i32>} : memref<5008xf32, #tpu.memory_space<vmem>>, vector<16xf32>,
      %gather3A_58 = tpu.vector_load_idx %arg8[%min3A_18] : memref<10000xi32, #tpu.memory_space<vmem>>[vector<16xi32>], vector<16xi32>,
      %swap3A_59 = arith.index_cast %mul3A_14 : i32 to index
      %swap3A_60 = tpu.vector_load %arg12[%swap3A_59] {strides = array<i32>} : memref<5008xi32, #tpu.memory_space<vmem>>, vector<16xi32>,
      tpu.vector_store %arg12[%swap3A_59], %gather3A_58 {strides = array<i32>} : memref<5008xi32, #tpu.memory_space<vmem>>, vector<16xi32>,
    }
    %scan3A_11 = arith.constant 313 : i32
    "tpu.region"() ({
      %run_scoped3A = tpu.sem_alloc : memref<!tpu.dma_semaphore, #tpu.memory_space<semaphore_mem>>
      %dma_start3A = arith.constant 0 : i32
      %dma_start3A_12 = tpu.memref_slice %arg11[%dma_start3A] : memref<5008xf32, #tpu.memory_space<vmem>> -> memref<5000xf32, #tpu.memory_space<vmem>>
      %dma_start3A_13 = tpu.memref_slice %arg5[%mul3A_2] : memref<160000xf32, #tpu.memory_space<hbm>> -> memref<5000xf32, #tpu.memory_space<hbm>>
      %dma_start3A_14 = tpu.memref_slice %arg5[%mul3A_2] : memref<160000xf32, #tpu.memory_space<hbm>> -> memref<5000xf32, #tpu.memory_space<hbm>>
      %dma_start3A_15 = arith.constant 0 : i32
      %dma_start3A_16 = tpu.memref_slice %arg11[%dma_start3A_15] : memref<5008xf32, #tpu.memory_space<vmem>> -> memref<5000xf32, #tpu.memory_space<vmem>>
      tpu.enqueue_dma source(%dma_start3A_16 : memref<5000xf32, #tpu.memory_space<vmem>>) target(%dma_start3A_14 : memref<5000xf32, #tpu.memory_space<hbm>>) target_semaphore(%run_scoped3A : memref<!tpu.dma_semaphore, #tpu.memory_space<semaphore_mem>>)
      %dma_wait3A = arith.constant 0 : i32
      %dma_wait3A_17 = tpu.memref_slice %arg11[%dma_wait3A] : memref<5008xf32, #tpu.memory_space<vmem>> -> memref<5000xf32, #tpu.memory_space<vmem>>
      %dma_wait3A_18 = tpu.memref_slice %arg5[%mul3A_2] : memref<160000xf32, #tpu.memory_space<hbm>> -> memref<5000xf32, #tpu.memory_space<hbm>>
      %dma_wait3A_19 = tpu.memref_slice %arg5[%mul3A_2] : memref<160000xf32, #tpu.memory_space<hbm>> -> memref<5000xf32, #tpu.memory_space<hbm>>
      %dma_wait3A_20 = arith.constant 0 : i32
      %dma_wait3A_21 = tpu.memref_slice %arg11[%dma_wait3A_20] : memref<5008xf32, #tpu.memory_space<vmem>> -> memref<5000xf32, #tpu.memory_space<vmem>>
      tpu.wait_dma2 semaphore(%run_scoped3A : memref<!tpu.dma_semaphore, #tpu.memory_space<semaphore_mem>>) src(%dma_wait3A_21 : memref<5000xf32, #tpu.memory_space<vmem>>) dst(%dma_wait3A_19 : memref<5000xf32, #tpu.memory_space<hbm>>)
      tpu.yield
    }) : () -> ()
    "tpu.region"() ({
      %run_scoped3A = tpu.sem_alloc : memref<!tpu.dma_semaphore, #tpu.memory_space<semaphore_mem>>
      %dma_start3A = arith.constant 0 : i32
      %dma_start3A_12 = tpu.memref_slice %arg12[%dma_start3A] : memref<5008xi32, #tpu.memory_space<vmem>> -> memref<5000xi32, #tpu.memory_space<vmem>>
      %dma_start3A_13 = tpu.memref_slice %arg6[%mul3A_2] : memref<160000xi32, #tpu.memory_space<hbm>> -> memref<5000xi32, #tpu.memory_space<hbm>>
      %dma_start3A_14 = tpu.memref_slice %arg6[%mul3A_2] : memref<160000xi32, #tpu.memory_space<hbm>> -> memref<5000xi32, #tpu.memory_space<hbm>>
      %dma_start3A_15 = arith.constant 0 : i32
      %dma_start3A_16 = tpu.memref_slice %arg12[%dma_start3A_15] : memref<5008xi32, #tpu.memory_space<vmem>> -> memref<5000xi32, #tpu.memory_space<vmem>>
      tpu.enqueue_dma source(%dma_start3A_16 : memref<5000xi32, #tpu.memory_space<vmem>>) target(%dma_start3A_14 : memref<5000xi32, #tpu.memory_space<hbm>>) target_semaphore(%run_scoped3A : memref<!tpu.dma_semaphore, #tpu.memory_space<semaphore_mem>>)
      %dma_wait3A = arith.constant 0 : i32
      %dma_wait3A_17 = tpu.memref_slice %arg12[%dma_wait3A] : memref<5008xi32, #tpu.memory_space<vmem>> -> memref<5000xi32, #tpu.memory_space<vmem>>
      %dma_wait3A_18 = tpu.memref_slice %arg6[%mul3A_2] : memref<160000xi32, #tpu.memory_space<hbm>> -> memref<5000xi32, #tpu.memory_space<hbm>>
      %dma_wait3A_19 = tpu.memref_slice %arg6[%mul3A_2] : memref<160000xi32, #tpu.memory_space<hbm>> -> memref<5000xi32, #tpu.memory_space<hbm>>
      %dma_wait3A_20 = arith.constant 0 : i32
      %dma_wait3A_21 = tpu.memref_slice %arg12[%dma_wait3A_20] : memref<5008xi32, #tpu.memory_space<vmem>> -> memref<5000xi32, #tpu.memory_space<vmem>>
      tpu.wait_dma2 semaphore(%run_scoped3A : memref<!tpu.dma_semaphore, #tpu.memory_space<semaphore_mem>>) src(%dma_wait3A_21 : memref<5000xi32, #tpu.memory_space<vmem>>) dst(%dma_wait3A_19 : memref<5000xi32, #tpu.memory_space<hbm>>)
      tpu.yield
    }) : () -> ()
    return
  }
}

#map = affine_map<(d0, d1) -> (0, 0)>
#map1 = affine_map<(d0, d1) -> (0, 0, 0)>
module attributes {stable_mosaic.version = 14 : i64} {
  func.func @_scatter_body(%arg0: i32, %arg1: i32, %arg2: memref<160000x128xf32, #tpu.memory_space<hbm>>, %arg3: memref<2504x128xi32, #tpu.memory_space<hbm>>, %arg4: memref<10000x128xf32, #tpu.memory_space<hbm>>, %arg5: memref<2x10000x128xf32, #tpu.memory_space<hbm>>, %arg6: memref<56x128xi32, #tpu.memory_space<vmem>>, %arg7: memref<128x128xf32, #tpu.memory_space<vmem>>, %arg8: memref<128x128xf32, #tpu.memory_space<vmem>>, %arg9: memref<10000x128xf32, #tpu.memory_space<vmem_shared>>, %arg10: memref<!tpu.dma_semaphore, #tpu.memory_space<semaphore_mem>>, %arg11: memref<!tpu.dma_semaphore, #tpu.memory_space<semaphore_mem>>) attributes {dimension_semantics = [#tpu.dimension_semantics<core_parallel>, #tpu.dimension_semantics<subcore_parallel>], iteration_bounds = array<i64: 2, 16>, scalar_prefetch = 0 : i64, scratch_operands = 6 : i64, tpu.core_type = #tpu.core_type<sc_vector_subcore>, window_params = [{transform_indices = #map}, {transform_indices = #map}, {transform_indices = #map}, {transform_indices = #map1}]} {
    %mul3A = arith.constant 16 : i32
    %mul3A_0 = arith.muli %arg0, %mul3A : i32
    %add3A = arith.addi %mul3A_0, %arg1 : i32
    %mul3A_1 = arith.constant 39 : i32
    %mul3A_2 = arith.muli %add3A, %mul3A_1 : i32
    %mul3A_3 = arith.constant 128 : i32
    %mul3A_4 = arith.muli %mul3A_2, %mul3A_3 : i32
    %eq3A = arith.constant 1 : i32
    %eq3A_5 = arith.cmpi eq, %arg0, %eq3A : i32
    %eq3A_6 = arith.constant 15 : i32
    %eq3A_7 = arith.cmpi eq, %arg1, %eq3A_6 : i32
    %and3A = arith.andi %eq3A_5, %eq3A_7 : i1
    %jit3A = arith.constant 2 : i32
    %jit3A_8 = arith.constant 0 : i32
    %select_n3A = arith.select %and3A, %jit3A, %jit3A_8 : i32
    %add3A_9 = arith.constant 39 : i32
    %add3A_10 = arith.addi %add3A_9, %select_n3A : i32
    %mul3A_11 = arith.constant 624 : i32
    %mul3A_12 = arith.muli %arg1, %mul3A_11 : i32
    %min3A = arith.constant 9360 : i32
    %min3A_13 = arith.minsi %mul3A_12, %min3A : i32
    %multiple_of3A = tpu.assume_multiple %min3A_13, 8 : i32
    %mul3A_14 = arith.constant 39 : i32
    %mul3A_15 = arith.muli %add3A, %mul3A_14 : i32
    %add3A_16 = arith.constant 1250 : i32
    %add3A_17 = arith.addi %add3A_16, %mul3A_15 : i32
    %jit3A_18 = arith.constant 8 : i32
    %div3A = arith.divsi %add3A_17, %jit3A_18 : i32
    %sign3A = arith.constant 0 : i32
    %sign3A_19 = arith.cmpi sgt, %add3A_17, %sign3A : i32
    %sign3A_20 = arith.extui %sign3A_19 : i1 to i32
    %sign3A_21 = arith.constant 0 : i32
    %sign3A_22 = arith.cmpi slt, %add3A_17, %sign3A_21 : i32
    %sign3A_23 = arith.extui %sign3A_22 : i1 to i32
    %sign3A_24 = arith.subi %sign3A_20, %sign3A_23 : i32
    %sign3A_25 = arith.constant 0 : i32
    %sign3A_26 = arith.cmpi sgt, %jit3A_18, %sign3A_25 : i32
    %sign3A_27 = arith.extui %sign3A_26 : i1 to i32
    %sign3A_28 = arith.constant 0 : i32
    %sign3A_29 = arith.cmpi slt, %jit3A_18, %sign3A_28 : i32
    %sign3A_30 = arith.extui %sign3A_29 : i1 to i32
    %sign3A_31 = arith.subi %sign3A_27, %sign3A_30 : i32
    %ne3A = arith.cmpi ne, %sign3A_24, %sign3A_31 : i32
    %rem3A = arith.remsi %add3A_17, %jit3A_18 : i32
    %ne3A_32 = arith.constant 0 : i32
    %ne3A_33 = arith.cmpi ne, %rem3A, %ne3A_32 : i32
    %and3A_34 = arith.andi %ne3A, %ne3A_33 : i1
    %sub3A = arith.constant 1 : i32
    %sub3A_35 = arith.subi %div3A, %sub3A : i32
    %select_n3A_36 = arith.select %and3A_34, %sub3A_35, %div3A : i32
    %mul3A_37 = arith.constant 8 : i32
    %mul3A_38 = arith.muli %select_n3A_36, %mul3A_37 : i32
    %min3A_39 = arith.constant 2448 : i32
    %min3A_40 = arith.minsi %mul3A_38, %min3A_39 : i32
    %multiple_of3A_41 = tpu.assume_multiple %min3A_40, 8 : i32
    %sub3A_42 = arith.subi %add3A_17, %multiple_of3A_41 : i32
    %dma_start3A = arith.constant 0 : i32
    %dma_start3A_43 = tpu.memref_slice %arg3[%multiple_of3A_41, %dma_start3A] : memref<2504x128xi32, #tpu.memory_space<hbm>> -> memref<56x128xi32, #tpu.memory_space<hbm>>
    %dma_start3A_44 = arith.constant 0 : i32
    %dma_start3A_45 = tpu.memref_slice %arg3[%multiple_of3A_41, %dma_start3A_44] : memref<2504x128xi32, #tpu.memory_space<hbm>> -> memref<56x128xi32, #tpu.memory_space<hbm>>
    tpu.enqueue_dma source(%dma_start3A_45 : memref<56x128xi32, #tpu.memory_space<hbm>>) target(%arg6 : memref<56x128xi32, #tpu.memory_space<vmem>>) target_semaphore(%arg10 : memref<!tpu.dma_semaphore, #tpu.memory_space<semaphore_mem>>)
    "tpu.region"() ({
      %run_scoped3A = tpu.sem_alloc : memref<!tpu.dma_semaphore, #tpu.memory_space<semaphore_mem>>
      %dma_start3A_104 = arith.constant 0 : i32
      %dma_start3A_105 = tpu.memref_slice %arg9[%multiple_of3A, %dma_start3A_104] : memref<10000x128xf32, #tpu.memory_space<vmem_shared>> -> memref<640x128xf32, #tpu.memory_space<vmem_shared>>
      %dma_start3A_106 = arith.constant 0 : i32
      %dma_start3A_107 = tpu.memref_slice %arg4[%multiple_of3A, %dma_start3A_106] : memref<10000x128xf32, #tpu.memory_space<hbm>> -> memref<640x128xf32, #tpu.memory_space<hbm>>
      tpu.enqueue_dma source(%dma_start3A_107 : memref<640x128xf32, #tpu.memory_space<hbm>>) target(%dma_start3A_105 : memref<640x128xf32, #tpu.memory_space<vmem_shared>>) target_semaphore(%run_scoped3A : memref<!tpu.dma_semaphore, #tpu.memory_space<semaphore_mem>>)
      %dma_wait3A_108 = arith.constant 0 : i32
      %dma_wait3A_109 = tpu.memref_slice %arg9[%multiple_of3A, %dma_wait3A_108] : memref<10000x128xf32, #tpu.memory_space<vmem_shared>> -> memref<640x128xf32, #tpu.memory_space<vmem_shared>>
      %dma_wait3A_110 = arith.constant 0 : i32
      %dma_wait3A_111 = tpu.memref_slice %arg4[%multiple_of3A, %dma_wait3A_110] : memref<10000x128xf32, #tpu.memory_space<hbm>> -> memref<640x128xf32, #tpu.memory_space<hbm>>
      tpu.wait_dma2 semaphore(%run_scoped3A : memref<!tpu.dma_semaphore, #tpu.memory_space<semaphore_mem>>) src(%dma_wait3A_111 : memref<640x128xf32, #tpu.memory_space<hbm>>) dst(%dma_wait3A_109 : memref<640x128xf32, #tpu.memory_space<vmem_shared>>)
      tpu.yield
    }) : () -> ()
    %dma_wait3A = arith.constant 0 : i32
    %dma_wait3A_46 = arith.constant 0 : i32
    %dma_wait3A_47 = tpu.memref_slice %arg3[%dma_wait3A, %dma_wait3A_46] : memref<2504x128xi32, #tpu.memory_space<hbm>> -> memref<56x128xi32, #tpu.memory_space<hbm>>
    %dma_wait3A_48 = arith.constant 0 : i32
    %dma_wait3A_49 = arith.constant 0 : i32
    %dma_wait3A_50 = tpu.memref_slice %arg3[%dma_wait3A_48, %dma_wait3A_49] : memref<2504x128xi32, #tpu.memory_space<hbm>> -> memref<56x128xi32, #tpu.memory_space<hbm>>
    tpu.wait_dma2 semaphore(%arg10 : memref<!tpu.dma_semaphore, #tpu.memory_space<semaphore_mem>>) src(%dma_wait3A_50 : memref<56x128xi32, #tpu.memory_space<hbm>>) dst(%arg6 : memref<56x128xi32, #tpu.memory_space<vmem>>)
    %barrier3A = arith.constant 0 : index
    tpu.barrier barrier_id(%barrier3A)
    %add3A_51 = arith.constant 0 : i32
    %add3A_52 = arith.addi %mul3A_4, %add3A_51 : i32
    %dma_start3A_53 = arith.constant 0 : i32
    %dma_start3A_54 = tpu.memref_slice %arg2[%add3A_52, %dma_start3A_53] : memref<160000x128xf32, #tpu.memory_space<hbm>> -> memref<128x128xf32, #tpu.memory_space<hbm>>
    %dma_start3A_55 = arith.constant 0 : i32
    %dma_start3A_56 = tpu.memref_slice %arg2[%add3A_52, %dma_start3A_55] : memref<160000x128xf32, #tpu.memory_space<hbm>> -> memref<128x128xf32, #tpu.memory_space<hbm>>
    tpu.enqueue_dma source(%dma_start3A_56 : memref<128x128xf32, #tpu.memory_space<hbm>>) target(%arg7 : memref<128x128xf32, #tpu.memory_space<vmem>>) target_semaphore(%arg10 : memref<!tpu.dma_semaphore, #tpu.memory_space<semaphore_mem>>)
    %add3A_57 = arith.constant 128 : i32
    %add3A_58 = arith.addi %mul3A_4, %add3A_57 : i32
    %dma_start3A_59 = arith.constant 0 : i32
    %dma_start3A_60 = tpu.memref_slice %arg2[%add3A_58, %dma_start3A_59] : memref<160000x128xf32, #tpu.memory_space<hbm>> -> memref<128x128xf32, #tpu.memory_space<hbm>>
    %dma_start3A_61 = arith.constant 0 : i32
    %dma_start3A_62 = tpu.memref_slice %arg2[%add3A_58, %dma_start3A_61] : memref<160000x128xf32, #tpu.memory_space<hbm>> -> memref<128x128xf32, #tpu.memory_space<hbm>>
    tpu.enqueue_dma source(%dma_start3A_62 : memref<128x128xf32, #tpu.memory_space<hbm>>) target(%arg8 : memref<128x128xf32, #tpu.memory_space<vmem>>) target_semaphore(%arg11 : memref<!tpu.dma_semaphore, #tpu.memory_space<semaphore_mem>>)
    %jit3A_63 = arith.constant 2 : i32
    %div3A_64 = arith.divsi %add3A_10, %jit3A_63 : i32
    %sign3A_65 = arith.constant 0 : i32
    %sign3A_66 = arith.cmpi sgt, %add3A_10, %sign3A_65 : i32
    %sign3A_67 = arith.extui %sign3A_66 : i1 to i32
    %sign3A_68 = arith.constant 0 : i32
    %sign3A_69 = arith.cmpi slt, %add3A_10, %sign3A_68 : i32
    %sign3A_70 = arith.extui %sign3A_69 : i1 to i32
    %sign3A_71 = arith.subi %sign3A_67, %sign3A_70 : i32
    %sign3A_72 = arith.constant 0 : i32
    %sign3A_73 = arith.cmpi sgt, %jit3A_63, %sign3A_72 : i32
    %sign3A_74 = arith.extui %sign3A_73 : i1 to i32
    %sign3A_75 = arith.constant 0 : i32
    %sign3A_76 = arith.cmpi slt, %jit3A_63, %sign3A_75 : i32
    %sign3A_77 = arith.extui %sign3A_76 : i1 to i32
    %sign3A_78 = arith.subi %sign3A_74, %sign3A_77 : i32
    %ne3A_79 = arith.cmpi ne, %sign3A_71, %sign3A_78 : i32
    %rem3A_80 = arith.remsi %add3A_10, %jit3A_63 : i32
    %ne3A_81 = arith.constant 0 : i32
    %ne3A_82 = arith.cmpi ne, %rem3A_80, %ne3A_81 : i32
    %and3A_83 = arith.andi %ne3A_79, %ne3A_82 : i1
    %sub3A_84 = arith.constant 1 : i32
    %sub3A_85 = arith.subi %div3A_64, %sub3A_84 : i32
    %select_n3A_86 = arith.select %and3A_83, %sub3A_85, %div3A_64 : i32
    %while3A = arith.constant 0 : i32
    %while3A_87 = arith.constant 0 : i32
    %while3A_88 = arith.subi %select_n3A_86, %while3A_87 : i32
    %while3A_89 = arith.addi %while3A_87, %while3A_88 : i32
    %while3A_90 = arith.constant 1 : i32
    %while3A_91 = arith.divsi %while3A_88, %while3A_90 : i32
    %while3A_92 = arith.muli %while3A_91, %while3A_90 : i32
    %while3A_93 = arith.addi %while3A_87, %while3A_92 : i32
    %while3A_94 = arith.constant 1 : i32
    scf.for %while3A_104 = %while3A_87 to %while3A_93 step %while3A_94  : i32 {
      %dma_wait3A_105 = arith.constant 0 : i32
      %dma_wait3A_106 = tpu.memref_slice %arg2[%mul3A_4, %dma_wait3A_105] : memref<160000x128xf32, #tpu.memory_space<hbm>> -> memref<128x128xf32, #tpu.memory_space<hbm>>
      %dma_wait3A_107 = arith.constant 0 : i32
      %dma_wait3A_108 = tpu.memref_slice %arg2[%mul3A_4, %dma_wait3A_107] : memref<160000x128xf32, #tpu.memory_space<hbm>> -> memref<128x128xf32, #tpu.memory_space<hbm>>
      tpu.wait_dma2 semaphore(%arg10 : memref<!tpu.dma_semaphore, #tpu.memory_space<semaphore_mem>>) src(%dma_wait3A_108 : memref<128x128xf32, #tpu.memory_space<hbm>>) dst(%arg7 : memref<128x128xf32, #tpu.memory_space<vmem>>)
      %mul3A_109 = arith.constant 2 : i32
      %mul3A_110 = arith.muli %mul3A_109, %while3A_104 : i32
      %add3A_111 = arith.addi %sub3A_42, %mul3A_110 : i32
      "tpu.region"() ({
        %run_scoped3A = tpu.sem_alloc : memref<!tpu.dma_semaphore, #tpu.memory_space<semaphore_mem>>
        %dma_start3A_134 = arith.constant 0 : i32
        %dma_start3A_135 = tpu.memref_slice %arg6[%add3A_111, %dma_start3A_134] : memref<56x128xi32, #tpu.memory_space<vmem>> -> memref<1x128xi32, #tpu.memory_space<vmem>>
        %dma_start3A_136 = tpu.memref_squeeze %dma_start3A_135 : memref<1x128xi32, #tpu.memory_space<vmem>> -> memref<128xi32, #tpu.memory_space<vmem>>
        %dma_start3A_137 = arith.constant 0 : i32
        %dma_start3A_138 = arith.constant 0 : i32
        %dma_start3A_139 = tpu.memref_slice %arg9[%dma_start3A_137, %dma_start3A_138] : memref<10000x128xf32, #tpu.memory_space<vmem_shared>> -> memref<10000x128xf32, #tpu.memory_space<vmem_shared>>
        tpu.enqueue_indirect_dma source(%arg7 : memref<128x128xf32, #tpu.memory_space<vmem>>) target(%dma_start3A_139 : memref<10000x128xf32, #tpu.memory_space<vmem_shared>>) offsets(%dma_start3A_136 : memref<128xi32, #tpu.memory_space<vmem>>) semaphore(%run_scoped3A : memref<!tpu.dma_semaphore, #tpu.memory_space<semaphore_mem>>) {add = true}
        %dma_wait3A_140 = arith.constant 0 : i32
        %dma_wait3A_141 = tpu.memref_slice %arg6[%add3A_111, %dma_wait3A_140] : memref<56x128xi32, #tpu.memory_space<vmem>> -> memref<1x128xi32, #tpu.memory_space<vmem>>
        %dma_wait3A_142 = tpu.memref_squeeze %dma_wait3A_141 : memref<1x128xi32, #tpu.memory_space<vmem>> -> memref<128xi32, #tpu.memory_space<vmem>>
        %dma_wait3A_143 = arith.constant 0 : i32
        %dma_wait3A_144 = arith.constant 0 : i32
        %dma_wait3A_145 = tpu.memref_slice %arg9[%dma_wait3A_143, %dma_wait3A_144] : memref<10000x128xf32, #tpu.memory_space<vmem_shared>> -> memref<10000x128xf32, #tpu.memory_space<vmem_shared>>
        tpu.wait_indirect_dma semaphore(%run_scoped3A : memref<!tpu.dma_semaphore, #tpu.memory_space<semaphore_mem>>) src(%arg7 : memref<128x128xf32, #tpu.memory_space<vmem>>) dst(%dma_wait3A_145 : memref<10000x128xf32, #tpu.memory_space<vmem_shared>>)
        tpu.yield
      }) : () -> ()
      %mul3A_112 = arith.constant 2 : i32
      %mul3A_113 = arith.muli %mul3A_112, %while3A_104 : i32
      %add3A_114 = arith.constant 2 : i32
      %add3A_115 = arith.addi %mul3A_113, %add3A_114 : i32
      %lt3A = arith.cmpi slt, %add3A_115, %add3A_10 : i32
      %convert_element_type3A = arith.extui %lt3A : i1 to i32
      %cond3A = arith.constant 0 : i32
      %cond3A_116 = arith.cmpi ne, %convert_element_type3A, %cond3A : i32
      scf.if %cond3A_116 {
        %mul3A_134 = arith.constant 2 : i32
        %mul3A_135 = arith.muli %mul3A_134, %while3A_104 : i32
        %add3A_136 = arith.constant 2 : i32
        %add3A_137 = arith.addi %mul3A_135, %add3A_136 : i32
        %mul3A_138 = arith.constant 128 : i32
        %mul3A_139 = arith.muli %add3A_137, %mul3A_138 : i32
        %add3A_140 = arith.addi %mul3A_4, %mul3A_139 : i32
        %dma_start3A_141 = arith.constant 0 : i32
        %dma_start3A_142 = tpu.memref_slice %arg2[%add3A_140, %dma_start3A_141] : memref<160000x128xf32, #tpu.memory_space<hbm>> -> memref<128x128xf32, #tpu.memory_space<hbm>>
        %dma_start3A_143 = arith.constant 0 : i32
        %dma_start3A_144 = tpu.memref_slice %arg2[%add3A_140, %dma_start3A_143] : memref<160000x128xf32, #tpu.memory_space<hbm>> -> memref<128x128xf32, #tpu.memory_space<hbm>>
        tpu.enqueue_dma source(%dma_start3A_144 : memref<128x128xf32, #tpu.memory_space<hbm>>) target(%arg7 : memref<128x128xf32, #tpu.memory_space<vmem>>) target_semaphore(%arg10 : memref<!tpu.dma_semaphore, #tpu.memory_space<semaphore_mem>>)
      } else {
      }
      %dma_wait3A_117 = arith.constant 0 : i32
      %dma_wait3A_118 = tpu.memref_slice %arg2[%mul3A_4, %dma_wait3A_117] : memref<160000x128xf32, #tpu.memory_space<hbm>> -> memref<128x128xf32, #tpu.memory_space<hbm>>
      %dma_wait3A_119 = arith.constant 0 : i32
      %dma_wait3A_120 = tpu.memref_slice %arg2[%mul3A_4, %dma_wait3A_119] : memref<160000x128xf32, #tpu.memory_space<hbm>> -> memref<128x128xf32, #tpu.memory_space<hbm>>
      tpu.wait_dma2 semaphore(%arg11 : memref<!tpu.dma_semaphore, #tpu.memory_space<semaphore_mem>>) src(%dma_wait3A_120 : memref<128x128xf32, #tpu.memory_space<hbm>>) dst(%arg8 : memref<128x128xf32, #tpu.memory_space<vmem>>)
      %mul3A_121 = arith.constant 2 : i32
      %mul3A_122 = arith.muli %mul3A_121, %while3A_104 : i32
      %add3A_123 = arith.addi %sub3A_42, %mul3A_122 : i32
      %add3A_124 = arith.constant 1 : i32
      %add3A_125 = arith.addi %add3A_123, %add3A_124 : i32
      "tpu.region"() ({
        %run_scoped3A = tpu.sem_alloc : memref<!tpu.dma_semaphore, #tpu.memory_space<semaphore_mem>>
        %dma_start3A_134 = arith.constant 0 : i32
        %dma_start3A_135 = tpu.memref_slice %arg6[%add3A_125, %dma_start3A_134] : memref<56x128xi32, #tpu.memory_space<vmem>> -> memref<1x128xi32, #tpu.memory_space<vmem>>
        %dma_start3A_136 = tpu.memref_squeeze %dma_start3A_135 : memref<1x128xi32, #tpu.memory_space<vmem>> -> memref<128xi32, #tpu.memory_space<vmem>>
        %dma_start3A_137 = arith.constant 0 : i32
        %dma_start3A_138 = arith.constant 0 : i32
        %dma_start3A_139 = tpu.memref_slice %arg9[%dma_start3A_137, %dma_start3A_138] : memref<10000x128xf32, #tpu.memory_space<vmem_shared>> -> memref<10000x128xf32, #tpu.memory_space<vmem_shared>>
        tpu.enqueue_indirect_dma source(%arg8 : memref<128x128xf32, #tpu.memory_space<vmem>>) target(%dma_start3A_139 : memref<10000x128xf32, #tpu.memory_space<vmem_shared>>) offsets(%dma_start3A_136 : memref<128xi32, #tpu.memory_space<vmem>>) semaphore(%run_scoped3A : memref<!tpu.dma_semaphore, #tpu.memory_space<semaphore_mem>>) {add = true}
        %dma_wait3A_140 = arith.constant 0 : i32
        %dma_wait3A_141 = tpu.memref_slice %arg6[%add3A_125, %dma_wait3A_140] : memref<56x128xi32, #tpu.memory_space<vmem>> -> memref<1x128xi32, #tpu.memory_space<vmem>>
        %dma_wait3A_142 = tpu.memref_squeeze %dma_wait3A_141 : memref<1x128xi32, #tpu.memory_space<vmem>> -> memref<128xi32, #tpu.memory_space<vmem>>
        %dma_wait3A_143 = arith.constant 0 : i32
        %dma_wait3A_144 = arith.constant 0 : i32
        %dma_wait3A_145 = tpu.memref_slice %arg9[%dma_wait3A_143, %dma_wait3A_144] : memref<10000x128xf32, #tpu.memory_space<vmem_shared>> -> memref<10000x128xf32, #tpu.memory_space<vmem_shared>>
        tpu.wait_indirect_dma semaphore(%run_scoped3A : memref<!tpu.dma_semaphore, #tpu.memory_space<semaphore_mem>>) src(%arg8 : memref<128x128xf32, #tpu.memory_space<vmem>>) dst(%dma_wait3A_145 : memref<10000x128xf32, #tpu.memory_space<vmem_shared>>)
        tpu.yield
      }) : () -> ()
      %mul3A_126 = arith.constant 2 : i32
      %mul3A_127 = arith.muli %mul3A_126, %while3A_104 : i32
      %add3A_128 = arith.constant 3 : i32
      %add3A_129 = arith.addi %mul3A_127, %add3A_128 : i32
      %lt3A_130 = arith.cmpi slt, %add3A_129, %add3A_10 : i32
      %convert_element_type3A_131 = arith.extui %lt3A_130 : i1 to i32
      %cond3A_132 = arith.constant 0 : i32
      %cond3A_133 = arith.cmpi ne, %convert_element_type3A_131, %cond3A_132 : i32
      scf.if %cond3A_133 {
        %mul3A_134 = arith.constant 2 : i32
        %mul3A_135 = arith.muli %mul3A_134, %while3A_104 : i32
        %add3A_136 = arith.constant 3 : i32
        %add3A_137 = arith.addi %mul3A_135, %add3A_136 : i32
        %mul3A_138 = arith.constant 128 : i32
        %mul3A_139 = arith.muli %add3A_137, %mul3A_138 : i32
        %add3A_140 = arith.addi %mul3A_4, %mul3A_139 : i32
        %dma_start3A_141 = arith.constant 0 : i32
        %dma_start3A_142 = tpu.memref_slice %arg2[%add3A_140, %dma_start3A_141] : memref<160000x128xf32, #tpu.memory_space<hbm>> -> memref<128x128xf32, #tpu.memory_space<hbm>>
        %dma_start3A_143 = arith.constant 0 : i32
        %dma_start3A_144 = tpu.memref_slice %arg2[%add3A_140, %dma_start3A_143] : memref<160000x128xf32, #tpu.memory_space<hbm>> -> memref<128x128xf32, #tpu.memory_space<hbm>>
        tpu.enqueue_dma source(%dma_start3A_144 : memref<128x128xf32, #tpu.memory_space<hbm>>) target(%arg8 : memref<128x128xf32, #tpu.memory_space<vmem>>) target_semaphore(%arg11 : memref<!tpu.dma_semaphore, #tpu.memory_space<semaphore_mem>>)
      } else {
      }
    }
    %while3A_95 = arith.constant 1 : i32
    scf.for %while3A_104 = %while3A_93 to %while3A_89 step %while3A_95  : i32 {
      %dma_wait3A_105 = arith.constant 0 : i32
      %dma_wait3A_106 = tpu.memref_slice %arg2[%mul3A_4, %dma_wait3A_105] : memref<160000x128xf32, #tpu.memory_space<hbm>> -> memref<128x128xf32, #tpu.memory_space<hbm>>
      %dma_wait3A_107 = arith.constant 0 : i32
      %dma_wait3A_108 = tpu.memref_slice %arg2[%mul3A_4, %dma_wait3A_107] : memref<160000x128xf32, #tpu.memory_space<hbm>> -> memref<128x128xf32, #tpu.memory_space<hbm>>
      tpu.wait_dma2 semaphore(%arg10 : memref<!tpu.dma_semaphore, #tpu.memory_space<semaphore_mem>>) src(%dma_wait3A_108 : memref<128x128xf32, #tpu.memory_space<hbm>>) dst(%arg7 : memref<128x128xf32, #tpu.memory_space<vmem>>)
      %mul3A_109 = arith.constant 2 : i32
      %mul3A_110 = arith.muli %mul3A_109, %while3A_104 : i32
      %add3A_111 = arith.addi %sub3A_42, %mul3A_110 : i32
      "tpu.region"() ({
        %run_scoped3A = tpu.sem_alloc : memref<!tpu.dma_semaphore, #tpu.memory_space<semaphore_mem>>
        %dma_start3A_134 = arith.constant 0 : i32
        %dma_start3A_135 = tpu.memref_slice %arg6[%add3A_111, %dma_start3A_134] : memref<56x128xi32, #tpu.memory_space<vmem>> -> memref<1x128xi32, #tpu.memory_space<vmem>>
        %dma_start3A_136 = tpu.memref_squeeze %dma_start3A_135 : memref<1x128xi32, #tpu.memory_space<vmem>> -> memref<128xi32, #tpu.memory_space<vmem>>
        %dma_start3A_137 = arith.constant 0 : i32
        %dma_start3A_138 = arith.constant 0 : i32
        %dma_start3A_139 = tpu.memref_slice %arg9[%dma_start3A_137, %dma_start3A_138] : memref<10000x128xf32, #tpu.memory_space<vmem_shared>> -> memref<10000x128xf32, #tpu.memory_space<vmem_shared>>
        tpu.enqueue_indirect_dma source(%arg7 : memref<128x128xf32, #tpu.memory_space<vmem>>) target(%dma_start3A_139 : memref<10000x128xf32, #tpu.memory_space<vmem_shared>>) offsets(%dma_start3A_136 : memref<128xi32, #tpu.memory_space<vmem>>) semaphore(%run_scoped3A : memref<!tpu.dma_semaphore, #tpu.memory_space<semaphore_mem>>) {add = true}
        %dma_wait3A_140 = arith.constant 0 : i32
        %dma_wait3A_141 = tpu.memref_slice %arg6[%add3A_111, %dma_wait3A_140] : memref<56x128xi32, #tpu.memory_space<vmem>> -> memref<1x128xi32, #tpu.memory_space<vmem>>
        %dma_wait3A_142 = tpu.memref_squeeze %dma_wait3A_141 : memref<1x128xi32, #tpu.memory_space<vmem>> -> memref<128xi32, #tpu.memory_space<vmem>>
        %dma_wait3A_143 = arith.constant 0 : i32
        %dma_wait3A_144 = arith.constant 0 : i32
        %dma_wait3A_145 = tpu.memref_slice %arg9[%dma_wait3A_143, %dma_wait3A_144] : memref<10000x128xf32, #tpu.memory_space<vmem_shared>> -> memref<10000x128xf32, #tpu.memory_space<vmem_shared>>
        tpu.wait_indirect_dma semaphore(%run_scoped3A : memref<!tpu.dma_semaphore, #tpu.memory_space<semaphore_mem>>) src(%arg7 : memref<128x128xf32, #tpu.memory_space<vmem>>) dst(%dma_wait3A_145 : memref<10000x128xf32, #tpu.memory_space<vmem_shared>>)
        tpu.yield
      }) : () -> ()
      %mul3A_112 = arith.constant 2 : i32
      %mul3A_113 = arith.muli %mul3A_112, %while3A_104 : i32
      %add3A_114 = arith.constant 2 : i32
      %add3A_115 = arith.addi %mul3A_113, %add3A_114 : i32
      %lt3A = arith.cmpi slt, %add3A_115, %add3A_10 : i32
      %convert_element_type3A = arith.extui %lt3A : i1 to i32
      %cond3A = arith.constant 0 : i32
      %cond3A_116 = arith.cmpi ne, %convert_element_type3A, %cond3A : i32
      scf.if %cond3A_116 {
        %mul3A_134 = arith.constant 2 : i32
        %mul3A_135 = arith.muli %mul3A_134, %while3A_104 : i32
        %add3A_136 = arith.constant 2 : i32
        %add3A_137 = arith.addi %mul3A_135, %add3A_136 : i32
        %mul3A_138 = arith.constant 128 : i32
        %mul3A_139 = arith.muli %add3A_137, %mul3A_138 : i32
        %add3A_140 = arith.addi %mul3A_4, %mul3A_139 : i32
        %dma_start3A_141 = arith.constant 0 : i32
        %dma_start3A_142 = tpu.memref_slice %arg2[%add3A_140, %dma_start3A_141] : memref<160000x128xf32, #tpu.memory_space<hbm>> -> memref<128x128xf32, #tpu.memory_space<hbm>>
        %dma_start3A_143 = arith.constant 0 : i32
        %dma_start3A_144 = tpu.memref_slice %arg2[%add3A_140, %dma_start3A_143] : memref<160000x128xf32, #tpu.memory_space<hbm>> -> memref<128x128xf32, #tpu.memory_space<hbm>>
        tpu.enqueue_dma source(%dma_start3A_144 : memref<128x128xf32, #tpu.memory_space<hbm>>) target(%arg7 : memref<128x128xf32, #tpu.memory_space<vmem>>) target_semaphore(%arg10 : memref<!tpu.dma_semaphore, #tpu.memory_space<semaphore_mem>>)
      } else {
      }
      %dma_wait3A_117 = arith.constant 0 : i32
      %dma_wait3A_118 = tpu.memref_slice %arg2[%mul3A_4, %dma_wait3A_117] : memref<160000x128xf32, #tpu.memory_space<hbm>> -> memref<128x128xf32, #tpu.memory_space<hbm>>
      %dma_wait3A_119 = arith.constant 0 : i32
      %dma_wait3A_120 = tpu.memref_slice %arg2[%mul3A_4, %dma_wait3A_119] : memref<160000x128xf32, #tpu.memory_space<hbm>> -> memref<128x128xf32, #tpu.memory_space<hbm>>
      tpu.wait_dma2 semaphore(%arg11 : memref<!tpu.dma_semaphore, #tpu.memory_space<semaphore_mem>>) src(%dma_wait3A_120 : memref<128x128xf32, #tpu.memory_space<hbm>>) dst(%arg8 : memref<128x128xf32, #tpu.memory_space<vmem>>)
      %mul3A_121 = arith.constant 2 : i32
      %mul3A_122 = arith.muli %mul3A_121, %while3A_104 : i32
      %add3A_123 = arith.addi %sub3A_42, %mul3A_122 : i32
      %add3A_124 = arith.constant 1 : i32
      %add3A_125 = arith.addi %add3A_123, %add3A_124 : i32
      "tpu.region"() ({
        %run_scoped3A = tpu.sem_alloc : memref<!tpu.dma_semaphore, #tpu.memory_space<semaphore_mem>>
        %dma_start3A_134 = arith.constant 0 : i32
        %dma_start3A_135 = tpu.memref_slice %arg6[%add3A_125, %dma_start3A_134] : memref<56x128xi32, #tpu.memory_space<vmem>> -> memref<1x128xi32, #tpu.memory_space<vmem>>
        %dma_start3A_136 = tpu.memref_squeeze %dma_start3A_135 : memref<1x128xi32, #tpu.memory_space<vmem>> -> memref<128xi32, #tpu.memory_space<vmem>>
        %dma_start3A_137 = arith.constant 0 : i32
        %dma_start3A_138 = arith.constant 0 : i32
        %dma_start3A_139 = tpu.memref_slice %arg9[%dma_start3A_137, %dma_start3A_138] : memref<10000x128xf32, #tpu.memory_space<vmem_shared>> -> memref<10000x128xf32, #tpu.memory_space<vmem_shared>>
        tpu.enqueue_indirect_dma source(%arg8 : memref<128x128xf32, #tpu.memory_space<vmem>>) target(%dma_start3A_139 : memref<10000x128xf32, #tpu.memory_space<vmem_shared>>) offsets(%dma_start3A_136 : memref<128xi32, #tpu.memory_space<vmem>>) semaphore(%run_scoped3A : memref<!tpu.dma_semaphore, #tpu.memory_space<semaphore_mem>>) {add = true}
        %dma_wait3A_140 = arith.constant 0 : i32
        %dma_wait3A_141 = tpu.memref_slice %arg6[%add3A_125, %dma_wait3A_140] : memref<56x128xi32, #tpu.memory_space<vmem>> -> memref<1x128xi32, #tpu.memory_space<vmem>>
        %dma_wait3A_142 = tpu.memref_squeeze %dma_wait3A_141 : memref<1x128xi32, #tpu.memory_space<vmem>> -> memref<128xi32, #tpu.memory_space<vmem>>
        %dma_wait3A_143 = arith.constant 0 : i32
        %dma_wait3A_144 = arith.constant 0 : i32
        %dma_wait3A_145 = tpu.memref_slice %arg9[%dma_wait3A_143, %dma_wait3A_144] : memref<10000x128xf32, #tpu.memory_space<vmem_shared>> -> memref<10000x128xf32, #tpu.memory_space<vmem_shared>>
        tpu.wait_indirect_dma semaphore(%run_scoped3A : memref<!tpu.dma_semaphore, #tpu.memory_space<semaphore_mem>>) src(%arg8 : memref<128x128xf32, #tpu.memory_space<vmem>>) dst(%dma_wait3A_145 : memref<10000x128xf32, #tpu.memory_space<vmem_shared>>)
        tpu.yield
      }) : () -> ()
      %mul3A_126 = arith.constant 2 : i32
      %mul3A_127 = arith.muli %mul3A_126, %while3A_104 : i32
      %add3A_128 = arith.constant 3 : i32
      %add3A_129 = arith.addi %mul3A_127, %add3A_128 : i32
      %lt3A_130 = arith.cmpi slt, %add3A_129, %add3A_10 : i32
      %convert_element_type3A_131 = arith.extui %lt3A_130 : i1 to i32
      %cond3A_132 = arith.constant 0 : i32
      %cond3A_133 = arith.cmpi ne, %convert_element_type3A_131, %cond3A_132 : i32
      scf.if %cond3A_133 {
        %mul3A_134 = arith.constant 2 : i32
        %mul3A_135 = arith.muli %mul3A_134, %while3A_104 : i32
        %add3A_136 = arith.constant 3 : i32
        %add3A_137 = arith.addi %mul3A_135, %add3A_136 : i32
        %mul3A_138 = arith.constant 128 : i32
        %mul3A_139 = arith.muli %add3A_137, %mul3A_138 : i32
        %add3A_140 = arith.addi %mul3A_4, %mul3A_139 : i32
        %dma_start3A_141 = arith.constant 0 : i32
        %dma_start3A_142 = tpu.memref_slice %arg2[%add3A_140, %dma_start3A_141] : memref<160000x128xf32, #tpu.memory_space<hbm>> -> memref<128x128xf32, #tpu.memory_space<hbm>>
        %dma_start3A_143 = arith.constant 0 : i32
        %dma_start3A_144 = tpu.memref_slice %arg2[%add3A_140, %dma_start3A_143] : memref<160000x128xf32, #tpu.memory_space<hbm>> -> memref<128x128xf32, #tpu.memory_space<hbm>>
        tpu.enqueue_dma source(%dma_start3A_144 : memref<128x128xf32, #tpu.memory_space<hbm>>) target(%arg8 : memref<128x128xf32, #tpu.memory_space<vmem>>) target_semaphore(%arg11 : memref<!tpu.dma_semaphore, #tpu.memory_space<semaphore_mem>>)
      } else {
      }
    }
    %dma_wait3A_96 = arith.constant 0 : i32
    %dma_wait3A_97 = tpu.memref_slice %arg2[%mul3A_4, %dma_wait3A_96] : memref<160000x128xf32, #tpu.memory_space<hbm>> -> memref<128x128xf32, #tpu.memory_space<hbm>>
    %dma_wait3A_98 = arith.constant 0 : i32
    %dma_wait3A_99 = tpu.memref_slice %arg2[%mul3A_4, %dma_wait3A_98] : memref<160000x128xf32, #tpu.memory_space<hbm>> -> memref<128x128xf32, #tpu.memory_space<hbm>>
    tpu.wait_dma2 semaphore(%arg10 : memref<!tpu.dma_semaphore, #tpu.memory_space<semaphore_mem>>) src(%dma_wait3A_99 : memref<128x128xf32, #tpu.memory_space<hbm>>) dst(%arg7 : memref<128x128xf32, #tpu.memory_space<vmem>>)
    %add3A_100 = arith.addi %sub3A_42, %add3A_10 : i32
    %sub3A_101 = arith.constant 1 : i32
    %sub3A_102 = arith.subi %add3A_100, %sub3A_101 : i32
    "tpu.region"() ({
      %run_scoped3A = tpu.sem_alloc : memref<!tpu.dma_semaphore, #tpu.memory_space<semaphore_mem>>
      %dma_start3A_104 = arith.constant 0 : i32
      %dma_start3A_105 = tpu.memref_slice %arg6[%sub3A_102, %dma_start3A_104] : memref<56x128xi32, #tpu.memory_space<vmem>> -> memref<1x128xi32, #tpu.memory_space<vmem>>
      %dma_start3A_106 = tpu.memref_squeeze %dma_start3A_105 : memref<1x128xi32, #tpu.memory_space<vmem>> -> memref<128xi32, #tpu.memory_space<vmem>>
      %dma_start3A_107 = arith.constant 0 : i32
      %dma_start3A_108 = arith.constant 0 : i32
      %dma_start3A_109 = tpu.memref_slice %arg9[%dma_start3A_107, %dma_start3A_108] : memref<10000x128xf32, #tpu.memory_space<vmem_shared>> -> memref<10000x128xf32, #tpu.memory_space<vmem_shared>>
      tpu.enqueue_indirect_dma source(%arg7 : memref<128x128xf32, #tpu.memory_space<vmem>>) target(%dma_start3A_109 : memref<10000x128xf32, #tpu.memory_space<vmem_shared>>) offsets(%dma_start3A_106 : memref<128xi32, #tpu.memory_space<vmem>>) semaphore(%run_scoped3A : memref<!tpu.dma_semaphore, #tpu.memory_space<semaphore_mem>>) {add = true}
      %dma_wait3A_110 = arith.constant 0 : i32
      %dma_wait3A_111 = tpu.memref_slice %arg6[%sub3A_102, %dma_wait3A_110] : memref<56x128xi32, #tpu.memory_space<vmem>> -> memref<1x128xi32, #tpu.memory_space<vmem>>
      %dma_wait3A_112 = tpu.memref_squeeze %dma_wait3A_111 : memref<1x128xi32, #tpu.memory_space<vmem>> -> memref<128xi32, #tpu.memory_space<vmem>>
      %dma_wait3A_113 = arith.constant 0 : i32
      %dma_wait3A_114 = arith.constant 0 : i32
      %dma_wait3A_115 = tpu.memref_slice %arg9[%dma_wait3A_113, %dma_wait3A_114] : memref<10000x128xf32, #tpu.memory_space<vmem_shared>> -> memref<10000x128xf32, #tpu.memory_space<vmem_shared>>
      tpu.wait_indirect_dma semaphore(%run_scoped3A : memref<!tpu.dma_semaphore, #tpu.memory_space<semaphore_mem>>) src(%arg7 : memref<128x128xf32, #tpu.memory_space<vmem>>) dst(%dma_wait3A_115 : memref<10000x128xf32, #tpu.memory_space<vmem_shared>>)
      tpu.yield
    }) : () -> ()
    %barrier3A_103 = arith.constant 0 : index
    tpu.barrier barrier_id(%barrier3A_103)
    "tpu.region"() ({
      %run_scoped3A = tpu.sem_alloc : memref<!tpu.dma_semaphore, #tpu.memory_space<semaphore_mem>>
      %dma_start3A_104 = arith.constant 0 : i32
      %dma_start3A_105 = tpu.memref_slice %arg5[%arg0, %multiple_of3A, %dma_start3A_104] : memref<2x10000x128xf32, #tpu.memory_space<hbm>> -> memref<1x640x128xf32, #tpu.memory_space<hbm>>
      %dma_start3A_106 = tpu.memref_squeeze %dma_start3A_105 : memref<1x640x128xf32, #tpu.memory_space<hbm>> -> memref<640x128xf32, #tpu.memory_space<hbm>>
      %dma_start3A_107 = arith.constant 0 : i32
      %dma_start3A_108 = tpu.memref_slice %arg9[%multiple_of3A, %dma_start3A_107] : memref<10000x128xf32, #tpu.memory_space<vmem_shared>> -> memref<640x128xf32, #tpu.memory_space<vmem_shared>>
      tpu.enqueue_dma source(%dma_start3A_108 : memref<640x128xf32, #tpu.memory_space<vmem_shared>>) target(%dma_start3A_106 : memref<640x128xf32, #tpu.memory_space<hbm>>) target_semaphore(%run_scoped3A : memref<!tpu.dma_semaphore, #tpu.memory_space<semaphore_mem>>)
      %dma_wait3A_109 = arith.constant 0 : i32
      %dma_wait3A_110 = tpu.memref_slice %arg5[%arg0, %multiple_of3A, %dma_wait3A_109] : memref<2x10000x128xf32, #tpu.memory_space<hbm>> -> memref<1x640x128xf32, #tpu.memory_space<hbm>>
      %dma_wait3A_111 = tpu.memref_squeeze %dma_wait3A_110 : memref<1x640x128xf32, #tpu.memory_space<hbm>> -> memref<640x128xf32, #tpu.memory_space<hbm>>
      %dma_wait3A_112 = arith.constant 0 : i32
      %dma_wait3A_113 = tpu.memref_slice %arg9[%multiple_of3A, %dma_wait3A_112] : memref<10000x128xf32, #tpu.memory_space<vmem_shared>> -> memref<640x128xf32, #tpu.memory_space<vmem_shared>>
      tpu.wait_dma2 semaphore(%run_scoped3A : memref<!tpu.dma_semaphore, #tpu.memory_space<semaphore_mem>>) src(%dma_wait3A_113 : memref<640x128xf32, #tpu.memory_space<vmem_shared>>) dst(%dma_wait3A_111 : memref<640x128xf32, #tpu.memory_space<hbm>>)
      tpu.yield
    }) : () -> ()
    return
  }
}

#map = affine_map<(d0, d1) -> (0, 0)>
#map1 = affine_map<(d0, d1) -> (0, 0, 0)>
module attributes {stable_mosaic.version = 14 : i64} {
  func.func @_scatter_body(%arg0: i32, %arg1: i32, %arg2: memref<160000x128xf32, #tpu.memory_space<hbm>>, %arg3: memref<2504x128xi32, #tpu.memory_space<hbm>>, %arg4: memref<10000x128xf32, #tpu.memory_space<hbm>>, %arg5: memref<2x10000x128xf32, #tpu.memory_space<hbm>>, %arg6: memref<56x128xi32, #tpu.memory_space<vmem>>, %arg7: memref<128x128xf32, #tpu.memory_space<vmem>>, %arg8: memref<128x128xf32, #tpu.memory_space<vmem>>, %arg9: memref<10000x128xf32, #tpu.memory_space<vmem_shared>>, %arg10: memref<!tpu.dma_semaphore, #tpu.memory_space<semaphore_mem>>, %arg11: memref<!tpu.dma_semaphore, #tpu.memory_space<semaphore_mem>>) attributes {dimension_semantics = [#tpu.dimension_semantics<core_parallel>, #tpu.dimension_semantics<subcore_parallel>], iteration_bounds = array<i64: 2, 16>, scalar_prefetch = 0 : i64, scratch_operands = 6 : i64, tpu.core_type = #tpu.core_type<sc_vector_subcore>, window_params = [{transform_indices = #map}, {transform_indices = #map}, {transform_indices = #map}, {transform_indices = #map1}]} {
    %mul3A = arith.constant 16 : i32
    %mul3A_0 = arith.muli %arg0, %mul3A : i32
    %add3A = arith.addi %mul3A_0, %arg1 : i32
    %mul3A_1 = arith.constant 39 : i32
    %mul3A_2 = arith.muli %add3A, %mul3A_1 : i32
    %mul3A_3 = arith.constant 128 : i32
    %mul3A_4 = arith.muli %mul3A_2, %mul3A_3 : i32
    %eq3A = arith.constant 1 : i32
    %eq3A_5 = arith.cmpi eq, %arg0, %eq3A : i32
    %eq3A_6 = arith.constant 15 : i32
    %eq3A_7 = arith.cmpi eq, %arg1, %eq3A_6 : i32
    %and3A = arith.andi %eq3A_5, %eq3A_7 : i1
    %jit3A = arith.constant 2 : i32
    %jit3A_8 = arith.constant 0 : i32
    %select_n3A = arith.select %and3A, %jit3A, %jit3A_8 : i32
    %add3A_9 = arith.constant 39 : i32
    %add3A_10 = arith.addi %add3A_9, %select_n3A : i32
    %mul3A_11 = arith.constant 624 : i32
    %mul3A_12 = arith.muli %arg1, %mul3A_11 : i32
    %min3A = arith.constant 9360 : i32
    %min3A_13 = arith.minsi %mul3A_12, %min3A : i32
    %multiple_of3A = tpu.assume_multiple %min3A_13, 8 : i32
    %mul3A_14 = arith.constant 39 : i32
    %mul3A_15 = arith.muli %add3A, %mul3A_14 : i32
    %add3A_16 = arith.constant 0 : i32
    %add3A_17 = arith.addi %add3A_16, %mul3A_15 : i32
    %jit3A_18 = arith.constant 8 : i32
    %div3A = arith.divsi %add3A_17, %jit3A_18 : i32
    %sign3A = arith.constant 0 : i32
    %sign3A_19 = arith.cmpi sgt, %add3A_17, %sign3A : i32
    %sign3A_20 = arith.extui %sign3A_19 : i1 to i32
    %sign3A_21 = arith.constant 0 : i32
    %sign3A_22 = arith.cmpi slt, %add3A_17, %sign3A_21 : i32
    %sign3A_23 = arith.extui %sign3A_22 : i1 to i32
    %sign3A_24 = arith.subi %sign3A_20, %sign3A_23 : i32
    %sign3A_25 = arith.constant 0 : i32
    %sign3A_26 = arith.cmpi sgt, %jit3A_18, %sign3A_25 : i32
    %sign3A_27 = arith.extui %sign3A_26 : i1 to i32
    %sign3A_28 = arith.constant 0 : i32
    %sign3A_29 = arith.cmpi slt, %jit3A_18, %sign3A_28 : i32
    %sign3A_30 = arith.extui %sign3A_29 : i1 to i32
    %sign3A_31 = arith.subi %sign3A_27, %sign3A_30 : i32
    %ne3A = arith.cmpi ne, %sign3A_24, %sign3A_31 : i32
    %rem3A = arith.remsi %add3A_17, %jit3A_18 : i32
    %ne3A_32 = arith.constant 0 : i32
    %ne3A_33 = arith.cmpi ne, %rem3A, %ne3A_32 : i32
    %and3A_34 = arith.andi %ne3A, %ne3A_33 : i1
    %sub3A = arith.constant 1 : i32
    %sub3A_35 = arith.subi %div3A, %sub3A : i32
    %select_n3A_36 = arith.select %and3A_34, %sub3A_35, %div3A : i32
    %mul3A_37 = arith.constant 8 : i32
    %mul3A_38 = arith.muli %select_n3A_36, %mul3A_37 : i32
    %min3A_39 = arith.constant 2448 : i32
    %min3A_40 = arith.minsi %mul3A_38, %min3A_39 : i32
    %multiple_of3A_41 = tpu.assume_multiple %min3A_40, 8 : i32
    %sub3A_42 = arith.subi %add3A_17, %multiple_of3A_41 : i32
    %dma_start3A = arith.constant 0 : i32
    %dma_start3A_43 = tpu.memref_slice %arg3[%multiple_of3A_41, %dma_start3A] : memref<2504x128xi32, #tpu.memory_space<hbm>> -> memref<56x128xi32, #tpu.memory_space<hbm>>
    %dma_start3A_44 = arith.constant 0 : i32
    %dma_start3A_45 = tpu.memref_slice %arg3[%multiple_of3A_41, %dma_start3A_44] : memref<2504x128xi32, #tpu.memory_space<hbm>> -> memref<56x128xi32, #tpu.memory_space<hbm>>
    tpu.enqueue_dma source(%dma_start3A_45 : memref<56x128xi32, #tpu.memory_space<hbm>>) target(%arg6 : memref<56x128xi32, #tpu.memory_space<vmem>>) target_semaphore(%arg10 : memref<!tpu.dma_semaphore, #tpu.memory_space<semaphore_mem>>)
    "tpu.region"() ({
      %run_scoped3A = tpu.sem_alloc : memref<!tpu.dma_semaphore, #tpu.memory_space<semaphore_mem>>
      %dma_start3A_104 = arith.constant 0 : i32
      %dma_start3A_105 = tpu.memref_slice %arg9[%multiple_of3A, %dma_start3A_104] : memref<10000x128xf32, #tpu.memory_space<vmem_shared>> -> memref<640x128xf32, #tpu.memory_space<vmem_shared>>
      %dma_start3A_106 = arith.constant 0 : i32
      %dma_start3A_107 = tpu.memref_slice %arg4[%multiple_of3A, %dma_start3A_106] : memref<10000x128xf32, #tpu.memory_space<hbm>> -> memref<640x128xf32, #tpu.memory_space<hbm>>
      tpu.enqueue_dma source(%dma_start3A_107 : memref<640x128xf32, #tpu.memory_space<hbm>>) target(%dma_start3A_105 : memref<640x128xf32, #tpu.memory_space<vmem_shared>>) target_semaphore(%run_scoped3A : memref<!tpu.dma_semaphore, #tpu.memory_space<semaphore_mem>>)
      %dma_wait3A_108 = arith.constant 0 : i32
      %dma_wait3A_109 = tpu.memref_slice %arg9[%multiple_of3A, %dma_wait3A_108] : memref<10000x128xf32, #tpu.memory_space<vmem_shared>> -> memref<640x128xf32, #tpu.memory_space<vmem_shared>>
      %dma_wait3A_110 = arith.constant 0 : i32
      %dma_wait3A_111 = tpu.memref_slice %arg4[%multiple_of3A, %dma_wait3A_110] : memref<10000x128xf32, #tpu.memory_space<hbm>> -> memref<640x128xf32, #tpu.memory_space<hbm>>
      tpu.wait_dma2 semaphore(%run_scoped3A : memref<!tpu.dma_semaphore, #tpu.memory_space<semaphore_mem>>) src(%dma_wait3A_111 : memref<640x128xf32, #tpu.memory_space<hbm>>) dst(%dma_wait3A_109 : memref<640x128xf32, #tpu.memory_space<vmem_shared>>)
      tpu.yield
    }) : () -> ()
    %dma_wait3A = arith.constant 0 : i32
    %dma_wait3A_46 = arith.constant 0 : i32
    %dma_wait3A_47 = tpu.memref_slice %arg3[%dma_wait3A, %dma_wait3A_46] : memref<2504x128xi32, #tpu.memory_space<hbm>> -> memref<56x128xi32, #tpu.memory_space<hbm>>
    %dma_wait3A_48 = arith.constant 0 : i32
    %dma_wait3A_49 = arith.constant 0 : i32
    %dma_wait3A_50 = tpu.memref_slice %arg3[%dma_wait3A_48, %dma_wait3A_49] : memref<2504x128xi32, #tpu.memory_space<hbm>> -> memref<56x128xi32, #tpu.memory_space<hbm>>
    tpu.wait_dma2 semaphore(%arg10 : memref<!tpu.dma_semaphore, #tpu.memory_space<semaphore_mem>>) src(%dma_wait3A_50 : memref<56x128xi32, #tpu.memory_space<hbm>>) dst(%arg6 : memref<56x128xi32, #tpu.memory_space<vmem>>)
    %barrier3A = arith.constant 0 : index
    tpu.barrier barrier_id(%barrier3A)
    %add3A_51 = arith.constant 0 : i32
    %add3A_52 = arith.addi %mul3A_4, %add3A_51 : i32
    %dma_start3A_53 = arith.constant 0 : i32
    %dma_start3A_54 = tpu.memref_slice %arg2[%add3A_52, %dma_start3A_53] : memref<160000x128xf32, #tpu.memory_space<hbm>> -> memref<128x128xf32, #tpu.memory_space<hbm>>
    %dma_start3A_55 = arith.constant 0 : i32
    %dma_start3A_56 = tpu.memref_slice %arg2[%add3A_52, %dma_start3A_55] : memref<160000x128xf32, #tpu.memory_space<hbm>> -> memref<128x128xf32, #tpu.memory_space<hbm>>
    tpu.enqueue_dma source(%dma_start3A_56 : memref<128x128xf32, #tpu.memory_space<hbm>>) target(%arg7 : memref<128x128xf32, #tpu.memory_space<vmem>>) target_semaphore(%arg10 : memref<!tpu.dma_semaphore, #tpu.memory_space<semaphore_mem>>)
    %add3A_57 = arith.constant 128 : i32
    %add3A_58 = arith.addi %mul3A_4, %add3A_57 : i32
    %dma_start3A_59 = arith.constant 0 : i32
    %dma_start3A_60 = tpu.memref_slice %arg2[%add3A_58, %dma_start3A_59] : memref<160000x128xf32, #tpu.memory_space<hbm>> -> memref<128x128xf32, #tpu.memory_space<hbm>>
    %dma_start3A_61 = arith.constant 0 : i32
    %dma_start3A_62 = tpu.memref_slice %arg2[%add3A_58, %dma_start3A_61] : memref<160000x128xf32, #tpu.memory_space<hbm>> -> memref<128x128xf32, #tpu.memory_space<hbm>>
    tpu.enqueue_dma source(%dma_start3A_62 : memref<128x128xf32, #tpu.memory_space<hbm>>) target(%arg8 : memref<128x128xf32, #tpu.memory_space<vmem>>) target_semaphore(%arg11 : memref<!tpu.dma_semaphore, #tpu.memory_space<semaphore_mem>>)
    %jit3A_63 = arith.constant 2 : i32
    %div3A_64 = arith.divsi %add3A_10, %jit3A_63 : i32
    %sign3A_65 = arith.constant 0 : i32
    %sign3A_66 = arith.cmpi sgt, %add3A_10, %sign3A_65 : i32
    %sign3A_67 = arith.extui %sign3A_66 : i1 to i32
    %sign3A_68 = arith.constant 0 : i32
    %sign3A_69 = arith.cmpi slt, %add3A_10, %sign3A_68 : i32
    %sign3A_70 = arith.extui %sign3A_69 : i1 to i32
    %sign3A_71 = arith.subi %sign3A_67, %sign3A_70 : i32
    %sign3A_72 = arith.constant 0 : i32
    %sign3A_73 = arith.cmpi sgt, %jit3A_63, %sign3A_72 : i32
    %sign3A_74 = arith.extui %sign3A_73 : i1 to i32
    %sign3A_75 = arith.constant 0 : i32
    %sign3A_76 = arith.cmpi slt, %jit3A_63, %sign3A_75 : i32
    %sign3A_77 = arith.extui %sign3A_76 : i1 to i32
    %sign3A_78 = arith.subi %sign3A_74, %sign3A_77 : i32
    %ne3A_79 = arith.cmpi ne, %sign3A_71, %sign3A_78 : i32
    %rem3A_80 = arith.remsi %add3A_10, %jit3A_63 : i32
    %ne3A_81 = arith.constant 0 : i32
    %ne3A_82 = arith.cmpi ne, %rem3A_80, %ne3A_81 : i32
    %and3A_83 = arith.andi %ne3A_79, %ne3A_82 : i1
    %sub3A_84 = arith.constant 1 : i32
    %sub3A_85 = arith.subi %div3A_64, %sub3A_84 : i32
    %select_n3A_86 = arith.select %and3A_83, %sub3A_85, %div3A_64 : i32
    %while3A = arith.constant 0 : i32
    %while3A_87 = arith.constant 0 : i32
    %while3A_88 = arith.subi %select_n3A_86, %while3A_87 : i32
    %while3A_89 = arith.addi %while3A_87, %while3A_88 : i32
    %while3A_90 = arith.constant 1 : i32
    %while3A_91 = arith.divsi %while3A_88, %while3A_90 : i32
    %while3A_92 = arith.muli %while3A_91, %while3A_90 : i32
    %while3A_93 = arith.addi %while3A_87, %while3A_92 : i32
    %while3A_94 = arith.constant 1 : i32
    scf.for %while3A_104 = %while3A_87 to %while3A_93 step %while3A_94  : i32 {
      %dma_wait3A_105 = arith.constant 0 : i32
      %dma_wait3A_106 = tpu.memref_slice %arg2[%mul3A_4, %dma_wait3A_105] : memref<160000x128xf32, #tpu.memory_space<hbm>> -> memref<128x128xf32, #tpu.memory_space<hbm>>
      %dma_wait3A_107 = arith.constant 0 : i32
      %dma_wait3A_108 = tpu.memref_slice %arg2[%mul3A_4, %dma_wait3A_107] : memref<160000x128xf32, #tpu.memory_space<hbm>> -> memref<128x128xf32, #tpu.memory_space<hbm>>
      tpu.wait_dma2 semaphore(%arg10 : memref<!tpu.dma_semaphore, #tpu.memory_space<semaphore_mem>>) src(%dma_wait3A_108 : memref<128x128xf32, #tpu.memory_space<hbm>>) dst(%arg7 : memref<128x128xf32, #tpu.memory_space<vmem>>)
      %mul3A_109 = arith.constant 2 : i32
      %mul3A_110 = arith.muli %mul3A_109, %while3A_104 : i32
      %add3A_111 = arith.addi %sub3A_42, %mul3A_110 : i32
      "tpu.region"() ({
        %run_scoped3A = tpu.sem_alloc : memref<!tpu.dma_semaphore, #tpu.memory_space<semaphore_mem>>
        %dma_start3A_134 = arith.constant 0 : i32
        %dma_start3A_135 = tpu.memref_slice %arg6[%add3A_111, %dma_start3A_134] : memref<56x128xi32, #tpu.memory_space<vmem>> -> memref<1x128xi32, #tpu.memory_space<vmem>>
        %dma_start3A_136 = tpu.memref_squeeze %dma_start3A_135 : memref<1x128xi32, #tpu.memory_space<vmem>> -> memref<128xi32, #tpu.memory_space<vmem>>
        %dma_start3A_137 = arith.constant 0 : i32
        %dma_start3A_138 = arith.constant 0 : i32
        %dma_start3A_139 = tpu.memref_slice %arg9[%dma_start3A_137, %dma_start3A_138] : memref<10000x128xf32, #tpu.memory_space<vmem_shared>> -> memref<10000x128xf32, #tpu.memory_space<vmem_shared>>
        tpu.enqueue_indirect_dma source(%arg7 : memref<128x128xf32, #tpu.memory_space<vmem>>) target(%dma_start3A_139 : memref<10000x128xf32, #tpu.memory_space<vmem_shared>>) offsets(%dma_start3A_136 : memref<128xi32, #tpu.memory_space<vmem>>) semaphore(%run_scoped3A : memref<!tpu.dma_semaphore, #tpu.memory_space<semaphore_mem>>) {add = true}
        %dma_wait3A_140 = arith.constant 0 : i32
        %dma_wait3A_141 = tpu.memref_slice %arg6[%add3A_111, %dma_wait3A_140] : memref<56x128xi32, #tpu.memory_space<vmem>> -> memref<1x128xi32, #tpu.memory_space<vmem>>
        %dma_wait3A_142 = tpu.memref_squeeze %dma_wait3A_141 : memref<1x128xi32, #tpu.memory_space<vmem>> -> memref<128xi32, #tpu.memory_space<vmem>>
        %dma_wait3A_143 = arith.constant 0 : i32
        %dma_wait3A_144 = arith.constant 0 : i32
        %dma_wait3A_145 = tpu.memref_slice %arg9[%dma_wait3A_143, %dma_wait3A_144] : memref<10000x128xf32, #tpu.memory_space<vmem_shared>> -> memref<10000x128xf32, #tpu.memory_space<vmem_shared>>
        tpu.wait_indirect_dma semaphore(%run_scoped3A : memref<!tpu.dma_semaphore, #tpu.memory_space<semaphore_mem>>) src(%arg7 : memref<128x128xf32, #tpu.memory_space<vmem>>) dst(%dma_wait3A_145 : memref<10000x128xf32, #tpu.memory_space<vmem_shared>>)
        tpu.yield
      }) : () -> ()
      %mul3A_112 = arith.constant 2 : i32
      %mul3A_113 = arith.muli %mul3A_112, %while3A_104 : i32
      %add3A_114 = arith.constant 2 : i32
      %add3A_115 = arith.addi %mul3A_113, %add3A_114 : i32
      %lt3A = arith.cmpi slt, %add3A_115, %add3A_10 : i32
      %convert_element_type3A = arith.extui %lt3A : i1 to i32
      %cond3A = arith.constant 0 : i32
      %cond3A_116 = arith.cmpi ne, %convert_element_type3A, %cond3A : i32
      scf.if %cond3A_116 {
        %mul3A_134 = arith.constant 2 : i32
        %mul3A_135 = arith.muli %mul3A_134, %while3A_104 : i32
        %add3A_136 = arith.constant 2 : i32
        %add3A_137 = arith.addi %mul3A_135, %add3A_136 : i32
        %mul3A_138 = arith.constant 128 : i32
        %mul3A_139 = arith.muli %add3A_137, %mul3A_138 : i32
        %add3A_140 = arith.addi %mul3A_4, %mul3A_139 : i32
        %dma_start3A_141 = arith.constant 0 : i32
        %dma_start3A_142 = tpu.memref_slice %arg2[%add3A_140, %dma_start3A_141] : memref<160000x128xf32, #tpu.memory_space<hbm>> -> memref<128x128xf32, #tpu.memory_space<hbm>>
        %dma_start3A_143 = arith.constant 0 : i32
        %dma_start3A_144 = tpu.memref_slice %arg2[%add3A_140, %dma_start3A_143] : memref<160000x128xf32, #tpu.memory_space<hbm>> -> memref<128x128xf32, #tpu.memory_space<hbm>>
        tpu.enqueue_dma source(%dma_start3A_144 : memref<128x128xf32, #tpu.memory_space<hbm>>) target(%arg7 : memref<128x128xf32, #tpu.memory_space<vmem>>) target_semaphore(%arg10 : memref<!tpu.dma_semaphore, #tpu.memory_space<semaphore_mem>>)
      } else {
      }
      %dma_wait3A_117 = arith.constant 0 : i32
      %dma_wait3A_118 = tpu.memref_slice %arg2[%mul3A_4, %dma_wait3A_117] : memref<160000x128xf32, #tpu.memory_space<hbm>> -> memref<128x128xf32, #tpu.memory_space<hbm>>
      %dma_wait3A_119 = arith.constant 0 : i32
      %dma_wait3A_120 = tpu.memref_slice %arg2[%mul3A_4, %dma_wait3A_119] : memref<160000x128xf32, #tpu.memory_space<hbm>> -> memref<128x128xf32, #tpu.memory_space<hbm>>
      tpu.wait_dma2 semaphore(%arg11 : memref<!tpu.dma_semaphore, #tpu.memory_space<semaphore_mem>>) src(%dma_wait3A_120 : memref<128x128xf32, #tpu.memory_space<hbm>>) dst(%arg8 : memref<128x128xf32, #tpu.memory_space<vmem>>)
      %mul3A_121 = arith.constant 2 : i32
      %mul3A_122 = arith.muli %mul3A_121, %while3A_104 : i32
      %add3A_123 = arith.addi %sub3A_42, %mul3A_122 : i32
      %add3A_124 = arith.constant 1 : i32
      %add3A_125 = arith.addi %add3A_123, %add3A_124 : i32
      "tpu.region"() ({
        %run_scoped3A = tpu.sem_alloc : memref<!tpu.dma_semaphore, #tpu.memory_space<semaphore_mem>>
        %dma_start3A_134 = arith.constant 0 : i32
        %dma_start3A_135 = tpu.memref_slice %arg6[%add3A_125, %dma_start3A_134] : memref<56x128xi32, #tpu.memory_space<vmem>> -> memref<1x128xi32, #tpu.memory_space<vmem>>
        %dma_start3A_136 = tpu.memref_squeeze %dma_start3A_135 : memref<1x128xi32, #tpu.memory_space<vmem>> -> memref<128xi32, #tpu.memory_space<vmem>>
        %dma_start3A_137 = arith.constant 0 : i32
        %dma_start3A_138 = arith.constant 0 : i32
        %dma_start3A_139 = tpu.memref_slice %arg9[%dma_start3A_137, %dma_start3A_138] : memref<10000x128xf32, #tpu.memory_space<vmem_shared>> -> memref<10000x128xf32, #tpu.memory_space<vmem_shared>>
        tpu.enqueue_indirect_dma source(%arg8 : memref<128x128xf32, #tpu.memory_space<vmem>>) target(%dma_start3A_139 : memref<10000x128xf32, #tpu.memory_space<vmem_shared>>) offsets(%dma_start3A_136 : memref<128xi32, #tpu.memory_space<vmem>>) semaphore(%run_scoped3A : memref<!tpu.dma_semaphore, #tpu.memory_space<semaphore_mem>>) {add = true}
        %dma_wait3A_140 = arith.constant 0 : i32
        %dma_wait3A_141 = tpu.memref_slice %arg6[%add3A_125, %dma_wait3A_140] : memref<56x128xi32, #tpu.memory_space<vmem>> -> memref<1x128xi32, #tpu.memory_space<vmem>>
        %dma_wait3A_142 = tpu.memref_squeeze %dma_wait3A_141 : memref<1x128xi32, #tpu.memory_space<vmem>> -> memref<128xi32, #tpu.memory_space<vmem>>
        %dma_wait3A_143 = arith.constant 0 : i32
        %dma_wait3A_144 = arith.constant 0 : i32
        %dma_wait3A_145 = tpu.memref_slice %arg9[%dma_wait3A_143, %dma_wait3A_144] : memref<10000x128xf32, #tpu.memory_space<vmem_shared>> -> memref<10000x128xf32, #tpu.memory_space<vmem_shared>>
        tpu.wait_indirect_dma semaphore(%run_scoped3A : memref<!tpu.dma_semaphore, #tpu.memory_space<semaphore_mem>>) src(%arg8 : memref<128x128xf32, #tpu.memory_space<vmem>>) dst(%dma_wait3A_145 : memref<10000x128xf32, #tpu.memory_space<vmem_shared>>)
        tpu.yield
      }) : () -> ()
      %mul3A_126 = arith.constant 2 : i32
      %mul3A_127 = arith.muli %mul3A_126, %while3A_104 : i32
      %add3A_128 = arith.constant 3 : i32
      %add3A_129 = arith.addi %mul3A_127, %add3A_128 : i32
      %lt3A_130 = arith.cmpi slt, %add3A_129, %add3A_10 : i32
      %convert_element_type3A_131 = arith.extui %lt3A_130 : i1 to i32
      %cond3A_132 = arith.constant 0 : i32
      %cond3A_133 = arith.cmpi ne, %convert_element_type3A_131, %cond3A_132 : i32
      scf.if %cond3A_133 {
        %mul3A_134 = arith.constant 2 : i32
        %mul3A_135 = arith.muli %mul3A_134, %while3A_104 : i32
        %add3A_136 = arith.constant 3 : i32
        %add3A_137 = arith.addi %mul3A_135, %add3A_136 : i32
        %mul3A_138 = arith.constant 128 : i32
        %mul3A_139 = arith.muli %add3A_137, %mul3A_138 : i32
        %add3A_140 = arith.addi %mul3A_4, %mul3A_139 : i32
        %dma_start3A_141 = arith.constant 0 : i32
        %dma_start3A_142 = tpu.memref_slice %arg2[%add3A_140, %dma_start3A_141] : memref<160000x128xf32, #tpu.memory_space<hbm>> -> memref<128x128xf32, #tpu.memory_space<hbm>>
        %dma_start3A_143 = arith.constant 0 : i32
        %dma_start3A_144 = tpu.memref_slice %arg2[%add3A_140, %dma_start3A_143] : memref<160000x128xf32, #tpu.memory_space<hbm>> -> memref<128x128xf32, #tpu.memory_space<hbm>>
        tpu.enqueue_dma source(%dma_start3A_144 : memref<128x128xf32, #tpu.memory_space<hbm>>) target(%arg8 : memref<128x128xf32, #tpu.memory_space<vmem>>) target_semaphore(%arg11 : memref<!tpu.dma_semaphore, #tpu.memory_space<semaphore_mem>>)
      } else {
      }
    }
    %while3A_95 = arith.constant 1 : i32
    scf.for %while3A_104 = %while3A_93 to %while3A_89 step %while3A_95  : i32 {
      %dma_wait3A_105 = arith.constant 0 : i32
      %dma_wait3A_106 = tpu.memref_slice %arg2[%mul3A_4, %dma_wait3A_105] : memref<160000x128xf32, #tpu.memory_space<hbm>> -> memref<128x128xf32, #tpu.memory_space<hbm>>
      %dma_wait3A_107 = arith.constant 0 : i32
      %dma_wait3A_108 = tpu.memref_slice %arg2[%mul3A_4, %dma_wait3A_107] : memref<160000x128xf32, #tpu.memory_space<hbm>> -> memref<128x128xf32, #tpu.memory_space<hbm>>
      tpu.wait_dma2 semaphore(%arg10 : memref<!tpu.dma_semaphore, #tpu.memory_space<semaphore_mem>>) src(%dma_wait3A_108 : memref<128x128xf32, #tpu.memory_space<hbm>>) dst(%arg7 : memref<128x128xf32, #tpu.memory_space<vmem>>)
      %mul3A_109 = arith.constant 2 : i32
      %mul3A_110 = arith.muli %mul3A_109, %while3A_104 : i32
      %add3A_111 = arith.addi %sub3A_42, %mul3A_110 : i32
      "tpu.region"() ({
        %run_scoped3A = tpu.sem_alloc : memref<!tpu.dma_semaphore, #tpu.memory_space<semaphore_mem>>
        %dma_start3A_134 = arith.constant 0 : i32
        %dma_start3A_135 = tpu.memref_slice %arg6[%add3A_111, %dma_start3A_134] : memref<56x128xi32, #tpu.memory_space<vmem>> -> memref<1x128xi32, #tpu.memory_space<vmem>>
        %dma_start3A_136 = tpu.memref_squeeze %dma_start3A_135 : memref<1x128xi32, #tpu.memory_space<vmem>> -> memref<128xi32, #tpu.memory_space<vmem>>
        %dma_start3A_137 = arith.constant 0 : i32
        %dma_start3A_138 = arith.constant 0 : i32
        %dma_start3A_139 = tpu.memref_slice %arg9[%dma_start3A_137, %dma_start3A_138] : memref<10000x128xf32, #tpu.memory_space<vmem_shared>> -> memref<10000x128xf32, #tpu.memory_space<vmem_shared>>
        tpu.enqueue_indirect_dma source(%arg7 : memref<128x128xf32, #tpu.memory_space<vmem>>) target(%dma_start3A_139 : memref<10000x128xf32, #tpu.memory_space<vmem_shared>>) offsets(%dma_start3A_136 : memref<128xi32, #tpu.memory_space<vmem>>) semaphore(%run_scoped3A : memref<!tpu.dma_semaphore, #tpu.memory_space<semaphore_mem>>) {add = true}
        %dma_wait3A_140 = arith.constant 0 : i32
        %dma_wait3A_141 = tpu.memref_slice %arg6[%add3A_111, %dma_wait3A_140] : memref<56x128xi32, #tpu.memory_space<vmem>> -> memref<1x128xi32, #tpu.memory_space<vmem>>
        %dma_wait3A_142 = tpu.memref_squeeze %dma_wait3A_141 : memref<1x128xi32, #tpu.memory_space<vmem>> -> memref<128xi32, #tpu.memory_space<vmem>>
        %dma_wait3A_143 = arith.constant 0 : i32
        %dma_wait3A_144 = arith.constant 0 : i32
        %dma_wait3A_145 = tpu.memref_slice %arg9[%dma_wait3A_143, %dma_wait3A_144] : memref<10000x128xf32, #tpu.memory_space<vmem_shared>> -> memref<10000x128xf32, #tpu.memory_space<vmem_shared>>
        tpu.wait_indirect_dma semaphore(%run_scoped3A : memref<!tpu.dma_semaphore, #tpu.memory_space<semaphore_mem>>) src(%arg7 : memref<128x128xf32, #tpu.memory_space<vmem>>) dst(%dma_wait3A_145 : memref<10000x128xf32, #tpu.memory_space<vmem_shared>>)
        tpu.yield
      }) : () -> ()
      %mul3A_112 = arith.constant 2 : i32
      %mul3A_113 = arith.muli %mul3A_112, %while3A_104 : i32
      %add3A_114 = arith.constant 2 : i32
      %add3A_115 = arith.addi %mul3A_113, %add3A_114 : i32
      %lt3A = arith.cmpi slt, %add3A_115, %add3A_10 : i32
      %convert_element_type3A = arith.extui %lt3A : i1 to i32
      %cond3A = arith.constant 0 : i32
      %cond3A_116 = arith.cmpi ne, %convert_element_type3A, %cond3A : i32
      scf.if %cond3A_116 {
        %mul3A_134 = arith.constant 2 : i32
        %mul3A_135 = arith.muli %mul3A_134, %while3A_104 : i32
        %add3A_136 = arith.constant 2 : i32
        %add3A_137 = arith.addi %mul3A_135, %add3A_136 : i32
        %mul3A_138 = arith.constant 128 : i32
        %mul3A_139 = arith.muli %add3A_137, %mul3A_138 : i32
        %add3A_140 = arith.addi %mul3A_4, %mul3A_139 : i32
        %dma_start3A_141 = arith.constant 0 : i32
        %dma_start3A_142 = tpu.memref_slice %arg2[%add3A_140, %dma_start3A_141] : memref<160000x128xf32, #tpu.memory_space<hbm>> -> memref<128x128xf32, #tpu.memory_space<hbm>>
        %dma_start3A_143 = arith.constant 0 : i32
        %dma_start3A_144 = tpu.memref_slice %arg2[%add3A_140, %dma_start3A_143] : memref<160000x128xf32, #tpu.memory_space<hbm>> -> memref<128x128xf32, #tpu.memory_space<hbm>>
        tpu.enqueue_dma source(%dma_start3A_144 : memref<128x128xf32, #tpu.memory_space<hbm>>) target(%arg7 : memref<128x128xf32, #tpu.memory_space<vmem>>) target_semaphore(%arg10 : memref<!tpu.dma_semaphore, #tpu.memory_space<semaphore_mem>>)
      } else {
      }
      %dma_wait3A_117 = arith.constant 0 : i32
      %dma_wait3A_118 = tpu.memref_slice %arg2[%mul3A_4, %dma_wait3A_117] : memref<160000x128xf32, #tpu.memory_space<hbm>> -> memref<128x128xf32, #tpu.memory_space<hbm>>
      %dma_wait3A_119 = arith.constant 0 : i32
      %dma_wait3A_120 = tpu.memref_slice %arg2[%mul3A_4, %dma_wait3A_119] : memref<160000x128xf32, #tpu.memory_space<hbm>> -> memref<128x128xf32, #tpu.memory_space<hbm>>
      tpu.wait_dma2 semaphore(%arg11 : memref<!tpu.dma_semaphore, #tpu.memory_space<semaphore_mem>>) src(%dma_wait3A_120 : memref<128x128xf32, #tpu.memory_space<hbm>>) dst(%arg8 : memref<128x128xf32, #tpu.memory_space<vmem>>)
      %mul3A_121 = arith.constant 2 : i32
      %mul3A_122 = arith.muli %mul3A_121, %while3A_104 : i32
      %add3A_123 = arith.addi %sub3A_42, %mul3A_122 : i32
      %add3A_124 = arith.constant 1 : i32
      %add3A_125 = arith.addi %add3A_123, %add3A_124 : i32
      "tpu.region"() ({
        %run_scoped3A = tpu.sem_alloc : memref<!tpu.dma_semaphore, #tpu.memory_space<semaphore_mem>>
        %dma_start3A_134 = arith.constant 0 : i32
        %dma_start3A_135 = tpu.memref_slice %arg6[%add3A_125, %dma_start3A_134] : memref<56x128xi32, #tpu.memory_space<vmem>> -> memref<1x128xi32, #tpu.memory_space<vmem>>
        %dma_start3A_136 = tpu.memref_squeeze %dma_start3A_135 : memref<1x128xi32, #tpu.memory_space<vmem>> -> memref<128xi32, #tpu.memory_space<vmem>>
        %dma_start3A_137 = arith.constant 0 : i32
        %dma_start3A_138 = arith.constant 0 : i32
        %dma_start3A_139 = tpu.memref_slice %arg9[%dma_start3A_137, %dma_start3A_138] : memref<10000x128xf32, #tpu.memory_space<vmem_shared>> -> memref<10000x128xf32, #tpu.memory_space<vmem_shared>>
        tpu.enqueue_indirect_dma source(%arg8 : memref<128x128xf32, #tpu.memory_space<vmem>>) target(%dma_start3A_139 : memref<10000x128xf32, #tpu.memory_space<vmem_shared>>) offsets(%dma_start3A_136 : memref<128xi32, #tpu.memory_space<vmem>>) semaphore(%run_scoped3A : memref<!tpu.dma_semaphore, #tpu.memory_space<semaphore_mem>>) {add = true}
        %dma_wait3A_140 = arith.constant 0 : i32
        %dma_wait3A_141 = tpu.memref_slice %arg6[%add3A_125, %dma_wait3A_140] : memref<56x128xi32, #tpu.memory_space<vmem>> -> memref<1x128xi32, #tpu.memory_space<vmem>>
        %dma_wait3A_142 = tpu.memref_squeeze %dma_wait3A_141 : memref<1x128xi32, #tpu.memory_space<vmem>> -> memref<128xi32, #tpu.memory_space<vmem>>
        %dma_wait3A_143 = arith.constant 0 : i32
        %dma_wait3A_144 = arith.constant 0 : i32
        %dma_wait3A_145 = tpu.memref_slice %arg9[%dma_wait3A_143, %dma_wait3A_144] : memref<10000x128xf32, #tpu.memory_space<vmem_shared>> -> memref<10000x128xf32, #tpu.memory_space<vmem_shared>>
        tpu.wait_indirect_dma semaphore(%run_scoped3A : memref<!tpu.dma_semaphore, #tpu.memory_space<semaphore_mem>>) src(%arg8 : memref<128x128xf32, #tpu.memory_space<vmem>>) dst(%dma_wait3A_145 : memref<10000x128xf32, #tpu.memory_space<vmem_shared>>)
        tpu.yield
      }) : () -> ()
      %mul3A_126 = arith.constant 2 : i32
      %mul3A_127 = arith.muli %mul3A_126, %while3A_104 : i32
      %add3A_128 = arith.constant 3 : i32
      %add3A_129 = arith.addi %mul3A_127, %add3A_128 : i32
      %lt3A_130 = arith.cmpi slt, %add3A_129, %add3A_10 : i32
      %convert_element_type3A_131 = arith.extui %lt3A_130 : i1 to i32
      %cond3A_132 = arith.constant 0 : i32
      %cond3A_133 = arith.cmpi ne, %convert_element_type3A_131, %cond3A_132 : i32
      scf.if %cond3A_133 {
        %mul3A_134 = arith.constant 2 : i32
        %mul3A_135 = arith.muli %mul3A_134, %while3A_104 : i32
        %add3A_136 = arith.constant 3 : i32
        %add3A_137 = arith.addi %mul3A_135, %add3A_136 : i32
        %mul3A_138 = arith.constant 128 : i32
        %mul3A_139 = arith.muli %add3A_137, %mul3A_138 : i32
        %add3A_140 = arith.addi %mul3A_4, %mul3A_139 : i32
        %dma_start3A_141 = arith.constant 0 : i32
        %dma_start3A_142 = tpu.memref_slice %arg2[%add3A_140, %dma_start3A_141] : memref<160000x128xf32, #tpu.memory_space<hbm>> -> memref<128x128xf32, #tpu.memory_space<hbm>>
        %dma_start3A_143 = arith.constant 0 : i32
        %dma_start3A_144 = tpu.memref_slice %arg2[%add3A_140, %dma_start3A_143] : memref<160000x128xf32, #tpu.memory_space<hbm>> -> memref<128x128xf32, #tpu.memory_space<hbm>>
        tpu.enqueue_dma source(%dma_start3A_144 : memref<128x128xf32, #tpu.memory_space<hbm>>) target(%arg8 : memref<128x128xf32, #tpu.memory_space<vmem>>) target_semaphore(%arg11 : memref<!tpu.dma_semaphore, #tpu.memory_space<semaphore_mem>>)
      } else {
      }
    }
    %dma_wait3A_96 = arith.constant 0 : i32
    %dma_wait3A_97 = tpu.memref_slice %arg2[%mul3A_4, %dma_wait3A_96] : memref<160000x128xf32, #tpu.memory_space<hbm>> -> memref<128x128xf32, #tpu.memory_space<hbm>>
    %dma_wait3A_98 = arith.constant 0 : i32
    %dma_wait3A_99 = tpu.memref_slice %arg2[%mul3A_4, %dma_wait3A_98] : memref<160000x128xf32, #tpu.memory_space<hbm>> -> memref<128x128xf32, #tpu.memory_space<hbm>>
    tpu.wait_dma2 semaphore(%arg10 : memref<!tpu.dma_semaphore, #tpu.memory_space<semaphore_mem>>) src(%dma_wait3A_99 : memref<128x128xf32, #tpu.memory_space<hbm>>) dst(%arg7 : memref<128x128xf32, #tpu.memory_space<vmem>>)
    %add3A_100 = arith.addi %sub3A_42, %add3A_10 : i32
    %sub3A_101 = arith.constant 1 : i32
    %sub3A_102 = arith.subi %add3A_100, %sub3A_101 : i32
    "tpu.region"() ({
      %run_scoped3A = tpu.sem_alloc : memref<!tpu.dma_semaphore, #tpu.memory_space<semaphore_mem>>
      %dma_start3A_104 = arith.constant 0 : i32
      %dma_start3A_105 = tpu.memref_slice %arg6[%sub3A_102, %dma_start3A_104] : memref<56x128xi32, #tpu.memory_space<vmem>> -> memref<1x128xi32, #tpu.memory_space<vmem>>
      %dma_start3A_106 = tpu.memref_squeeze %dma_start3A_105 : memref<1x128xi32, #tpu.memory_space<vmem>> -> memref<128xi32, #tpu.memory_space<vmem>>
      %dma_start3A_107 = arith.constant 0 : i32
      %dma_start3A_108 = arith.constant 0 : i32
      %dma_start3A_109 = tpu.memref_slice %arg9[%dma_start3A_107, %dma_start3A_108] : memref<10000x128xf32, #tpu.memory_space<vmem_shared>> -> memref<10000x128xf32, #tpu.memory_space<vmem_shared>>
      tpu.enqueue_indirect_dma source(%arg7 : memref<128x128xf32, #tpu.memory_space<vmem>>) target(%dma_start3A_109 : memref<10000x128xf32, #tpu.memory_space<vmem_shared>>) offsets(%dma_start3A_106 : memref<128xi32, #tpu.memory_space<vmem>>) semaphore(%run_scoped3A : memref<!tpu.dma_semaphore, #tpu.memory_space<semaphore_mem>>) {add = true}
      %dma_wait3A_110 = arith.constant 0 : i32
      %dma_wait3A_111 = tpu.memref_slice %arg6[%sub3A_102, %dma_wait3A_110] : memref<56x128xi32, #tpu.memory_space<vmem>> -> memref<1x128xi32, #tpu.memory_space<vmem>>
      %dma_wait3A_112 = tpu.memref_squeeze %dma_wait3A_111 : memref<1x128xi32, #tpu.memory_space<vmem>> -> memref<128xi32, #tpu.memory_space<vmem>>
      %dma_wait3A_113 = arith.constant 0 : i32
      %dma_wait3A_114 = arith.constant 0 : i32
      %dma_wait3A_115 = tpu.memref_slice %arg9[%dma_wait3A_113, %dma_wait3A_114] : memref<10000x128xf32, #tpu.memory_space<vmem_shared>> -> memref<10000x128xf32, #tpu.memory_space<vmem_shared>>
      tpu.wait_indirect_dma semaphore(%run_scoped3A : memref<!tpu.dma_semaphore, #tpu.memory_space<semaphore_mem>>) src(%arg7 : memref<128x128xf32, #tpu.memory_space<vmem>>) dst(%dma_wait3A_115 : memref<10000x128xf32, #tpu.memory_space<vmem_shared>>)
      tpu.yield
    }) : () -> ()
    %barrier3A_103 = arith.constant 0 : index
    tpu.barrier barrier_id(%barrier3A_103)
    "tpu.region"() ({
      %run_scoped3A = tpu.sem_alloc : memref<!tpu.dma_semaphore, #tpu.memory_space<semaphore_mem>>
      %dma_start3A_104 = arith.constant 0 : i32
      %dma_start3A_105 = tpu.memref_slice %arg5[%arg0, %multiple_of3A, %dma_start3A_104] : memref<2x10000x128xf32, #tpu.memory_space<hbm>> -> memref<1x640x128xf32, #tpu.memory_space<hbm>>
      %dma_start3A_106 = tpu.memref_squeeze %dma_start3A_105 : memref<1x640x128xf32, #tpu.memory_space<hbm>> -> memref<640x128xf32, #tpu.memory_space<hbm>>
      %dma_start3A_107 = arith.constant 0 : i32
      %dma_start3A_108 = tpu.memref_slice %arg9[%multiple_of3A, %dma_start3A_107] : memref<10000x128xf32, #tpu.memory_space<vmem_shared>> -> memref<640x128xf32, #tpu.memory_space<vmem_shared>>
      tpu.enqueue_dma source(%dma_start3A_108 : memref<640x128xf32, #tpu.memory_space<vmem_shared>>) target(%dma_start3A_106 : memref<640x128xf32, #tpu.memory_space<hbm>>) target_semaphore(%run_scoped3A : memref<!tpu.dma_semaphore, #tpu.memory_space<semaphore_mem>>)
      %dma_wait3A_109 = arith.constant 0 : i32
      %dma_wait3A_110 = tpu.memref_slice %arg5[%arg0, %multiple_of3A, %dma_wait3A_109] : memref<2x10000x128xf32, #tpu.memory_space<hbm>> -> memref<1x640x128xf32, #tpu.memory_space<hbm>>
      %dma_wait3A_111 = tpu.memref_squeeze %dma_wait3A_110 : memref<1x640x128xf32, #tpu.memory_space<hbm>> -> memref<640x128xf32, #tpu.memory_space<hbm>>
      %dma_wait3A_112 = arith.constant 0 : i32
      %dma_wait3A_113 = tpu.memref_slice %arg9[%multiple_of3A, %dma_wait3A_112] : memref<10000x128xf32, #tpu.memory_space<vmem_shared>> -> memref<640x128xf32, #tpu.memory_space<vmem_shared>>
      tpu.wait_dma2 semaphore(%run_scoped3A : memref<!tpu.dma_semaphore, #tpu.memory_space<semaphore_mem>>) src(%dma_wait3A_113 : memref<640x128xf32, #tpu.memory_space<vmem_shared>>) dst(%dma_wait3A_111 : memref<640x128xf32, #tpu.memory_space<hbm>>)
      tpu.yield
    }) : () -> ()
    return
  }
}

module attributes {stable_mosaic.version = 14 : i64} {
  func.func @_edge_tc_body(%arg0: i32, %arg1: memref<2048xf32, #tpu.memory_space<vmem>>, %arg2: memref<2048xi32, #tpu.memory_space<vmem>>, %arg3: memref<128x128xf32, #tpu.memory_space<vmem>>, %arg4: memref<32x128xf32, #tpu.memory_space<vmem>>, %arg5: memref<2048x128xf32, #tpu.memory_space<vmem>>) attributes {dimension_semantics = [#tpu.dimension_semantics<arbitrary>], iteration_bounds = array<i64: 79>, scalar_prefetch = 0 : i64, scratch_operands = 0 : i64, tpu.core_type = #tpu.core_type<tc>, window_params = [{transform_indices = @transform_0, window_bounds = array<i64: 2048>}, {transform_indices = @transform_1, window_bounds = array<i64: 2048>}, {pipeline_mode = #tpu.pipeline_mode<synchronous>, transform_indices = @transform_2, window_bounds = array<i64: 128, 128>}, {pipeline_mode = #tpu.pipeline_mode<synchronous>, transform_indices = @transform_3, window_bounds = array<i64: 32, 128>}, {transform_indices = @transform_4, window_bounds = array<i64: 2048, 128>}]} {
    %get3A = arith.constant 0 : index
    %get3A_0 = vector.load %arg1[%get3A] : memref<2048xf32, #tpu.memory_space<vmem>>, vector<2048xf32>
    %add3A = arith.constant 9.99999971E-10 : f32
    %add3A_1 = vector.broadcast %add3A : f32 to vector<2048xf32>
    %add3A_2 = arith.addf %get3A_0, %add3A_1 : vector<2048xf32>
    %sqrt3A = math.sqrt %add3A_2 : vector<2048xf32>
    %iota3A = tpu.iota {dimensions = array<i32: 0>} : vector<32x2048xi32>
    %convert_element_type3A = arith.sitofp %iota3A : vector<32x2048xi32> to vector<32x2048xf32>
    %mul3A = arith.constant 0.161290318 : f32
    %mul3A_3 = vector.broadcast %mul3A : f32 to vector<32x2048xf32>
    %mul3A_4 = arith.mulf %convert_element_type3A, %mul3A_3 : vector<32x2048xf32>
    %broadcast_in_dim3A = vector.shape_cast %sqrt3A : vector<2048xf32> to vector<1x2048xf32>
    %sub3A = vector.broadcast %broadcast_in_dim3A : vector<1x2048xf32> to vector<32x2048xf32>
    %sub3A_5 = arith.subf %sub3A, %mul3A_4 : vector<32x2048xf32>
    %integer_pow3A = arith.mulf %sub3A_5, %sub3A_5 : vector<32x2048xf32>
    %mul3A_6 = arith.constant -1.000000e+01 : f32
    %mul3A_7 = vector.broadcast %mul3A_6 : f32 to vector<32x2048xf32>
    %mul3A_8 = arith.mulf %mul3A_7, %integer_pow3A : vector<32x2048xf32>
    %exp3A = math.exp %mul3A_8 : vector<32x2048xf32>
    %jit3A = arith.constant 0.000000e+00 : f32
    %jit3A_9 = arith.constant 5.000000e+00 : f32
    %max3A = vector.broadcast %jit3A : f32 to vector<2048xf32>
    %max3A_10 = arith.maximumf %max3A, %sqrt3A : vector<2048xf32>
    %min3A = vector.broadcast %jit3A_9 : f32 to vector<2048xf32>
    %min3A_11 = arith.minimumf %min3A, %max3A_10 : vector<2048xf32>
    %mul3A_12 = arith.constant 3.14159274 : f32
    %mul3A_13 = vector.broadcast %mul3A_12 : f32 to vector<2048xf32>
    %mul3A_14 = arith.mulf %mul3A_13, %min3A_11 : vector<2048xf32>
    %div3A = arith.constant 5.000000e+00 : f32
    %div3A_15 = vector.broadcast %div3A : f32 to vector<2048xf32>
    %div3A_16 = arith.divf %mul3A_14, %div3A_15 : vector<2048xf32>
    %cos3A = math.cos %div3A_16 : vector<2048xf32>
    %add3A_17 = arith.constant 1.000000e+00 : f32
    %add3A_18 = vector.broadcast %add3A_17 : f32 to vector<2048xf32>
    %add3A_19 = arith.addf %cos3A, %add3A_18 : vector<2048xf32>
    %mul3A_20 = arith.constant 5.000000e-01 : f32
    %mul3A_21 = vector.broadcast %mul3A_20 : f32 to vector<2048xf32>
    %mul3A_22 = arith.mulf %mul3A_21, %add3A_19 : vector<2048xf32>
    %broadcast_in_dim3A_23 = vector.shape_cast %mul3A_22 : vector<2048xf32> to vector<1x2048xf32>
    %mul3A_24 = vector.broadcast %broadcast_in_dim3A_23 : vector<1x2048xf32> to vector<32x2048xf32>
    %mul3A_25 = arith.mulf %exp3A, %mul3A_24 : vector<32x2048xf32>
    %get3A_26 = arith.constant 0 : index
    %get3A_27 = arith.constant 0 : index
    %get3A_28 = vector.load %arg4[%get3A_26, %get3A_27] : memref<32x128xf32, #tpu.memory_space<vmem>>, vector<32x128xf32>
    %dot_general3A = arith.constant dense<0.000000e+00> : vector<2048x128xf32>
    %dot_general3A_29 = tpu.matmul %mul3A_25, %get3A_28, %dot_general3A {dimension_numbers = #tpu.dot_dimension_numbers<[0], [0], [1], [1], [0, 1, 1, 1], [], []>, transpose_lhs_hint = false} : vector<32x2048xf32>, vector<32x128xf32>, vector<2048x128xf32> -> vector<2048x128xf32>
    %get3A_30 = arith.constant 0 : index
    %get3A_31 = vector.load %arg2[%get3A_30] : memref<2048xi32, #tpu.memory_space<vmem>>, vector<2048xi32>
    %iota3A_32 = tpu.iota {dimensions = array<i32: 0>} : vector<128x2048xi32>
    %broadcast_in_dim3A_33 = vector.shape_cast %get3A_31 : vector<2048xi32> to vector<1x2048xi32>
    %eq3A = vector.broadcast %broadcast_in_dim3A_33 : vector<1x2048xi32> to vector<128x2048xi32>
    %eq3A_34 = arith.cmpi eq, %iota3A_32, %eq3A : vector<128x2048xi32>
    %convert_element_type3A_35 = arith.extui %eq3A_34 : vector<128x2048xi1> to vector<128x2048xi32>
    %convert_element_type3A_36 = arith.sitofp %convert_element_type3A_35 : vector<128x2048xi32> to vector<128x2048xf32>
    %get3A_37 = arith.constant 0 : index
    %get3A_38 = arith.constant 0 : index
    %get3A_39 = vector.load %arg3[%get3A_37, %get3A_38] : memref<128x128xf32, #tpu.memory_space<vmem>>, vector<128x128xf32>
    %dot_general3A_40 = arith.constant dense<0.000000e+00> : vector<2048x128xf32>
    %dot_general3A_41 = tpu.matmul %convert_element_type3A_36, %get3A_39, %dot_general3A_40 {dimension_numbers = #tpu.dot_dimension_numbers<[0], [0], [1], [1], [0, 1, 1, 1], [], []>, transpose_lhs_hint = false} : vector<128x2048xf32>, vector<128x128xf32>, vector<2048x128xf32> -> vector<2048x128xf32>
    %mul3A_42 = arith.mulf %dot_general3A_41, %dot_general3A_29 : vector<2048x128xf32>
    %swap3A = arith.constant 0 : index
    %swap3A_43 = arith.constant 0 : index
    %swap3A_44 = vector.load %arg5[%swap3A, %swap3A_43] : memref<2048x128xf32, #tpu.memory_space<vmem>>, vector<2048x128xf32>
    tpu.vector_store %arg5[%swap3A, %swap3A_43], %mul3A_42 {strides = array<i32>} : memref<2048x128xf32, #tpu.memory_space<vmem>>, vector<2048x128xf32>,
    return
  }
  func.func @transform_0(%arg0: i32) -> i32 {
    %c0_i32 = arith.constant 0 : i32
    return %arg0 : i32
  }
  func.func @transform_1(%arg0: i32) -> i32 {
    %c0_i32 = arith.constant 0 : i32
    return %arg0 : i32
  }
  func.func @transform_2(%arg0: i32) -> (i32, i32) {
    %c0_i32 = arith.constant 0 : i32
    %c0_i32_0 = arith.constant 0 : i32
    %c0_i32_1 = arith.constant 0 : i32
    return %c0_i32, %c0_i32_0 : i32, i32
  }
  func.func @transform_3(%arg0: i32) -> (i32, i32) {
    %c0_i32 = arith.constant 0 : i32
    %c0_i32_0 = arith.constant 0 : i32
    %c0_i32_1 = arith.constant 0 : i32
    return %c0_i32, %c0_i32_0 : i32, i32
  }
  func.func @transform_4(%arg0: i32) -> (i32, i32) {
    %c0_i32 = arith.constant 0 : i32
    %c0_i32_0 = arith.constant 0 : i32
    return %arg0, %c0_i32 : i32, i32
  }
}

module attributes {stable_mosaic.version = 14 : i64} {
  func.func @_node_tc_body(%arg0: i32, %arg1: memref<2x2000x128xf32, #tpu.memory_space<vmem>>, %arg2: memref<2x2000x128xf32, #tpu.memory_space<vmem>>, %arg3: memref<1x1x2000xi32, #tpu.memory_space<vmem>>, %arg4: memref<1x1x2000xi32, #tpu.memory_space<vmem>>, %arg5: memref<128x128xf32, #tpu.memory_space<vmem>>, %arg6: memref<128x128xf32, #tpu.memory_space<vmem>>, %arg7: memref<1x128xf32, #tpu.memory_space<vmem>>, %arg8: memref<128x64xf32, #tpu.memory_space<vmem>>, %arg9: memref<1x64xf32, #tpu.memory_space<vmem>>, %arg10: memref<1x64xf32, #tpu.memory_space<vmem>>, %arg11: memref<1x1xf32, #tpu.memory_space<vmem>>, %arg12: memref<64x1xf32, #tpu.memory_space<vmem>>) attributes {dimension_semantics = [#tpu.dimension_semantics<arbitrary>], iteration_bounds = array<i64: 5>, scalar_prefetch = 0 : i64, scratch_operands = 0 : i64, tpu.core_type = #tpu.core_type<tc>, window_params = [{transform_indices = @transform_0, window_bounds = array<i64: 2, 2000, 128>}, {transform_indices = @transform_1, window_bounds = array<i64: 2, 2000, 128>}, {transform_indices = @transform_2, window_bounds = array<i64: 1, 1, 2000>}, {transform_indices = @transform_3, window_bounds = array<i64: 1, 1, 2000>}, {pipeline_mode = #tpu.pipeline_mode<synchronous>, transform_indices = @transform_4, window_bounds = array<i64: 128, 128>}, {pipeline_mode = #tpu.pipeline_mode<synchronous>, transform_indices = @transform_5, window_bounds = array<i64: 128, 128>}, {pipeline_mode = #tpu.pipeline_mode<synchronous>, transform_indices = @transform_6, window_bounds = array<i64: 1, 128>}, {pipeline_mode = #tpu.pipeline_mode<synchronous>, transform_indices = @transform_7, window_bounds = array<i64: 128, 64>}, {pipeline_mode = #tpu.pipeline_mode<synchronous>, transform_indices = @transform_8, window_bounds = array<i64: 1, 64>}, {pipeline_mode = #tpu.pipeline_mode<synchronous>, transform_indices = @transform_9, window_bounds = array<i64: 1, 64>}, {pipeline_mode = #tpu.pipeline_mode<synchronous>, transform_indices = @transform_10, window_bounds = array<i64: 1, 1>}, {pipeline_mode = #tpu.pipeline_mode<synchronous>, transform_indices = @transform_11, window_bounds = array<i64: 64, 1>}]} {
    %get3A = arith.constant 0 : index
    %get3A_0 = arith.constant 0 : index
    %get3A_1 = arith.constant 0 : index
    %get3A_2 = vector.load %arg1[%get3A, %get3A_0, %get3A_1] : memref<2x2000x128xf32, #tpu.memory_space<vmem>>, vector<1x2000x128xf32>
    %get3A_3 = vector.shape_cast %get3A_2 : vector<1x2000x128xf32> to vector<2000x128xf32>
    %get3A_4 = arith.constant 1 : index
    %get3A_5 = arith.constant 0 : index
    %get3A_6 = arith.constant 0 : index
    %get3A_7 = vector.load %arg1[%get3A_4, %get3A_5, %get3A_6] : memref<2x2000x128xf32, #tpu.memory_space<vmem>>, vector<1x2000x128xf32>
    %get3A_8 = vector.shape_cast %get3A_7 : vector<1x2000x128xf32> to vector<2000x128xf32>
    %add3A = arith.addf %get3A_3, %get3A_8 : vector<2000x128xf32>
    %get3A_9 = arith.constant 0 : index
    %get3A_10 = arith.constant 0 : index
    %get3A_11 = arith.constant 0 : index
    %get3A_12 = vector.load %arg2[%get3A_9, %get3A_10, %get3A_11] : memref<2x2000x128xf32, #tpu.memory_space<vmem>>, vector<1x2000x128xf32>
    %get3A_13 = vector.shape_cast %get3A_12 : vector<1x2000x128xf32> to vector<2000x128xf32>
    %get3A_14 = arith.constant 1 : index
    %get3A_15 = arith.constant 0 : index
    %get3A_16 = arith.constant 0 : index
    %get3A_17 = vector.load %arg2[%get3A_14, %get3A_15, %get3A_16] : memref<2x2000x128xf32, #tpu.memory_space<vmem>>, vector<1x2000x128xf32>
    %get3A_18 = vector.shape_cast %get3A_17 : vector<1x2000x128xf32> to vector<2000x128xf32>
    %add3A_19 = arith.addf %get3A_13, %get3A_18 : vector<2000x128xf32>
    %add3A_20 = arith.addf %add3A, %add3A_19 : vector<2000x128xf32>
    %get3A_21 = arith.constant 0 : index
    %get3A_22 = arith.constant 0 : index
    %get3A_23 = arith.constant 0 : index
    %get3A_24 = vector.load %arg3[%get3A_21, %get3A_22, %get3A_23] : memref<1x1x2000xi32, #tpu.memory_space<vmem>>, vector<1x1x2000xi32>
    %squeeze3A = vector.shape_cast %get3A_24 : vector<1x1x2000xi32> to vector<2000xi32>
    %iota3A = tpu.iota {dimensions = array<i32: 0>} : vector<128x2000xi32>
    %broadcast_in_dim3A = vector.shape_cast %squeeze3A : vector<2000xi32> to vector<1x2000xi32>
    %eq3A = vector.broadcast %broadcast_in_dim3A : vector<1x2000xi32> to vector<128x2000xi32>
    %eq3A_25 = arith.cmpi eq, %iota3A, %eq3A : vector<128x2000xi32>
    %convert_element_type3A = arith.extui %eq3A_25 : vector<128x2000xi1> to vector<128x2000xi32>
    %convert_element_type3A_26 = arith.sitofp %convert_element_type3A : vector<128x2000xi32> to vector<128x2000xf32>
    %get3A_27 = arith.constant 0 : index
    %get3A_28 = arith.constant 0 : index
    %get3A_29 = vector.load %arg5[%get3A_27, %get3A_28] : memref<128x128xf32, #tpu.memory_space<vmem>>, vector<128x128xf32>
    %dot_general3A = arith.constant dense<0.000000e+00> : vector<2000x128xf32>
    %dot_general3A_30 = tpu.matmul %convert_element_type3A_26, %get3A_29, %dot_general3A {dimension_numbers = #tpu.dot_dimension_numbers<[0], [0], [1], [1], [0, 1, 1, 1], [], []>, transpose_lhs_hint = false} : vector<128x2000xf32>, vector<128x128xf32>, vector<2000x128xf32> -> vector<2000x128xf32>
    %get3A_31 = arith.constant 0 : index
    %get3A_32 = arith.constant 0 : index
    %get3A_33 = vector.load %arg6[%get3A_31, %get3A_32] : memref<128x128xf32, #tpu.memory_space<vmem>>, vector<128x128xf32>
    %dot_general3A_34 = arith.constant dense<0.000000e+00> : vector<2000x128xf32>
    %dot_general3A_35 = tpu.matmul %add3A_20, %get3A_33, %dot_general3A_34 {dimension_numbers = #tpu.dot_dimension_numbers<[1], [0], [0], [1], [0, 0, 1, 1], [], []>, transpose_lhs_hint = false} : vector<2000x128xf32>, vector<128x128xf32>, vector<2000x128xf32> -> vector<2000x128xf32>
    %get3A_36 = arith.constant 0 : index
    %get3A_37 = arith.constant 0 : index
    %get3A_38 = vector.load %arg7[%get3A_36, %get3A_37] : memref<1x128xf32, #tpu.memory_space<vmem>>, vector<1x128xf32>
    %add3A_39 = vector.broadcast %get3A_38 : vector<1x128xf32> to vector<2000x128xf32>
    %add3A_40 = arith.addf %dot_general3A_35, %add3A_39 : vector<2000x128xf32>
    %neg3A = arith.constant 0.000000e+00 : f32
    %neg3A_41 = vector.broadcast %neg3A : f32 to vector<2000x128xf32>
    %neg3A_42 = arith.subf %neg3A_41, %add3A_40 : vector<2000x128xf32>
    %exp3A = math.exp %neg3A_42 : vector<2000x128xf32>
    %add3A_43 = arith.constant 1.000000e+00 : f32
    %add3A_44 = vector.broadcast %add3A_43 : f32 to vector<2000x128xf32>
    %add3A_45 = arith.addf %add3A_44, %exp3A : vector<2000x128xf32>
    %div3A = arith.divf %add3A_40, %add3A_45 : vector<2000x128xf32>
    %add3A_46 = arith.addf %dot_general3A_30, %div3A : vector<2000x128xf32>
    %get3A_47 = arith.constant 0 : index
    %get3A_48 = arith.constant 0 : index
    %get3A_49 = vector.load %arg8[%get3A_47, %get3A_48] : memref<128x64xf32, #tpu.memory_space<vmem>>, vector<128x64xf32>
    %dot_general3A_50 = arith.constant dense<0.000000e+00> : vector<2000x64xf32>
    %dot_general3A_51 = tpu.matmul %add3A_46, %get3A_49, %dot_general3A_50 {dimension_numbers = #tpu.dot_dimension_numbers<[1], [0], [0], [1], [0, 0, 1, 1], [], []>, transpose_lhs_hint = false} : vector<2000x128xf32>, vector<128x64xf32>, vector<2000x64xf32> -> vector<2000x64xf32>
    %get3A_52 = arith.constant 0 : index
    %get3A_53 = arith.constant 0 : index
    %get3A_54 = vector.load %arg9[%get3A_52, %get3A_53] : memref<1x64xf32, #tpu.memory_space<vmem>>, vector<1x64xf32>
    %add3A_55 = vector.broadcast %get3A_54 : vector<1x64xf32> to vector<2000x64xf32>
    %add3A_56 = arith.addf %dot_general3A_51, %add3A_55 : vector<2000x64xf32>
    %neg3A_57 = arith.constant 0.000000e+00 : f32
    %neg3A_58 = vector.broadcast %neg3A_57 : f32 to vector<2000x64xf32>
    %neg3A_59 = arith.subf %neg3A_58, %add3A_56 : vector<2000x64xf32>
    %exp3A_60 = math.exp %neg3A_59 : vector<2000x64xf32>
    %add3A_61 = arith.constant 1.000000e+00 : f32
    %add3A_62 = vector.broadcast %add3A_61 : f32 to vector<2000x64xf32>
    %add3A_63 = arith.addf %add3A_62, %exp3A_60 : vector<2000x64xf32>
    %div3A_64 = arith.divf %add3A_56, %add3A_63 : vector<2000x64xf32>
    %get3A_65 = arith.constant 0 : index
    %get3A_66 = arith.constant 0 : index
    %get3A_67 = vector.load %arg10[%get3A_65, %get3A_66] : memref<1x64xf32, #tpu.memory_space<vmem>>, vector<1x64xf32>
    %mul3A = vector.broadcast %get3A_67 : vector<1x64xf32> to vector<2000x64xf32>
    %mul3A_68 = arith.mulf %div3A_64, %mul3A : vector<2000x64xf32>
    %reduce_sum3A = arith.constant dense<0.000000e+00> : vector<2000xf32>
    %reduce_sum3A_69 = vector.multi_reduction <add>, %mul3A_68, %reduce_sum3A [1] : vector<2000x64xf32> to vector<2000xf32>
    %get3A_70 = arith.constant 0 : index
    %get3A_71 = arith.constant 0 : index
    %get3A_72 = vector.load %arg11[%get3A_70, %get3A_71] : memref<1x1xf32, #tpu.memory_space<vmem>>, vector<1x1xf32>
    %get3A_73 = vector.extract %get3A_72[0, 0] : f32 from vector<1x1xf32>
    %add3A_74 = vector.broadcast %get3A_73 : f32 to vector<2000xf32>
    %add3A_75 = arith.addf %reduce_sum3A_69, %add3A_74 : vector<2000xf32>
    %get3A_76 = arith.constant 0 : index
    %get3A_77 = arith.constant 0 : index
    %get3A_78 = arith.constant 0 : index
    %get3A_79 = vector.load %arg4[%get3A_76, %get3A_77, %get3A_78] : memref<1x1x2000xi32, #tpu.memory_space<vmem>>, vector<1x1x2000xi32>
    %squeeze3A_80 = vector.shape_cast %get3A_79 : vector<1x1x2000xi32> to vector<2000xi32>
    %iota3A_81 = tpu.iota {dimensions = array<i32: 0>} : vector<64x2000xi32>
    %broadcast_in_dim3A_82 = vector.shape_cast %squeeze3A_80 : vector<2000xi32> to vector<1x2000xi32>
    %eq3A_83 = vector.broadcast %broadcast_in_dim3A_82 : vector<1x2000xi32> to vector<64x2000xi32>
    %eq3A_84 = arith.cmpi eq, %iota3A_81, %eq3A_83 : vector<64x2000xi32>
    %convert_element_type3A_85 = arith.extui %eq3A_84 : vector<64x2000xi1> to vector<64x2000xi32>
    %convert_element_type3A_86 = arith.sitofp %convert_element_type3A_85 : vector<64x2000xi32> to vector<64x2000xf32>
    %broadcast_in_dim3A_87 = vector.shape_cast %add3A_75 : vector<2000xf32> to vector<1x2000xf32>
    %mul3A_88 = vector.broadcast %broadcast_in_dim3A_87 : vector<1x2000xf32> to vector<64x2000xf32>
    %mul3A_89 = arith.mulf %convert_element_type3A_86, %mul3A_88 : vector<64x2000xf32>
    %reduce_sum3A_90 = arith.constant dense<0.000000e+00> : vector<64xf32>
    %reduce_sum3A_91 = vector.multi_reduction <add>, %mul3A_89, %reduce_sum3A_90 [1] : vector<64x2000xf32> to vector<64xf32>
    %broadcast_in_dim3A_92 = vector.shape_cast %reduce_sum3A_91 : vector<64xf32> to vector<64x1xf32>
    %eq3A_93 = arith.constant 0 : i32
    %eq3A_94 = arith.cmpi eq, %arg0, %eq3A_93 : i32
    %convert_element_type3A_95 = arith.extui %eq3A_94 : i1 to i32
    %cond3A = arith.constant 0 : i32
    %cond3A_96 = arith.cmpi ne, %convert_element_type3A_95, %cond3A : i32
    scf.if %cond3A_96 {
      %broadcast_in_dim3A_103 = arith.constant 0.000000e+00 : f32
      %broadcast_in_dim3A_104 = vector.broadcast %broadcast_in_dim3A_103 : f32 to vector<64x1xf32>
      %swap3A_105 = arith.constant 0 : index
      %swap3A_106 = arith.constant 0 : index
      %swap3A_107 = vector.load %arg12[%swap3A_105, %swap3A_106] : memref<64x1xf32, #tpu.memory_space<vmem>>, vector<64x1xf32>
      tpu.vector_store %arg12[%swap3A_105, %swap3A_106], %broadcast_in_dim3A_104 {strides = array<i32>} : memref<64x1xf32, #tpu.memory_space<vmem>>, vector<64x1xf32>,
    } else {
    }
    %get3A_97 = arith.constant 0 : index
    %get3A_98 = arith.constant 0 : index
    %get3A_99 = vector.load %arg12[%get3A_97, %get3A_98] : memref<64x1xf32, #tpu.memory_space<vmem>>, vector<64x1xf32>
    %add3A_100 = arith.addf %get3A_99, %broadcast_in_dim3A_92 : vector<64x1xf32>
    %swap3A = arith.constant 0 : index
    %swap3A_101 = arith.constant 0 : index
    %swap3A_102 = vector.load %arg12[%swap3A, %swap3A_101] : memref<64x1xf32, #tpu.memory_space<vmem>>, vector<64x1xf32>
    tpu.vector_store %arg12[%swap3A, %swap3A_101], %add3A_100 {strides = array<i32>} : memref<64x1xf32, #tpu.memory_space<vmem>>, vector<64x1xf32>,
    return
  }
  func.func @transform_0(%arg0: i32) -> (i32, i32, i32) {
    %c0_i32 = arith.constant 0 : i32
    %c0_i32_0 = arith.constant 0 : i32
    %c0_i32_1 = arith.constant 0 : i32
    return %c0_i32, %arg0, %c0_i32_0 : i32, i32, i32
  }
  func.func @transform_1(%arg0: i32) -> (i32, i32, i32) {
    %c0_i32 = arith.constant 0 : i32
    %c0_i32_0 = arith.constant 0 : i32
    %c0_i32_1 = arith.constant 0 : i32
    return %c0_i32, %arg0, %c0_i32_0 : i32, i32, i32
  }
  func.func @transform_2(%arg0: i32) -> (i32, i32, i32) {
    %c0_i32 = arith.constant 0 : i32
    %c0_i32_0 = arith.constant 0 : i32
    %c0_i32_1 = arith.constant 0 : i32
    return %arg0, %c0_i32, %c0_i32_0 : i32, i32, i32
  }
  func.func @transform_3(%arg0: i32) -> (i32, i32, i32) {
    %c0_i32 = arith.constant 0 : i32
    %c0_i32_0 = arith.constant 0 : i32
    %c0_i32_1 = arith.constant 0 : i32
    return %arg0, %c0_i32, %c0_i32_0 : i32, i32, i32
  }
  func.func @transform_4(%arg0: i32) -> (i32, i32) {
    %c0_i32 = arith.constant 0 : i32
    %c0_i32_0 = arith.constant 0 : i32
    %c0_i32_1 = arith.constant 0 : i32
    return %c0_i32, %c0_i32_0 : i32, i32
  }
  func.func @transform_5(%arg0: i32) -> (i32, i32) {
    %c0_i32 = arith.constant 0 : i32
    %c0_i32_0 = arith.constant 0 : i32
    %c0_i32_1 = arith.constant 0 : i32
    return %c0_i32, %c0_i32_0 : i32, i32
  }
  func.func @transform_6(%arg0: i32) -> (i32, i32) {
    %c0_i32 = arith.constant 0 : i32
    %c0_i32_0 = arith.constant 0 : i32
    %c0_i32_1 = arith.constant 0 : i32
    return %c0_i32, %c0_i32_0 : i32, i32
  }
  func.func @transform_7(%arg0: i32) -> (i32, i32) {
    %c0_i32 = arith.constant 0 : i32
    %c0_i32_0 = arith.constant 0 : i32
    %c0_i32_1 = arith.constant 0 : i32
    return %c0_i32, %c0_i32_0 : i32, i32
  }
  func.func @transform_8(%arg0: i32) -> (i32, i32) {
    %c0_i32 = arith.constant 0 : i32
    %c0_i32_0 = arith.constant 0 : i32
    %c0_i32_1 = arith.constant 0 : i32
    return %c0_i32, %c0_i32_0 : i32, i32
  }
  func.func @transform_9(%arg0: i32) -> (i32, i32) {
    %c0_i32 = arith.constant 0 : i32
    %c0_i32_0 = arith.constant 0 : i32
    %c0_i32_1 = arith.constant 0 : i32
    return %c0_i32, %c0_i32_0 : i32, i32
  }
  func.func @transform_10(%arg0: i32) -> (i32, i32) {
    %c0_i32 = arith.constant 0 : i32
    %c0_i32_0 = arith.constant 0 : i32
    %c0_i32_1 = arith.constant 0 : i32
    return %c0_i32, %c0_i32_0 : i32, i32
  }
  func.func @transform_11(%arg0: i32) -> (i32, i32) {
    %c0_i32 = arith.constant 0 : i32
    %c0_i32_0 = arith.constant 0 : i32
    %c0_i32_1 = arith.constant 0 : i32
    return %c0_i32, %c0_i32_0 : i32, i32
  }
}

</mosaic_0001>

<sc_bundles>
// kernel: kernel.12.cloned.1.call-start
scs
__scs_entry_jumppad:
0x0: {  	(pc) =	sbr.rel $0x88, $3  }
0x1: {  	(tag) =	ssettag $0x0;
	lr =	simm.s32 $0x1  }
0x2: {  	[smem:$0x3F95] =	sst lr;
	_ =	strace $0xD0000000  }
0x3: {  	_ = 	snop  }
0x4: {  	_ = 	snop  }
0x5: {  	_ = 	snop  }
0x6: {  	_ = 	snop  }
0x7: {  	_ = 	snop  }
__scs_overlays_trampoline_lowered:
0x8: {  	[smem:$0x3FA4] =	sst s0  }
0x9: {  	[smem:$0x3FA5] =	sst s1  }
0xa: {  	[smem:$0x3FA6] =	sst s2  }
0xb: {  	[smem:$0x3FA7] =	sst s3  }
0xc: {  	[smem:$0x3FA8] =	sst s4  }
0xd: {  	[smem:$0x3FA9] =	sst s5  }
0xe: {  	[smem:$0x3FAA] =	sst s6  }
0xf: {  	[smem:$0x3FAB] =	sst s7  }
0x10: {  	[smem:$0x3FAC] =	sst s8  }
0x11: {  	[smem:$0x3FAD] =	sst s9;
	s0 =	simm.s32 @!p0 $0x0  }
0x12: {  	s1 =	sld [smem:$0x3F93];
	s0 =	simm.s32 @p0 $0x1  }
0x13: {  	[smem:$0x3FAE] =	sst s0;
	s0 =	simm.s32 @!p1 $0x0  }
0x14: {  	s2 =	sld [smem:$0x3F92];
	s0 =	simm.s32 @p1 $0x1  }
0x15: {  	[smem:$0x3FAF] =	sst s0;
	s0 =	simm.s32 @!p2 $0x0  }
0x16: {  	s3 =	sld [smem:$0x3FDB];
	s0 =	simm.s32 @p2 $0x1  }
0x17: {  	s4 =	simm.s32 $0x1BF5;
	[smem:$0x3FB1] =	sst s0  }
0x18: {  	s0 =	sld [smem:$0x3F94];
	_ =	swait.ge [sflag:s4], $0x0  }
0x19: {  	s7 =	sld [smem:$0x3F95]  }
0x1a: {  	s8 =	sadd.s32 $0xFFFFE003, lr  }
0x1b: {  	s9 =	sadd.s32 $0xFFFFFEF7, lr;
	s5 =	simm.s32 $0xFFFFFFFF;
	p2 =	slt.u32 s8, $0xFFFFF086  }
0x1c: {  	p1 =	slt.u32 s9, $0xF7A;
	s5 =	simm.s32 @!p2 $0x0  }
0x1d: {  	s5 =	simm.s32 @p1 $0x1;
	p0 =	seq.s32 s7, s2  }
0x1e: {  	s7 =	smul.u32 @!p0 $0xF7A, s2;
	p2 =	seq.s32 @!p0 s5, $0x0  }
0x1f: {  	s9 =	smul.u32 $0xF7A, s1;
	s8 =	simm.s32 @!p0 $0x1BF5;
	p2 =	por !p2, p0  }
0x20: {  	[sflag:s8] =	ssyncset.s32 @!p0 $0xFFFFF086;
	s6 =	sadd.s32 @!p0 s3, s7;
	s7 =	simm.s32 @!p0 $0x108  }
0x21: {  	s3 =	sadd.s32 s3, s9;
	s6 =	sadd.s32 @!p0 $0x88, s6;
	s7 =	simm.s32 @p2 $0x1082  }
0x22: {  	[simem:s7], [sflag:s8] =	dma.local @!p0 [hbm:s6], $0xF7A  }
0x23: {  	s9 =	sor.u32 $0xD0000000, s2;
	s6 =	simm.s32 $0x108;
	_ =	swait.ge @!p0 [sflag:s8], $0x0  }
0x24: {  	s3 =	sadd.s32 $0x88, s3;
	s6 =	simm.s32 @!p1 $0x1082;
	[sflag:s4] =	ssyncset.s32 $0xFFFFF086  }
0x25: {  	[simem:s6], [sflag:s4] =	dma.local [hbm:s3], $0xF7A  }
0x26: {  	[smem:$0x3F95] =	sst s1;
	(tag) =	ssettag s2;
	_ =	strace s9  }
0x27: {  	s1 =	sld [smem:$0x3FA5]  }
0x28: {  	s2 =	sld [smem:$0x3FA6]  }
0x29: {  	s4 =	sld [smem:$0x3FA8]  }
0x2a: {  	p0 =	seq.s32 s5, $0x0;
	s5 =	sld [smem:$0x3FA9]  }
0x2b: {  	s6 =	sld [smem:$0x3FAA]  }
0x2c: {  	s7 =	sld [smem:$0x3FAB]  }
0x2d: {  	s3 =	simm.s32 $0x108;
	s8 =	sld [smem:$0x3FAC]  }
0x2e: {  	s3 =	simm.s32 @!p0 $0x1082;
	s9 =	sld [smem:$0x3FAD]  }
0x2f: {  	lr =	sadd.s32 s0, s3;
	s0 =	sld [smem:$0x3FA4]  }
0x30: {  	s3 =	sld [smem:$0x3FA7]  }
0x31: {  	[smem:$0x3FB0] =	sst s10  }
0x32: {  	s10 =	sld [smem:$0x3FAE];
	_ =	sdelay $0x3  }
0x33: {  	p0 =	seq.s32 s10, $0x1;
	s10 =	sld [smem:$0x3FB0];
	_ =	sdelay $0x3  }
0x34: {  	[smem:$0x3FB0] =	sst s10  }
0x35: {  	s10 =	sld [smem:$0x3FAF];
	_ =	sdelay $0x3  }
0x36: {  	p1 =	seq.s32 s10, $0x1;
	s10 =	sld [smem:$0x3FB0];
	_ =	sdelay $0x3  }
0x37: {  	[smem:$0x3FB0] =	sst s10  }
0x38: {  	s10 =	sld [smem:$0x3FB1]  }
0x39: {  	_ = 	snop;
	(pc) =	sbr.ind lr, $3  }
0x3a: {  	_ = 	snop  }
0x3b: {  	_ = 	snop  }
0x3c: {  	p2 =	seq.s32 s10, $0x1;
	s10 =	sld [smem:$0x3FB0]  }
0x3d: {  	_ =	shalt  }
0x3e: {  	_ =	shalt  }
0x3f: {  	_ =	shalt  }
0x40: {  	_ =	shalt  }
0x41: {  	_ =	shalt  }
0x42: {  	_ =	shalt  }
0x43: {  	_ =	shalt  }
0x44: {  	_ =	shalt  }
0x45: {  	_ =	shalt  }
0x46: {  	_ =	shalt  }
0x47: {  	_ =	shalt  }
0x48: {  	_ =	shalt  }
0x49: {  	_ =	shalt  }
0x4a: {  	_ =	shalt  }
0x4b: {  	_ =	shalt  }
0x4c: {  	_ =	shalt  }
0x4d: {  	_ =	shalt  }
0x4e: {  	_ =	shalt  }
0x4f: {  	_ =	shalt  }
0x50: {  	_ =	shalt  }
0x51: {  	_ =	shalt  }
0x52: {  	_ =	shalt  }
0x53: {  	_ =	shalt  }
0x54: {  	_ =	shalt  }
0x55: {  	_ =	shalt  }
0x56: {  	_ =	shalt  }
0x57: {  	_ =	shalt  }
0x58: {  	_ =	shalt  }
0x59: {  	_ =	shalt  }
0x5a: {  	_ =	shalt  }
0x5b: {  	_ =	shalt  }
0x5c: {  	_ =	shalt  }
0x5d: {  	_ =	shalt  }
0x5e: {  	_ =	shalt  }
0x5f: {  	_ =	shalt  }
0x60: {  	_ =	shalt  }
0x61: {  	_ =	shalt  }
0x62: {  	_ =	shalt  }
0x63: {  	_ =	shalt  }
0x64: {  	_ =	shalt  }
0x65: {  	_ =	shalt  }
0x66: {  	_ =	shalt  }
0x67: {  	_ =	shalt  }
0x68: {  	_ =	shalt  }
0x69: {  	_ =	shalt  }
0x6a: {  	_ =	shalt  }
0x6b: {  	_ =	shalt  }
0x6c: {  	_ =	shalt  }
0x6d: {  	_ =	shalt  }
0x6e: {  	_ =	shalt  }
0x6f: {  	_ =	shalt  }
0x70: {  	_ =	shalt  }
0x71: {  	_ =	shalt  }
0x72: {  	_ =	shalt  }
0x73: {  	_ =	shalt  }
0x74: {  	_ =	shalt  }
0x75: {  	_ =	shalt  }
0x76: {  	_ =	shalt  }
0x77: {  	_ =	shalt  }
0x78: {  	_ =	shalt  }
0x79: {  	_ =	shalt  }
0x7a: {  	_ =	shalt  }
0x7b: {  	_ =	shalt  }
0x7c: {  	_ =	shalt  }
0x7d: {  	_ =	shalt  }
0x7e: {  	_ =	shalt  }
0x7f: {  	_ =	shalt  }
0x80: {  	_ =	shalt  }
0x81: {  	_ =	shalt  }
0x82: {  	_ =	shalt  }
0x83: {  	_ =	shalt  }
0x84: {  	_ =	shalt  }
0x85: {  	_ =	shalt  }
0x86: {  	_ =	shalt  }
0x87: {  	_ =	shalt  }
.Lfunc_end0:
.L_simem_size_0:
called_computation.1_lowered:
.L_overlay_start_0:
0x88: {  	s2 =	sld [smem:$0x3FD9]  }
0x89: {  	s3 =	sld [smem:$0x3FFE];
	_ =	sdelay $0x1  }
0x8a: {  	s1 =	srdreg.scid  }
0x8b: {  	s0 =	sand.u32 $0x1, s1  }
0x8c: {  	s17 =	sshll.u32 s0, $0xA;
	s2 =	sadd.s32 s3, s2  }
0x8d: {  	s2 =	sadd.s32 s2, s17  }
0x8e: {  	[smem:$0x3FBC] =	sst s2  }
0x8f: {  	_ = 	snop  }
0x90: {  	(tm) =	ssettm $0x1  }
0x91: {  	s18 =	sld [smem:$0x3FFB];
	_ =	sdelay $0x3  }
0x92: {  	_ =	strace s18  }
0x93: {  	s2 =	sld [smem:$0x3FFC];
	_ =	sdelay $0x3  }
0x94: {  	_ =	strace s2  }
0x95: {  	s2 =	sld [smem:$0x3FFD];
	_ =	sdelay $0x3  }
0x96: {  	_ =	strace s2  }
0x97: {  	_ =	strace $0x8FFFFFFF  }
0x98: {  	s19 =	sld [smem:$0x3FDB];
	_ =	sdelay $0x1  }
0x99: {  	s20 =	simm.s32 $_scs_section_size  }
0x9a: {  	s4 =	simm.s32 $_size__tile_overlayer_lowered;
	s5 =	simm.s32 $_tile_overlayer_lowered  }
0x9b: {  	s6 =	simm.s32 $0x1BFF;
	s21 =	sshll.u32 s5, $0x1;
	s3 =	sadd.s32 s20, s19  }
0x9c: {  	s22 =	simm.s32 $0x0;
	s4 =	sshll.u32 s4, $0x1;
	s5 =	sadd.s32 s21, s3  }
0x9d: {  	[timem:s22], [sflag:s6] =	dma.local [hbm:s5], s4  }
0x9e: {  	_ =	swait.ge [sflag:s6], s4  }
0x9f: {  	s4 =	ssub.s32 $0x0, s4;
	[sflag:s6] =	ssyncset.done $0x0  }
0xa0: {  	[sflag:s6] =	ssyncadd.s32 s4;
	_ =	sdelay $0x1  }
0xa1: {  	s23 =	simm.s32 $0x1B8B  }
0xa2: {  	_ =	swait.ge [sflag:s23], $0x1  }
0xa3: {  	[sflag:s23] =	ssyncset.done $0x0  }
0xa4: {  	[sflag:s23] =	ssyncadd.s32 $0xFFFFFFFF  }
0xa5: {  	s4 =	sld [smem:$0x0]  }
0xa6: {  	s5 =	sand.u32 $0xFFFFFFFE, s1  }
0xa7: {  	p0 =	sne.s32 s1, s5  }
0xa8: {  	s5 =	sshll.u32 @p0 s5, $0xE  }
0xa9: {  	s5 =	sadd.s32 @p0 $0x11B8D, s5;
	s6 =	sshll.u32 @p0 s4, $0x11  }
0xaa: {  	s5 =	sor.u32 @p0 s6, s5  }
0xab: {  	[sflag:s5] =	ssyncadd.remote.s32 @p0 $0x1;
	_ =	sdelay $0x1  }
0xac: {  	s5 =	simm.s32 @p0 $0x1B8D  }
0xad: {  	_ =	swait.eq @p0 [sflag:s5], $0x1  }
0xae: {  	[sflag:s5] =	ssyncadd.s32 @p0 $0xFFFFFFFF  }
0xaf: {  	s6 =	sshll.u32 @!p0 s1, $0xE  }
0xb0: {  	s6 =	sor.u32 @!p0 $0x4000, s6;
	s5 =	simm.s32 @!p0 $0x1B8D  }
0xb1: {  	s4 =	sshll.u32 @!p0 s4, $0x11;
	s6 =	sadd.s32 @!p0 $0x11B8D, s6;
	_ =	swait.eq @!p0 [sflag:s5], $0x1  }
0xb2: {  	s4 =	sor.u32 @!p0 s4, s6;
	[sflag:s5] =	ssyncadd.s32 @!p0 $0xFFFFFFFF  }
0xb3: {  	s25 =	simm.s32 $0x1B8E;
	s24 =	sld [smem:$0x3FFE];
	[sflag:s4] =	ssyncadd.remote.s32 @!p0 $0x1  }
0xb4: {  	s26 =	simm.s32 $execute0_lowered;
	[smem:$0x3FD2] =	sst s25  }
0xb5: {  	s5 =	sshll.u32 s26, $0x1;
	_ =	strace $0x8000004F;
	[dreg:$0x1] =	wrdreg $0xFFFFFFFF  }
0xb6: {  	s28 =	simm.s32 $_size_execute0_lowered;
	s3 =	sadd.s32 s3, s5;
	[dreg:$0x0] =	wrdreg $0x0  }
0xb7: {  	s5 =	sshll.u32 s28, $0x1;
	[dreg:$0x2] =	wrdreg s3  }
0xb8: {  	[dreg:$0x3] =	wrdreg s5  }
0xb9: {  	[dreg:$0x4] =	wrdreg $0xC0  }
0xba: {  	_ =	task [dreg:s22], $0x5FFFF  }
0xbb: {  	[dreg:$0x1] =	wrdreg $0xFFFFFFFF  }
0xbc: {  	[dreg:$0x0] =	wrdreg $0x60  }
0xbd: {  	[dreg:$0x2] =	wrdreg s24  }
0xbe: {  	[dreg:$0x3] =	wrdreg $0x9C000  }
0xbf: {  	[dreg:$0x4] =	wrdreg $0x9  }
0xc0: {  	_ =	task.clear_ibuf [dreg:s22], $0x5FFFF;
	_ =	strace $0x9000004F  }
0xc1: {  	s29 =	simm.s32 $0x9;
	_ =	strace $0x80000051  }
0xc2: {  	_ =	swait.ge [sflag:s29], $0x1  }
0xc3: {  	[sflag:s29] =	ssyncadd.s32 $0xFFFFFFFF  }
0xc4: {  	_ =	strace $0x90000051  }
0xc5: {  	_ =	sfence  }
0xc6: {  	s30 =	sld [smem:$0x0];
	_ =	sdelay $0x2  }
0xc7: {  	s31 =	sshll.u32 s1, $0xD;
	s1 =	sshrl.u32 s1, $0x2  }
0xc8: {  	s4 =	sand.u32 $0x4000, s31;
	s1 =	sadd.s32 s1, s30  }
0xc9: {  	s0 =	sor.u32 s4, s0;
	s1 =	sshll.u32 s1, $0x11  }
0xca: {  	s0 =	sor.u32 s1, s0  }
0xcb: {  	s0 =	sadd.s32 $0x8F2B, s0  }
0xcc: {  	[sflag:s0] =	ssyncadd.remote.s32 $0x1  }
0xcd: {  	_ =	sfence.sel $0xFFFF  }
0xce: {  	[dreg:$0x0] =	wrdreg $0xFFFFFFFF;
	(pc) =	sbr.abs _section_cstart, $3  }
0xcf: {  	[dreg:$0x1] =	wrdreg $0xFFFFFFFF  }
0xd0: {  	_ =	task.clear_ibuf [dreg:s22], $0x2FFFF;
	_ =	strace $0x9FFFFFFF  }
0xd1: {  	(tm) =	ssettm $0x7FFFFFFF  }
tec
execute0_lowered:
.L_overlay_start_1:
0x0: {  	(tag) =	ssettag $0x1  }
0x1: {  	s0 =	srdreg.scid  }
0x2: {  	s16 =	stileid.u32;
	s5 =	rddreg [dreg:$0x0]  }
0x3: {  	s2 =	rddreg [dreg:$0x1];
	s3 =	simm.s32 $0x0;
	s6 =	smul.u32 $0x13800, s16  }
0x4: {  	s0 =	sand.u32 $0x1, s0;
	[smem:$0x7FF] =	sst s3;
	s9 =	smul.u32 $0x2700, s16  }
0x5: {  	p1 =	seq.s32 s16, $0xF;
	s10 =	smul.u32 $0x4E000, s16;
	s21 =	ssub.s32 $0x0, s16  }
0x6: {  	s24 =	sshll.u32 s16, $0x6;
	s1 =	sshll.u32 s0, $0x4;
	s7 =	smul.u32 $0x138800, s0  }
0x7: {  	_ =	strace $0x80000050;
	s19 =	ssub.s32 $0x2, s0;
	p0 =	seq.s32 s0, $0x1  }
0x8: {  	s15 =	sand.u32 $0x7, s21;
	s0 =	smul.u32 $0x9C0000, s0;
	s21 =	simm.s32 $0x1C00  }
0x9: {  	s1 =	sor.u32 s16, s1;
	s17 =	sadd.s32 s9, s5;
	s20 =	sshrl.u32 s19, $0x1  }
0xa: {  	s23 =	sshrl.u32 s10, $0x2;
	s16 =	smul.u32 $0x9C000, s16;
	s30 =	sshll.u32 s15, $0x7  }
0xb: {  	s4 =	smul.u32 $0x270, s1;
	s6 =	sadd.s32 s7, s6;
	s13 =	ssub.s32 s19, s20  }
0xc: {  	s18 =	sadd.s32 s23, s2;
	s25 =	smul.u32 $0x9C000, s1;
	s26 =	sadd.s32 $0x2A6C00, s17  }
0xd: {  	s1 =	smul.u32 $0x13800, s1;
	s19 =	simm.s32 $0x3;
	s20 =	simm.s32 $0x1  }
0xe: {  	s23 =	simm.s32 $0x80;
	s6 =	sshrl.u32 s6, $0x3;
	[dreg:$0x4] =	wrdreg s26  }
0xf: {  	s13 =	smax.u32 s13, $0x1;
	s0 =	sadd.s32 s16, s0;
	s18 =	sshrl.u32 s18, $0x3  }
0x10: {  	s8 =	sand.u32 $0x7F80, s4;
	s4 =	sadd.s32 $0x31C000, s5;
	s12 =	sadd.s32 s6, s5  }
0x11: {  	s28 =	sshrl.u32 s25, $0x3;
	s17 =	sadd.s32 $0xC000, s0;
	s16 =	sadd.s32 $0x8000, s0  }
0x12: {  	s25 =	simm.s32 $0x0;
	s14 =	sadd.s32 s8, s5;
	s5 =	simm.s32 $0x29  }
0x13: {  	s8 =	sor.u32 $0x1C03, s24;
	s11 =	sadd.s32 s4, s28;
	s9 =	sadd.s32 s4, s1  }
0x14: {  	s12 =	sadd.s32 $0x58D000, s12;
	s31 =	sshrl.u32 s17, $0x3;
	s5 =	simm.s32 @!p0 $0x27  }
0x15: {  	s24 =	simm.s32 $0x2;
	s22 =	sadd.s32 $0x2BE00, s14;
	s5 =	simm.s32 @!p1 $0x27  }
0x16: {  	s10 =	sadd.s32 $0x800, s11;
	s17 =	sadd.s32 s31, s4;
	s29 =	sadd.s32 s15, s5  }
0x17: {  	[dreg:$0x3] =	wrdreg s22;
	s22 =	simm.s32 $0x5C00;
	s14 =	sshll.u32 s29, $0x7  }
0x18: {  	s15 =	sadd.s32 $0x80, s30;
	s11 =	sadd.s32 $0xFFFFFF80, s14;
	s14 =	sand.u32 $0x2E, s5  }
.LBB2_1:
0x19: {  	s0 =	rddreg [dreg:$0x3]  }
0x1a: {  	s7 =	rddreg [dreg:$0x4]  }
0x1b: {  	[tilespmem:s3], [sflag:$0x1] =	stream.linear.gather [hbm4b:s0+s3], $0x1C00, $0x38;
	[tilespmem:$0x1D480] =	vst v63  }
0x1c: {  	[spmem:s18], [sflag:s8] =	dma.local [hbm:s7], $0x2800  }
0x1d: {  	_ =	swait.ge [sflag:s19], $0x2800  }
0x1e: {  	[sflag:s19] =	ssyncset.done $0x0  }
0x1f: {  	[sflag:s19] =	ssyncadd.s32 $0xFFFFD800  }
0x20: {  	_ =	swait.ge [sflag:s20], $0x1C00  }
0x21: {  	[sflag:s20] =	ssyncset.done $0x0  }
0x22: {  	[sflag:s20] =	ssyncadd.s32 $0xFFFFE400  }
0x23: {  	[bflag:$0x0] =	sbarrier.arrive $0xFFFF  }
0x24: {  	[tilespmem:s21], [sflag:$0x1] =	stream.linear.gather [hbm4b:s9+s3], $0x4000, $0x38;
	[tilespmem:$0x1D480] =	vst v63  }
0x25: {  	_ = 	snop  }
0x26: {  	[tilespmem:s22], [sflag:$0x2] =	stream.linear.gather [hbm4b:s10+s3], $0x4000, $0x38;
	[tilespmem:$0x1D480] =	vst v63  }
0x27: {  	_ =	swait.ge [sflag:s20], $0x4000  }
0x28: {  	[sflag:s20] =	ssyncset.done $0x0  }
0x29: {  	s26 =	sadd.s32 $0xFFFFFF80, s15;
	[sflag:s20] =	ssyncadd.s32 $0xFFFFC000  }
0x2a: {  	[spmem:s2] =	stream.indirect.scatter.add.f32 [tilespmem:s21], [sflag:$0x3], $0x80, s26, s23, $0xb8;
	[tilespmem:$0x1D480] =	vst v63  }
0x2b: {  	p0 =	sle.u32 s5, $0x2;
	_ =	swait.ge [sflag:s19], $0x4000  }
0x2c: {  	s0 =	sshrl.u32 @!p0 s16, $0x3;
	s1 =	simm.s32 @!p0 $0x1C00;
	[sflag:s19] =	ssyncset.done $0x0  }
0x2d: {  	s0 =	sadd.s32 @!p0 s4, s0;
	s26 =	simm.s32 @!p0 $0x0;
	[sflag:s19] =	ssyncadd.s32 $0xFFFFC000  }
0x2e: {  	[tilespmem:s1], [sflag:$0x1] =	stream.linear.gather @!p0 [hbm4b:s0+s26], $0x4000, $0x38;
	[tilespmem:$0x1D480] =	vst v63  }
0x2f: {  	_ =	swait.ge [sflag:s24], $0x4000  }
0x30: {  	s28 =	sadd.s32 $0x1000, s17;
	p0 =	sne.s32 s14, $0x2;
	[sflag:s24] =	ssyncset.done $0x0  }
.Ltmp0:
0x31: {  	s29 =	sadd.s32 $0x8000, s16;
	[sflag:s24] =	ssyncadd.s32 $0xFFFFC000;
	(pc) =	sbr.rel @!p0 .LBB2_3-.Ltmp0, $4  }
0x32: {  	[spmem:s2] =	stream.indirect.scatter.add.f32 [tilespmem:s22], [sflag:$0x3], $0x80, s15, s23, $0xb8;
	[tilespmem:$0x1D480] =	vst v63  }
0x33: {  	p1 =	sle.u32 s5, $0x3;
	s30 =	sadd.s32 $0x100, s15;
	_ =	swait.ge [sflag:s19], $0x4000  }
0x34: {  	s31 =	smov.u32 s17;
	s26 =	simm.s32 $0x2;
	[sflag:s19] =	ssyncset.done $0x0  }
0x35: {  	s1 =	simm.s32 @!p1 $0x0;
	s0 =	simm.s32 @!p1 $0x5C00;
	[sflag:s19] =	ssyncadd.s32 $0xFFFFC000  }
.LBB2_2:
0x36: {  	[tilespmem:s0], [sflag:$0x2] =	stream.linear.gather @!p1 [hbm4b:s31+s1], $0x4000, $0x38;
	[tilespmem:$0x1D480] =	vst v63  }
0x37: {  	s0 =	smov.u32 s26;
	s26 =	sadd.s32 $0x2, s26;
	_ =	swait.ge [sflag:s20], $0x4000  }
0x38: {  	s31 =	smov.u32 s28;
	p0 =	sne.s32 s14, s26;
	[sflag:s20] =	ssyncset.done $0x0  }
0x39: {  	s1 =	sadd.s32 $0xFFFFFF80, s30;
	[sflag:s20] =	ssyncadd.s32 $0xFFFFC000  }
0x3a: {  	[spmem:s2] =	stream.indirect.scatter.add.f32 [tilespmem:s21], [sflag:$0x3], $0x80, s1, s23, $0xb8;
	[tilespmem:$0x1D480] =	vst v63  }
0x3b: {  	p1 =	sge.u32 s26, s5;
	_ =	swait.ge [sflag:s19], $0x4000  }
0x3c: {  	s6 =	simm.s32 @!p1 $0x1C00;
	s1 =	sshrl.u32 @!p1 s29, $0x3;
	[sflag:s19] =	ssyncset.done $0x0  }
0x3d: {  	s7 =	simm.s32 @!p1 $0x0;
	s1 =	sadd.s32 @!p1 s4, s1;
	[sflag:s19] =	ssyncadd.s32 $0xFFFFC000  }
0x3e: {  	[tilespmem:s6], [sflag:$0x1] =	stream.linear.gather @!p1 [hbm4b:s1+s7], $0x4000, $0x38;
	[tilespmem:$0x1D480] =	vst v63  }
0x3f: {  	_ =	swait.ge [sflag:s24], $0x4000  }
0x40: {  	[sflag:s24] =	ssyncset.done $0x0  }
.Ltmp1:
0x41: {  	s28 =	sadd.s32 $0x1000, s28;
	[sflag:s24] =	ssyncadd.s32 $0xFFFFC000;
	(pc) =	sbr.rel @p0 .LBB2_2-.Ltmp1, $4  }
0x42: {  	[spmem:s2] =	stream.indirect.scatter.add.f32 [tilespmem:s22], [sflag:$0x3], $0x80, s30, s23, $0xb8;
	[tilespmem:$0x1D480] =	vst v63  }
0x43: {  	s0 =	sadd.s32 $0x3, s0;
	s29 =	sadd.s32 $0x8000, s29;
	_ =	swait.ge [sflag:s19], $0x4000  }
0x44: {  	p1 =	sge.u32 s0, s5;
	s30 =	sadd.s32 $0x100, s30;
	[sflag:s19] =	ssyncset.done $0x0  }
0x45: {  	s1 =	simm.s32 @!p1 $0x0;
	s0 =	simm.s32 @!p1 $0x5C00;
	[sflag:s19] =	ssyncadd.s32 $0xFFFFC000  }
.LBB2_3:
0x46: {  	[tilespmem:s0], [sflag:$0x2] =	stream.linear.gather @!p1 [hbm4b:s31+s1], $0x4000, $0x38;
	[tilespmem:$0x1D480] =	vst v63  }
0x47: {  	_ =	swait.ge [sflag:s20], $0x4000  }
0x48: {  	[sflag:s20] =	ssyncset.done $0x0  }
0x49: {  	[sflag:s20] =	ssyncadd.s32 $0xFFFFC000  }
0x4a: {  	[spmem:s2] =	stream.indirect.scatter.add.f32 [tilespmem:s21], [sflag:$0x3], $0x80, s11, s23, $0xb8;
	[tilespmem:$0x1D480] =	vst v63  }
0x4b: {  	_ =	swait.ge [sflag:s19], $0x4000  }
0x4c: {  	s25 =	sadd.s32 $0x1, s25;
	[sflag:s19] =	ssyncset.done $0x0  }
0x4d: {  	p0 =	sne.s32 s25, s13;
	[sflag:s19] =	ssyncadd.s32 $0xFFFFC000  }
.Ltmp2:
0x4e: {  	[bflag:$0x0] =	sbarrier.arrive $0xFFFF;
	(pc) =	sbr.rel @p0 .LBB2_1-.Ltmp2, $4  }
0x4f: {  	[hbm:s12], [sflag:s8] =	dma.local [spmem:s18], $0x2800  }
0x50: {  	_ =	swait.ge [sflag:s19], $0x2800  }
0x51: {  	[sflag:s19] =	ssyncset.done $0x0  }
0x52: {  	[sflag:s19] =	ssyncadd.s32 $0xFFFFD800  }
0x53: {  	_ =	sfence.sel $0x180000  }
0x54: {  	[bflag:$0x0] =	sbarrier.arrive $0xFFFF  }
0x55: {  	_ =	strace $0x90000050  }
0x56: {  	s0 =	stileid.u32;
	[bflag:$0x2] =	sbarrier.arrive $0xFFFF  }
0x57: {  	p0 =	sne.s32 s0, $0x0;
	s0 =	rddreg [dreg:$0x2]  }
0x58: {  	s0 =	sadd.s32 @!p0 $0x100000, s0  }
0x59: {  	[sflag:s0] =	ssyncadd.tile.s32 @!p0 $0x1;
	_ =	shalt  }
.Lfunc_end2:
_tile_overlayer_lowered:
.L_overlay_start_2:
0x5a: {  	(tag) =	ssettag $0x2  }
0x5b: {  	s0 =	rddreg [dreg:$0x0];
	s2 =	stileid.u32  }
0x5c: {  	s1 =	rddreg [dreg:$0x1];
	p0 =	sne.s32 s2, $0x0  }
0x5d: {  	s3 =	rddreg [dreg:$0x2];
	[bflag:$0x3] =	sbarrier.arrive $0xFFFF;
	s2 =	simm.s32 @!p0 $0x1C03  }
0x5e: {  	[timem:s3], [sflag:s2] =	dma.local @!p0 [hbm:s0], s1  }
0x5f: {  	s0 =	simm.s32 @!p0 $0x3  }
0x60: {  	_ =	swait.ge @!p0 [sflag:s0], s1  }
0x61: {  	s1 =	ssub.s32 @!p0 $0x0, s1;
	[sflag:s0] =	ssyncset.done @!p0 $0x0  }
0x62: {  	[sflag:s0] =	ssyncadd.s32 @!p0 s1  }
0x63: {  	[bflag:$0x3] =	sbarrier.arrive $0xFFFF  }
0x64: {  	_ =	shalt  }

// kernel: kernel.15.cloned.1.call-start
scs
__scs_entry_jumppad:
0x0: {  	(pc) =	sbr.rel $0x88, $3  }
0x1: {  	(tag) =	ssettag $0x0;
	lr =	simm.s32 $0x1  }
0x2: {  	[smem:$0x3F95] =	sst lr;
	_ =	strace $0xD0000000  }
0x3: {  	_ = 	snop  }
0x4: {  	_ = 	snop  }
0x5: {  	_ = 	snop  }
0x6: {  	_ = 	snop  }
0x7: {  	_ = 	snop  }
__scs_overlays_trampoline_lowered:
0x8: {  	[smem:$0x3FA4] =	sst s0  }
0x9: {  	[smem:$0x3FA5] =	sst s1  }
0xa: {  	[smem:$0x3FA6] =	sst s2  }
0xb: {  	[smem:$0x3FA7] =	sst s3  }
0xc: {  	[smem:$0x3FA8] =	sst s4  }
0xd: {  	[smem:$0x3FA9] =	sst s5  }
0xe: {  	[smem:$0x3FAA] =	sst s6  }
0xf: {  	[smem:$0x3FAB] =	sst s7  }
0x10: {  	[smem:$0x3FAC] =	sst s8  }
0x11: {  	[smem:$0x3FAD] =	sst s9;
	s0 =	simm.s32 @!p0 $0x0  }
0x12: {  	s1 =	sld [smem:$0x3F93];
	s0 =	simm.s32 @p0 $0x1  }
0x13: {  	[smem:$0x3FAE] =	sst s0;
	s0 =	simm.s32 @!p1 $0x0  }
0x14: {  	s2 =	sld [smem:$0x3F92];
	s0 =	simm.s32 @p1 $0x1  }
0x15: {  	[smem:$0x3FAF] =	sst s0;
	s0 =	simm.s32 @!p2 $0x0  }
0x16: {  	s3 =	sld [smem:$0x3FDB];
	s0 =	simm.s32 @p2 $0x1  }
0x17: {  	s4 =	simm.s32 $0x1BF5;
	[smem:$0x3FB1] =	sst s0  }
0x18: {  	s0 =	sld [smem:$0x3F94];
	_ =	swait.ge [sflag:s4], $0x0  }
0x19: {  	s7 =	sld [smem:$0x3F95]  }
0x1a: {  	s8 =	sadd.s32 $0xFFFFE003, lr  }
0x1b: {  	s9 =	sadd.s32 $0xFFFFFEF7, lr;
	s5 =	simm.s32 $0xFFFFFFFF;
	p2 =	slt.u32 s8, $0xFFFFF086  }
0x1c: {  	p1 =	slt.u32 s9, $0xF7A;
	s5 =	simm.s32 @!p2 $0x0  }
0x1d: {  	s5 =	simm.s32 @p1 $0x1;
	p0 =	seq.s32 s7, s2  }
0x1e: {  	s7 =	smul.u32 @!p0 $0xF7A, s2;
	p2 =	seq.s32 @!p0 s5, $0x0  }
0x1f: {  	s9 =	smul.u32 $0xF7A, s1;
	s8 =	simm.s32 @!p0 $0x1BF5;
	p2 =	por !p2, p0  }
0x20: {  	[sflag:s8] =	ssyncset.s32 @!p0 $0xFFFFF086;
	s6 =	sadd.s32 @!p0 s3, s7;
	s7 =	simm.s32 @!p0 $0x108  }
0x21: {  	s3 =	sadd.s32 s3, s9;
	s6 =	sadd.s32 @!p0 $0x88, s6;
	s7 =	simm.s32 @p2 $0x1082  }
0x22: {  	[simem:s7], [sflag:s8] =	dma.local @!p0 [hbm:s6], $0xF7A  }
0x23: {  	s9 =	sor.u32 $0xD0000000, s2;
	s6 =	simm.s32 $0x108;
	_ =	swait.ge @!p0 [sflag:s8], $0x0  }
0x24: {  	s3 =	sadd.s32 $0x88, s3;
	s6 =	simm.s32 @!p1 $0x1082;
	[sflag:s4] =	ssyncset.s32 $0xFFFFF086  }
0x25: {  	[simem:s6], [sflag:s4] =	dma.local [hbm:s3], $0xF7A  }
0x26: {  	[smem:$0x3F95] =	sst s1;
	(tag) =	ssettag s2;
	_ =	strace s9  }
0x27: {  	s1 =	sld [smem:$0x3FA5]  }
0x28: {  	s2 =	sld [smem:$0x3FA6]  }
0x29: {  	s4 =	sld [smem:$0x3FA8]  }
0x2a: {  	p0 =	seq.s32 s5, $0x0;
	s5 =	sld [smem:$0x3FA9]  }
0x2b: {  	s6 =	sld [smem:$0x3FAA]  }
0x2c: {  	s7 =	sld [smem:$0x3FAB]  }
0x2d: {  	s3 =	simm.s32 $0x108;
	s8 =	sld [smem:$0x3FAC]  }
0x2e: {  	s3 =	simm.s32 @!p0 $0x1082;
	s9 =	sld [smem:$0x3FAD]  }
0x2f: {  	lr =	sadd.s32 s0, s3;
	s0 =	sld [smem:$0x3FA4]  }
0x30: {  	s3 =	sld [smem:$0x3FA7]  }
0x31: {  	[smem:$0x3FB0] =	sst s10  }
0x32: {  	s10 =	sld [smem:$0x3FAE];
	_ =	sdelay $0x3  }
0x33: {  	p0 =	seq.s32 s10, $0x1;
	s10 =	sld [smem:$0x3FB0];
	_ =	sdelay $0x3  }
0x34: {  	[smem:$0x3FB0] =	sst s10  }
0x35: {  	s10 =	sld [smem:$0x3FAF];
	_ =	sdelay $0x3  }
0x36: {  	p1 =	seq.s32 s10, $0x1;
	s10 =	sld [smem:$0x3FB0];
	_ =	sdelay $0x3  }
0x37: {  	[smem:$0x3FB0] =	sst s10  }
0x38: {  	s10 =	sld [smem:$0x3FB1]  }
0x39: {  	_ = 	snop;
	(pc) =	sbr.ind lr, $3  }
0x3a: {  	_ = 	snop  }
0x3b: {  	_ = 	snop  }
0x3c: {  	p2 =	seq.s32 s10, $0x1;
	s10 =	sld [smem:$0x3FB0]  }
0x3d: {  	_ =	shalt  }
0x3e: {  	_ =	shalt  }
0x3f: {  	_ =	shalt  }
0x40: {  	_ =	shalt  }
0x41: {  	_ =	shalt  }
0x42: {  	_ =	shalt  }
0x43: {  	_ =	shalt  }
0x44: {  	_ =	shalt  }
0x45: {  	_ =	shalt  }
0x46: {  	_ =	shalt  }
0x47: {  	_ =	shalt  }
0x48: {  	_ =	shalt  }
0x49: {  	_ =	shalt  }
0x4a: {  	_ =	shalt  }
0x4b: {  	_ =	shalt  }
0x4c: {  	_ =	shalt  }
0x4d: {  	_ =	shalt  }
0x4e: {  	_ =	shalt  }
0x4f: {  	_ =	shalt  }
0x50: {  	_ =	shalt  }
0x51: {  	_ =	shalt  }
0x52: {  	_ =	shalt  }
0x53: {  	_ =	shalt  }
0x54: {  	_ =	shalt  }
0x55: {  	_ =	shalt  }
0x56: {  	_ =	shalt  }
0x57: {  	_ =	shalt  }
0x58: {  	_ =	shalt  }
0x59: {  	_ =	shalt  }
0x5a: {  	_ =	shalt  }
0x5b: {  	_ =	shalt  }
0x5c: {  	_ =	shalt  }
0x5d: {  	_ =	shalt  }
0x5e: {  	_ =	shalt  }
0x5f: {  	_ =	shalt  }
0x60: {  	_ =	shalt  }
0x61: {  	_ =	shalt  }
0x62: {  	_ =	shalt  }
0x63: {  	_ =	shalt  }
0x64: {  	_ =	shalt  }
0x65: {  	_ =	shalt  }
0x66: {  	_ =	shalt  }
0x67: {  	_ =	shalt  }
0x68: {  	_ =	shalt  }
0x69: {  	_ =	shalt  }
0x6a: {  	_ =	shalt  }
0x6b: {  	_ =	shalt  }
0x6c: {  	_ =	shalt  }
0x6d: {  	_ =	shalt  }
0x6e: {  	_ =	shalt  }
0x6f: {  	_ =	shalt  }
0x70: {  	_ =	shalt  }
0x71: {  	_ =	shalt  }
0x72: {  	_ =	shalt  }
0x73: {  	_ =	shalt  }
0x74: {  	_ =	shalt  }
0x75: {  	_ =	shalt  }
0x76: {  	_ =	shalt  }
0x77: {  	_ =	shalt  }
0x78: {  	_ =	shalt  }
0x79: {  	_ =	shalt  }
0x7a: {  	_ =	shalt  }
0x7b: {  	_ =	shalt  }
0x7c: {  	_ =	shalt  }
0x7d: {  	_ =	shalt  }
0x7e: {  	_ =	shalt  }
0x7f: {  	_ =	shalt  }
0x80: {  	_ =	shalt  }
0x81: {  	_ =	shalt  }
0x82: {  	_ =	shalt  }
0x83: {  	_ =	shalt  }
0x84: {  	_ =	shalt  }
0x85: {  	_ =	shalt  }
0x86: {  	_ =	shalt  }
0x87: {  	_ =	shalt  }
.Lfunc_end0:
.L_simem_size_0:
called_computation.2_lowered:
.L_overlay_start_0:
0x88: {  	s2 =	sld [smem:$0x3FD9]  }
0x89: {  	s3 =	sld [smem:$0x3FFE];
	_ =	sdelay $0x1  }
0x8a: {  	s1 =	srdreg.scid  }
0x8b: {  	s0 =	sand.u32 $0x1, s1  }
0x8c: {  	s17 =	sshll.u32 s0, $0xA;
	s2 =	sadd.s32 s3, s2  }
0x8d: {  	s2 =	sadd.s32 s2, s17  }
0x8e: {  	[smem:$0x3FBC] =	sst s2  }
0x8f: {  	_ = 	snop  }
0x90: {  	s2 =	sld [smem:$0x3FC9];
	(tm) =	ssettm $0x1  }
0x91: {  	s18 =	sld [smem:$0x3FFB];
	_ =	sdelay $0x3  }
0x92: {  	_ =	strace s18  }
0x93: {  	s3 =	sld [smem:$0x3FFC];
	_ =	sdelay $0x3  }
0x94: {  	_ =	strace s3  }
0x95: {  	s3 =	sld [smem:$0x3FFD];
	_ =	sdelay $0x3  }
0x96: {  	_ =	strace s3  }
0x97: {  	_ =	strace $0x8FFFFFFF  }
0x98: {  	s19 =	sld [smem:$0x3FDB];
	_ =	sdelay $0x1  }
0x99: {  	s4 =	simm.s32 $_scs_section_size  }
0x9a: {  	s5 =	simm.s32 $_size__tile_overlayer_lowered;
	s6 =	simm.s32 $_tile_overlayer_lowered  }
0x9b: {  	s22 =	simm.s32 $0x1BFF;
	s21 =	sshll.u32 s6, $0x1;
	s3 =	sadd.s32 s4, s19  }
0x9c: {  	s7 =	simm.s32 $0x0;
	s20 =	sshll.u32 s5, $0x1;
	s5 =	sadd.s32 s21, s3  }
0x9d: {  	[timem:s7], [sflag:s22] =	dma.local [hbm:s5], s20  }
0x9e: {  	_ =	swait.ge [sflag:s22], s20  }
0x9f: {  	s4 =	ssub.s32 $0x0, s20;
	[sflag:s22] =	ssyncset.done $0x0  }
0xa0: {  	[sflag:s22] =	ssyncadd.s32 s4;
	_ =	sdelay $0x1  }
0xa1: {  	s23 =	simm.s32 $0x1B8B  }
0xa2: {  	_ =	swait.ge [sflag:s23], $0x1  }
0xa3: {  	[sflag:s23] =	ssyncset.done $0x0  }
0xa4: {  	s25 =	simm.s32 $0x1B8E;
	s24 =	sld [smem:$0x3FFE];
	[sflag:s23] =	ssyncadd.s32 $0xFFFFFFFF  }
0xa5: {  	s26 =	simm.s32 $execute0_lowered;
	[smem:$0x3FD2] =	sst s25  }
0xa6: {  	s5 =	sshll.u32 s26, $0x1;
	_ =	strace $0x80000046;
	[dreg:$0x1] =	wrdreg $0xFFFFFFFF  }
0xa7: {  	s28 =	simm.s32 $_size_execute0_lowered;
	s3 =	sadd.s32 s3, s5;
	[dreg:$0x0] =	wrdreg $0x0  }
0xa8: {  	s5 =	sshll.u32 s28, $0x1;
	[dreg:$0x2] =	wrdreg s3  }
0xa9: {  	[dreg:$0x3] =	wrdreg s5  }
0xaa: {  	[dreg:$0x4] =	wrdreg $0xC0  }
0xab: {  	_ =	task [dreg:s7], $0x5FFFF  }
0xac: {  	[dreg:$0x1] =	wrdreg $0xFFFFFFFF  }
0xad: {  	[dreg:$0x0] =	wrdreg $0x60  }
0xae: {  	[dreg:$0x2] =	wrdreg s24  }
0xaf: {  	[dreg:$0x3] =	wrdreg s2  }
0xb0: {  	[dreg:$0x4] =	wrdreg $0xA  }
0xb1: {  	_ =	task.clear_ibuf [dreg:s7], $0x5FFFF;
	_ =	strace $0x90000046  }
0xb2: {  	s29 =	simm.s32 $0xA;
	_ =	strace $0x80000048  }
0xb3: {  	_ =	swait.ge [sflag:s29], $0x1  }
0xb4: {  	[sflag:s29] =	ssyncadd.s32 $0xFFFFFFFF  }
0xb5: {  	_ =	strace $0x90000048  }
0xb6: {  	_ =	sfence  }
0xb7: {  	s30 =	sld [smem:$0x0];
	_ =	sdelay $0x2  }
0xb8: {  	s31 =	sshll.u32 s1, $0xD;
	s1 =	sshrl.u32 s1, $0x2  }
0xb9: {  	s3 =	sand.u32 $0x4000, s31;
	s1 =	sadd.s32 s1, s30  }
0xba: {  	s0 =	sor.u32 s3, s0;
	s1 =	sshll.u32 s1, $0x11  }
0xbb: {  	s0 =	sor.u32 s1, s0  }
0xbc: {  	s0 =	sadd.s32 $0x8F2B, s0  }
0xbd: {  	[sflag:s0] =	ssyncadd.remote.s32 $0x1  }
0xbe: {  	_ =	sfence.sel $0xFFFF  }
0xbf: {  	[dreg:$0x0] =	wrdreg $0xFFFFFFFF;
	(pc) =	sbr.abs _section_cstart, $3  }
0xc0: {  	[dreg:$0x1] =	wrdreg $0xFFFFFFFF  }
0xc1: {  	_ =	task.clear_ibuf [dreg:s7], $0x2FFFF;
	_ =	strace $0x9FFFFFFF  }
0xc2: {  	(tm) =	ssettm $0x7FFFFFFF  }
0xc3: {  	_ =	shalt  }
tec
execute0_lowered:
.L_overlay_start_1:
0x0: {  	(tag) =	ssettag $0x1  }
0x1: {  	s5 =	rddreg [dreg:$0x0]  }
0x2: {  	s0 =	srdreg.scid;
	s2 =	rddreg [dreg:$0x1]  }
0x3: {  	s3 =	simm.s32 $0x0;
	s11 =	simm.s32 $0x7580;
	s4 =	sand.u32 $0x1, s0  }
0x4: {  	s12 =	simm.s32 $0x9D00;
	s0 =	stileid.u32;
	s1 =	sshll.u32 s4, $0x4  }
0x5: {  	s13 =	simm.s32 $0xB100;
	s14 =	simm.s32 $0xC500;
	s6 =	sor.u32 s0, s1  }
0x6: {  	s15 =	simm.s32 $0xD900;
	s16 =	simm.s32 $0x0;
	s6 =	smul.u32 $0x1388, s6  }
0x7: {  	[smem:$0x7FF] =	sst s3;
	s7 =	ssub.s32 $0x2, s4;
	s4 =	sadd.s32 $0x3400, s5  }
0x8: {  	s1 =	rddreg [dreg:$0x2];
	s8 =	sshrl.u32 s7, $0x1;
	s6 =	sshrl.u32 s6, $0x3  }
0x9: {  	_ =	strace $0x80000047;
	s10 =	ssub.s32 s7, s8;
	s9 =	sadd.s32 s6, s5  }
0xa: {  	s5 =	sadd.s32 $0x9220, s9;
	s6 =	sadd.s32 $0x12E60, s9;
	s7 =	sadd.s32 $0x17E00, s9  }
0xb: {  	s8 =	sadd.s32 $0x1CE00, s9;
	s9 =	smax.u32 s10, $0x1;
	s10 =	simm.s32 $0x1  }
.LBB2_1:
0xc: {  	[tilespmem:s3], [sflag:$0x1] =	stream.linear.gather [hbm4b:s4+s3], $0x7580, $0x38;
	[tilespmem:$0xED00] =	vst v63  }
0xd: {  	_ =	swait.ge [sflag:s10], $0x7580  }
0xe: {  	[sflag:s10] =	ssyncset.done $0x0  }
0xf: {  	[sflag:s10] =	ssyncadd.s32 $0xFFFF8A80  }
0x10: {  	[tilespmem:s11], [sflag:$0x1] =	stream.linear.gather [hbm4b:s2+s3], $0x2780, $0x38;
	[tilespmem:$0xED00] =	vst v63  }
0x11: {  	_ =	swait.ge [sflag:s10], $0x2780  }
0x12: {  	[sflag:s10] =	ssyncset.done $0x0  }
0x13: {  	[sflag:s10] =	ssyncadd.s32 $0xFFFFD880  }
0x14: {  	[tilespmem:s12], [sflag:$0x1] =	stream.linear.gather [hbm4b:s5+s3], $0x1388, $0x38;
	[tilespmem:$0xED00] =	vst v63  }
0x15: {  	_ =	swait.ge [sflag:s10], $0x1388  }
0x16: {  	[sflag:s10] =	ssyncset.done $0x0  }
0x17: {  	[sflag:s10] =	ssyncadd.s32 $0xFFFFEC78  }
0x18: {  	[tilespmem:s13], [sflag:$0x1] =	stream.linear.gather [hbm4b:s6+s3], $0x1388, $0x38;
	[tilespmem:$0xED00] =	vst v63  }
0x19: {  	_ =	swait.ge [sflag:s10], $0x1388  }
0x1a: {  	[sflag:s10] =	ssyncset.done $0x0  }
0x1b: {  	s17 =	simm.s32 $0x0;
	[sflag:s10] =	ssyncadd.s32 $0xFFFFEC78  }
0x1c: {  	v0 =	vld [tilespmem:s17+$0xB100]  }
0x1d: {  	v1 =	vld [tilespmem:s17+$0x9D00];
	_ =	sdelay $0x3  }
0x1e: {  	vm0 =	vgt.s32 v0, $0x0  }
0x1f: {  	vm1 =	vgt.s32 v1, $0x0;
	v0 =	vnsel vm0, $0x0, v0  }
0x20: {  	v1 =	vnsel vm1, $0x0, v1;
	v2 =	vmin.u32 v0, $0x270F  }
0x21: {  	v0 =	vmin.u32 v1, $0x270F;
	v1 =	vmul.u32 $0x3, v2  }
0x22: {  	v2 =	vmul.u32 $0x3, v0;
	_ =	sdelay $0x1  }
0x23: {  	v3 =	vadd.s32 $0x1, v2  }
0x24: {  	v4 =	vadd.s32 $0x1, v1  }
0x25: {  	v5 =	vadd.s32 $0x2, v2  }
0x26: {  	v6 =	vld.idx.msk [tilespmem:v1+s3+$0x0], $0xffff;
	v1 =	vadd.s32 $0x2, v1  }
0x27: {  	v2 =	vld.idx.msk [tilespmem:v2+s3+$0x0], $0xffff  }
0x28: {  	v3 =	vld.idx.msk [tilespmem:v3+s3+$0x0], $0xffff  }
0x29: {  	v4 =	vld.idx.msk [tilespmem:v4+s3+$0x0], $0xffff  }
0x2a: {  	v5 =	vld.idx.msk [tilespmem:v5+s3+$0x0], $0xffff  }
0x2b: {  	v7 =	vld.idx.msk [tilespmem:v1+s3+$0x0], $0xffff;
	_ =	sdelay $0x2  }
0x2c: {  	v2 =	vsub.f32 v2, v6;
	v6 =	vsub.f32 v3, v4  }
0x2d: {  	s18 =	simm.s32 $0x10  }
0x2e: {  	v1 =	vld [tilespmem:s18+$0xB100];
	v4 =	vmul.f32 v2, v2;
	v3 =	vsub.f32 v5, v7;
	v5 =	vmul.f32 v6, v6  }
0x2f: {  	s19 =	simm.s32 $0x80;
	v2 =	vld [tilespmem:s18+$0x9D00]  }
.LBB2_2:
0x30: {  	p0 =	sne.s32 s19, $0x4E00;
	v4 =	vadd.f32 v5, v4;
	v3 =	vmul.f32 v3, v3;
	_ =	sdelay $0x1  }
0x31: {  	v3 =	vadd.f32 v3, v4  }
0x32: {  	vm0 =	vgt.s32 v1, $0x0  }
0x33: {  	vm1 =	vgt.s32 v2, $0x0;
	v1 =	vnsel vm0, $0x0, v1;
	[tilespmem:s17+$0xC500] =	vst v3  }
0x34: {  	v2 =	vnsel vm1, $0x0, v2;
	v1 =	vmin.u32 v1, $0x270F;
	v3 =	vld.idx.msk [tilespmem:v0+s11+$0x0], $0xffff  }
0x35: {  	v0 =	vmin.u32 v2, $0x270F;
	v1 =	vmul.u32 $0x3, v1  }
0x36: {  	v2 =	vmul.u32 $0x3, v0;
	_ =	sdelay $0x1  }
0x37: {  	v4 =	vadd.s32 $0x1, v2  }
0x38: {  	v5 =	vadd.s32 $0x1, v1  }
0x39: {  	v6 =	vadd.s32 $0x2, v2;
	[tilespmem:s17+$0xD900] =	vst v3;
	s17 =	smov.u32 s18  }
0x3a: {  	v3 =	vld.idx.msk [tilespmem:v1+s3+$0x0], $0xffff;
	v1 =	vadd.s32 $0x2, v1  }
0x3b: {  	v2 =	vld.idx.msk [tilespmem:v2+s3+$0x0], $0xffff  }
0x3c: {  	v4 =	vld.idx.msk [tilespmem:v4+s3+$0x0], $0xffff  }
0x3d: {  	v5 =	vld.idx.msk [tilespmem:v5+s3+$0x0], $0xffff  }
0x3e: {  	v6 =	vld.idx.msk [tilespmem:v6+s3+$0x0], $0xffff  }
0x3f: {  	v7 =	vld.idx.msk [tilespmem:v1+s3+$0x0], $0xffff;
	_ =	sdelay $0x2  }
.Ltmp0:
0x40: {  	(pc) =	sbr.rel @p0 .LBB2_2-.Ltmp0, $4  }
0x41: {  	v2 =	vsub.f32 v2, v3;
	v5 =	vsub.f32 v4, v5  }
0x42: {  	s18 =	sshra.s32 s19, $0x2  }
0x43: {  	v4 =	vmul.f32 v2, v2;
	v3 =	vsub.f32 v6, v7;
	v5 =	vmul.f32 v5, v5;
	v1 =	vld [tilespmem:s18+$0xB100]  }
0x44: {  	s19 =	sadd.s32 $0x40, s19;
	v2 =	vld [tilespmem:s18+$0x9D00]  }
0x45: {  	_ = 	snop  }
0x46: {  	v4 =	vadd.f32 v5, v4;
	v3 =	vmul.f32 v3, v3;
	_ =	sdelay $0x1  }
0x47: {  	v3 =	vadd.f32 v3, v4;
	vm0 =	vgt.s32 v1, $0x0  }
0x48: {  	vm1 =	vgt.s32 v2, $0x0;
	v1 =	vnsel vm0, $0x0, v1  }
0x49: {  	[tilespmem:s17+$0xC500] =	vst v3;
	v2 =	vnsel vm1, $0x0, v2;
	v1 =	vmin.u32 v1, $0x270F  }
0x4a: {  	v0 =	vld.idx.msk [tilespmem:v0+s11+$0x0], $0xffff;
	v2 =	vmin.u32 v2, $0x270F;
	v1 =	vmul.u32 $0x3, v1  }
0x4b: {  	v60 =	vmul.u32 $0x3, v2;
	_ =	sdelay $0x1  }
0x4c: {  	v62 =	vadd.s32 $0x1, v1  }
0x4d: {  	v61 =	vadd.s32 $0x1, v60  }
0x4e: {  	v6 =	vadd.s32 $0x2, v60;
	[tilespmem:s17+$0xD900] =	vst v0  }
0x4f: {  	v0 =	vld.idx.msk [tilespmem:v1+s3+$0x0], $0xffff;
	v1 =	vadd.s32 $0x2, v1  }
0x50: {  	v3 =	vld.idx.msk [tilespmem:v60+s3+$0x0], $0xffff  }
0x51: {  	v5 =	vld.idx.msk [tilespmem:v62+s3+$0x0], $0xffff  }
0x52: {  	v4 =	vld.idx.msk [tilespmem:v61+s3+$0x0], $0xffff  }
0x53: {  	v6 =	vld.idx.msk [tilespmem:v6+s3+$0x0], $0xffff  }
0x54: {  	v1 =	vld.idx.msk [tilespmem:v1+s3+$0x0], $0xffff;
	_ =	sdelay $0x2  }
0x55: {  	v0 =	vsub.f32 v3, v0;
	v63 =	vsub.f32 v4, v5;
	_ =	sdelay $0x1  }
0x56: {  	v0 =	vmul.f32 v0, v0;
	v3 =	vmul.f32 v63, v63;
	v1 =	vsub.f32 v6, v1;
	_ =	sdelay $0x1  }
0x57: {  	v0 =	vadd.f32 v3, v0;
	v1 =	vmul.f32 v1, v1;
	_ =	sdelay $0x1  }
0x58: {  	v0 =	vadd.f32 v1, v0;
	_ =	sdelay $0x1  }
0x59: {  	[tilespmem:s18+$0xC500] =	vst v0  }
0x5a: {  	v0 =	vld.idx.msk [tilespmem:v2+s11+$0x0], $0xffff;
	_ =	sdelay $0x4  }
0x5b: {  	[tilespmem:s18+$0xD900] =	vst v0  }
0x5c: {  	[hbm4b:s7+s3] =	stream.linear.scatter [tilespmem:s14], [sflag:$0x1], $0x1388, $0x38;
	[tilespmem:$0xED00] =	vst v63  }
0x5d: {  	s16 =	sadd.s32 $0x1, s16;
	_ =	swait.ge [sflag:s10], $0x1388  }
0x5e: {  	p0 =	sne.s32 s16, s9;
	[sflag:s10] =	ssyncset.done $0x0  }
.Ltmp1:
0x5f: {  	[sflag:s10] =	ssyncadd.s32 $0xFFFFEC78;
	(pc) =	sbr.rel @p0 .LBB2_1-.Ltmp1, $4  }
0x60: {  	[hbm4b:s8+s3] =	stream.linear.scatter [tilespmem:s15], [sflag:$0x1], $0x1388, $0x38;
	[tilespmem:$0xED00] =	vst v63  }
0x61: {  	_ =	swait.ge [sflag:s10], $0x1388  }
0x62: {  	[sflag:s10] =	ssyncset.done $0x0  }
0x63: {  	[sflag:s10] =	ssyncadd.s32 $0xFFFFEC78  }
0x64: {  	_ =	sfence.sel $0x180000  }
0x65: {  	[bflag:$0x0] =	sbarrier.arrive $0xFFFF  }
0x66: {  	p0 =	sne.s32 s0, $0x0;
	_ =	strace $0x90000047  }
0x67: {  	s0 =	sadd.s32 @!p0 $0x100000, s1;
	[bflag:$0x2] =	sbarrier.arrive $0xFFFF  }
0x68: {  	[sflag:s0] =	ssyncadd.tile.s32 @!p0 $0x1;
	_ =	shalt  }
.Lfunc_end2:
_tile_overlayer_lowered:
.L_overlay_start_2:
0x69: {  	(tag) =	ssettag $0x2  }
0x6a: {  	s0 =	rddreg [dreg:$0x0];
	s2 =	stileid.u32  }
0x6b: {  	s1 =	rddreg [dreg:$0x1];
	p0 =	sne.s32 s2, $0x0  }
0x6c: {  	s3 =	rddreg [dreg:$0x2];
	[bflag:$0x3] =	sbarrier.arrive $0xFFFF;
	s2 =	simm.s32 @!p0 $0x1C01  }
0x6d: {  	[timem:s3], [sflag:s2] =	dma.local @!p0 [hbm:s0], s1  }
0x6e: {  	s0 =	simm.s32 @!p0 $0x1  }
0x6f: {  	_ =	swait.ge @!p0 [sflag:s0], s1  }
0x70: {  	s1 =	ssub.s32 @!p0 $0x0, s1;
	[sflag:s0] =	ssyncset.done @!p0 $0x0  }
0x71: {  	[sflag:s0] =	ssyncadd.s32 @!p0 s1  }
0x72: {  	[bflag:$0x3] =	sbarrier.arrive $0xFFFF  }
0x73: {  	_ =	shalt  }

// kernel: kernel.18.cloned.1.call-start
scs
__scs_entry_jumppad:
0x0: {  	(pc) =	sbr.rel $0x88, $3  }
0x1: {  	(tag) =	ssettag $0x0;
	lr =	simm.s32 $0x1  }
0x2: {  	[smem:$0x3F95] =	sst lr;
	_ =	strace $0xD0000000  }
0x3: {  	_ = 	snop  }
0x4: {  	_ = 	snop  }
0x5: {  	_ = 	snop  }
0x6: {  	_ = 	snop  }
0x7: {  	_ = 	snop  }
__scs_overlays_trampoline_lowered:
0x8: {  	[smem:$0x3FA4] =	sst s0  }
0x9: {  	[smem:$0x3FA5] =	sst s1  }
0xa: {  	[smem:$0x3FA6] =	sst s2  }
0xb: {  	[smem:$0x3FA7] =	sst s3  }
0xc: {  	[smem:$0x3FA8] =	sst s4  }
0xd: {  	[smem:$0x3FA9] =	sst s5  }
0xe: {  	[smem:$0x3FAA] =	sst s6  }
0xf: {  	[smem:$0x3FAB] =	sst s7  }
0x10: {  	[smem:$0x3FAC] =	sst s8  }
0x11: {  	[smem:$0x3FAD] =	sst s9;
	s0 =	simm.s32 @!p0 $0x0  }
0x12: {  	s1 =	sld [smem:$0x3F93];
	s0 =	simm.s32 @p0 $0x1  }
0x13: {  	[smem:$0x3FAE] =	sst s0;
	s0 =	simm.s32 @!p1 $0x0  }
0x14: {  	s2 =	sld [smem:$0x3F92];
	s0 =	simm.s32 @p1 $0x1  }
0x15: {  	[smem:$0x3FAF] =	sst s0;
	s0 =	simm.s32 @!p2 $0x0  }
0x16: {  	s3 =	sld [smem:$0x3FDB];
	s0 =	simm.s32 @p2 $0x1  }
0x17: {  	s4 =	simm.s32 $0x1BF5;
	[smem:$0x3FB1] =	sst s0  }
0x18: {  	s0 =	sld [smem:$0x3F94];
	_ =	swait.ge [sflag:s4], $0x0  }
0x19: {  	s7 =	sld [smem:$0x3F95]  }
0x1a: {  	s8 =	sadd.s32 $0xFFFFE003, lr  }
0x1b: {  	s9 =	sadd.s32 $0xFFFFFEF7, lr;
	s5 =	simm.s32 $0xFFFFFFFF;
	p2 =	slt.u32 s8, $0xFFFFF086  }
0x1c: {  	p1 =	slt.u32 s9, $0xF7A;
	s5 =	simm.s32 @!p2 $0x0  }
0x1d: {  	s5 =	simm.s32 @p1 $0x1;
	p0 =	seq.s32 s7, s2  }
0x1e: {  	s7 =	smul.u32 @!p0 $0xF7A, s2;
	p2 =	seq.s32 @!p0 s5, $0x0  }
0x1f: {  	s9 =	smul.u32 $0xF7A, s1;
	s8 =	simm.s32 @!p0 $0x1BF5;
	p2 =	por !p2, p0  }
0x20: {  	[sflag:s8] =	ssyncset.s32 @!p0 $0xFFFFF086;
	s6 =	sadd.s32 @!p0 s3, s7;
	s7 =	simm.s32 @!p0 $0x108  }
0x21: {  	s3 =	sadd.s32 s3, s9;
	s6 =	sadd.s32 @!p0 $0x88, s6;
	s7 =	simm.s32 @p2 $0x1082  }
0x22: {  	[simem:s7], [sflag:s8] =	dma.local @!p0 [hbm:s6], $0xF7A  }
0x23: {  	s9 =	sor.u32 $0xD0000000, s2;
	s6 =	simm.s32 $0x108;
	_ =	swait.ge @!p0 [sflag:s8], $0x0  }
0x24: {  	s3 =	sadd.s32 $0x88, s3;
	s6 =	simm.s32 @!p1 $0x1082;
	[sflag:s4] =	ssyncset.s32 $0xFFFFF086  }
0x25: {  	[simem:s6], [sflag:s4] =	dma.local [hbm:s3], $0xF7A  }
0x26: {  	[smem:$0x3F95] =	sst s1;
	(tag) =	ssettag s2;
	_ =	strace s9  }
0x27: {  	s1 =	sld [smem:$0x3FA5]  }
0x28: {  	s2 =	sld [smem:$0x3FA6]  }
0x29: {  	s4 =	sld [smem:$0x3FA8]  }
0x2a: {  	p0 =	seq.s32 s5, $0x0;
	s5 =	sld [smem:$0x3FA9]  }
0x2b: {  	s6 =	sld [smem:$0x3FAA]  }
0x2c: {  	s7 =	sld [smem:$0x3FAB]  }
0x2d: {  	s3 =	simm.s32 $0x108;
	s8 =	sld [smem:$0x3FAC]  }
0x2e: {  	s3 =	simm.s32 @!p0 $0x1082;
	s9 =	sld [smem:$0x3FAD]  }
0x2f: {  	lr =	sadd.s32 s0, s3;
	s0 =	sld [smem:$0x3FA4]  }
0x30: {  	s3 =	sld [smem:$0x3FA7]  }
0x31: {  	[smem:$0x3FB0] =	sst s10  }
0x32: {  	s10 =	sld [smem:$0x3FAE];
	_ =	sdelay $0x3  }
0x33: {  	p0 =	seq.s32 s10, $0x1;
	s10 =	sld [smem:$0x3FB0];
	_ =	sdelay $0x3  }
0x34: {  	[smem:$0x3FB0] =	sst s10  }
0x35: {  	s10 =	sld [smem:$0x3FAF];
	_ =	sdelay $0x3  }
0x36: {  	p1 =	seq.s32 s10, $0x1;
	s10 =	sld [smem:$0x3FB0];
	_ =	sdelay $0x3  }
0x37: {  	[smem:$0x3FB0] =	sst s10  }
0x38: {  	s10 =	sld [smem:$0x3FB1]  }
0x39: {  	_ = 	snop;
	(pc) =	sbr.ind lr, $3  }
0x3a: {  	_ = 	snop  }
0x3b: {  	_ = 	snop  }
0x3c: {  	p2 =	seq.s32 s10, $0x1;
	s10 =	sld [smem:$0x3FB0]  }
0x3d: {  	_ =	shalt  }
0x3e: {  	_ =	shalt  }
0x3f: {  	_ =	shalt  }
0x40: {  	_ =	shalt  }
0x41: {  	_ =	shalt  }
0x42: {  	_ =	shalt  }
0x43: {  	_ =	shalt  }
0x44: {  	_ =	shalt  }
0x45: {  	_ =	shalt  }
0x46: {  	_ =	shalt  }
0x47: {  	_ =	shalt  }
0x48: {  	_ =	shalt  }
0x49: {  	_ =	shalt  }
0x4a: {  	_ =	shalt  }
0x4b: {  	_ =	shalt  }
0x4c: {  	_ =	shalt  }
0x4d: {  	_ =	shalt  }
0x4e: {  	_ =	shalt  }
0x4f: {  	_ =	shalt  }
0x50: {  	_ =	shalt  }
0x51: {  	_ =	shalt  }
0x52: {  	_ =	shalt  }
0x53: {  	_ =	shalt  }
0x54: {  	_ =	shalt  }
0x55: {  	_ =	shalt  }
0x56: {  	_ =	shalt  }
0x57: {  	_ =	shalt  }
0x58: {  	_ =	shalt  }
0x59: {  	_ =	shalt  }
0x5a: {  	_ =	shalt  }
0x5b: {  	_ =	shalt  }
0x5c: {  	_ =	shalt  }
0x5d: {  	_ =	shalt  }
0x5e: {  	_ =	shalt  }
0x5f: {  	_ =	shalt  }
0x60: {  	_ =	shalt  }
0x61: {  	_ =	shalt  }
0x62: {  	_ =	shalt  }
0x63: {  	_ =	shalt  }
0x64: {  	_ =	shalt  }
0x65: {  	_ =	shalt  }
0x66: {  	_ =	shalt  }
0x67: {  	_ =	shalt  }
0x68: {  	_ =	shalt  }
0x69: {  	_ =	shalt  }
0x6a: {  	_ =	shalt  }
0x6b: {  	_ =	shalt  }
0x6c: {  	_ =	shalt  }
0x6d: {  	_ =	shalt  }
0x6e: {  	_ =	shalt  }
0x6f: {  	_ =	shalt  }
0x70: {  	_ =	shalt  }
0x71: {  	_ =	shalt  }
0x72: {  	_ =	shalt  }
0x73: {  	_ =	shalt  }
0x74: {  	_ =	shalt  }
0x75: {  	_ =	shalt  }
0x76: {  	_ =	shalt  }
0x77: {  	_ =	shalt  }
0x78: {  	_ =	shalt  }
0x79: {  	_ =	shalt  }
0x7a: {  	_ =	shalt  }
0x7b: {  	_ =	shalt  }
0x7c: {  	_ =	shalt  }
0x7d: {  	_ =	shalt  }
0x7e: {  	_ =	shalt  }
0x7f: {  	_ =	shalt  }
0x80: {  	_ =	shalt  }
0x81: {  	_ =	shalt  }
0x82: {  	_ =	shalt  }
0x83: {  	_ =	shalt  }
0x84: {  	_ =	shalt  }
0x85: {  	_ =	shalt  }
0x86: {  	_ =	shalt  }
0x87: {  	_ =	shalt  }
.Lfunc_end0:
.L_simem_size_0:
called_computation.3_lowered:
.L_overlay_start_0:
0x88: {  	s2 =	sld [smem:$0x3FD9]  }
0x89: {  	s3 =	sld [smem:$0x3FFE];
	_ =	sdelay $0x1  }
0x8a: {  	s1 =	srdreg.scid  }
0x8b: {  	s0 =	sand.u32 $0x1, s1  }
0x8c: {  	s17 =	sshll.u32 s0, $0xA;
	s2 =	sadd.s32 s3, s2  }
0x8d: {  	s2 =	sadd.s32 s2, s17  }
0x8e: {  	[smem:$0x3FBC] =	sst s2  }
0x8f: {  	_ = 	snop  }
0x90: {  	(tm) =	ssettm $0x1  }
0x91: {  	s18 =	sld [smem:$0x3FFB];
	_ =	sdelay $0x3  }
0x92: {  	_ =	strace s18  }
0x93: {  	s2 =	sld [smem:$0x3FFC];
	_ =	sdelay $0x3  }
0x94: {  	_ =	strace s2  }
0x95: {  	s2 =	sld [smem:$0x3FFD];
	_ =	sdelay $0x3  }
0x96: {  	_ =	strace s2  }
0x97: {  	_ =	strace $0x8FFFFFFF  }
0x98: {  	s19 =	sld [smem:$0x3FDB];
	_ =	sdelay $0x1  }
0x99: {  	s20 =	simm.s32 $_scs_section_size  }
0x9a: {  	s4 =	simm.s32 $_size__tile_overlayer_lowered;
	s5 =	simm.s32 $_tile_overlayer_lowered  }
0x9b: {  	s6 =	simm.s32 $0x1BFF;
	s21 =	sshll.u32 s5, $0x1;
	s3 =	sadd.s32 s20, s19  }
0x9c: {  	s22 =	simm.s32 $0x0;
	s4 =	sshll.u32 s4, $0x1;
	s5 =	sadd.s32 s21, s3  }
0x9d: {  	[timem:s22], [sflag:s6] =	dma.local [hbm:s5], s4  }
0x9e: {  	_ =	swait.ge [sflag:s6], s4  }
0x9f: {  	s4 =	ssub.s32 $0x0, s4;
	[sflag:s6] =	ssyncset.done $0x0  }
0xa0: {  	[sflag:s6] =	ssyncadd.s32 s4;
	_ =	sdelay $0x1  }
0xa1: {  	s23 =	simm.s32 $0x1B8B  }
0xa2: {  	_ =	swait.ge [sflag:s23], $0x1  }
0xa3: {  	[sflag:s23] =	ssyncset.done $0x0  }
0xa4: {  	[sflag:s23] =	ssyncadd.s32 $0xFFFFFFFF  }
0xa5: {  	s4 =	sld [smem:$0x0]  }
0xa6: {  	s5 =	sand.u32 $0xFFFFFFFE, s1  }
0xa7: {  	p0 =	sne.s32 s1, s5  }
0xa8: {  	s5 =	sshll.u32 @p0 s5, $0xE  }
0xa9: {  	s5 =	sadd.s32 @p0 $0x11B8D, s5;
	s6 =	sshll.u32 @p0 s4, $0x11  }
0xaa: {  	s5 =	sor.u32 @p0 s6, s5  }
0xab: {  	[sflag:s5] =	ssyncadd.remote.s32 @p0 $0x1;
	_ =	sdelay $0x1  }
0xac: {  	s5 =	simm.s32 @p0 $0x1B8D  }
0xad: {  	_ =	swait.eq @p0 [sflag:s5], $0x1  }
0xae: {  	[sflag:s5] =	ssyncadd.s32 @p0 $0xFFFFFFFF  }
0xaf: {  	s6 =	sshll.u32 @!p0 s1, $0xE  }
0xb0: {  	s6 =	sor.u32 @!p0 $0x4000, s6;
	s5 =	simm.s32 @!p0 $0x1B8D  }
0xb1: {  	s4 =	sshll.u32 @!p0 s4, $0x11;
	s6 =	sadd.s32 @!p0 $0x11B8D, s6;
	_ =	swait.eq @!p0 [sflag:s5], $0x1  }
0xb2: {  	s4 =	sor.u32 @!p0 s4, s6;
	[sflag:s5] =	ssyncadd.s32 @!p0 $0xFFFFFFFF  }
0xb3: {  	s25 =	simm.s32 $0x1B8E;
	s24 =	sld [smem:$0x3FFE];
	[sflag:s4] =	ssyncadd.remote.s32 @!p0 $0x1  }
0xb4: {  	s26 =	simm.s32 $execute0_lowered;
	[smem:$0x3FD2] =	sst s25  }
0xb5: {  	s5 =	sshll.u32 s26, $0x1;
	_ =	strace $0x8000004C;
	[dreg:$0x1] =	wrdreg $0xFFFFFFFF  }
0xb6: {  	s28 =	simm.s32 $_size_execute0_lowered;
	s3 =	sadd.s32 s3, s5;
	[dreg:$0x0] =	wrdreg $0x0  }
0xb7: {  	s5 =	sshll.u32 s28, $0x1;
	[dreg:$0x2] =	wrdreg s3  }
0xb8: {  	[dreg:$0x3] =	wrdreg s5  }
0xb9: {  	[dreg:$0x4] =	wrdreg $0xC0  }
0xba: {  	_ =	task [dreg:s22], $0x5FFFF  }
0xbb: {  	[dreg:$0x1] =	wrdreg $0xFFFFFFFF  }
0xbc: {  	[dreg:$0x0] =	wrdreg $0x60  }
0xbd: {  	[dreg:$0x2] =	wrdreg s24  }
0xbe: {  	[dreg:$0x3] =	wrdreg $0x9C000  }
0xbf: {  	[dreg:$0x4] =	wrdreg $0xA  }
0xc0: {  	_ =	task.clear_ibuf [dreg:s22], $0x5FFFF;
	_ =	strace $0x9000004C  }
0xc1: {  	s29 =	simm.s32 $0xA;
	_ =	strace $0x8000004E  }
0xc2: {  	_ =	swait.ge [sflag:s29], $0x1  }
0xc3: {  	[sflag:s29] =	ssyncadd.s32 $0xFFFFFFFF  }
0xc4: {  	_ =	strace $0x9000004E  }
0xc5: {  	_ =	sfence  }
0xc6: {  	s30 =	sld [smem:$0x0];
	_ =	sdelay $0x2  }
0xc7: {  	s31 =	sshll.u32 s1, $0xD;
	s1 =	sshrl.u32 s1, $0x2  }
0xc8: {  	s4 =	sand.u32 $0x4000, s31;
	s1 =	sadd.s32 s1, s30  }
0xc9: {  	s0 =	sor.u32 s4, s0;
	s1 =	sshll.u32 s1, $0x11  }
0xca: {  	s0 =	sor.u32 s1, s0  }
0xcb: {  	s0 =	sadd.s32 $0x8F2B, s0  }
0xcc: {  	[sflag:s0] =	ssyncadd.remote.s32 $0x1  }
0xcd: {  	_ =	sfence.sel $0xFFFF  }
0xce: {  	[dreg:$0x0] =	wrdreg $0xFFFFFFFF;
	(pc) =	sbr.abs _section_cstart, $3  }
0xcf: {  	[dreg:$0x1] =	wrdreg $0xFFFFFFFF  }
0xd0: {  	_ =	task.clear_ibuf [dreg:s22], $0x2FFFF;
	_ =	strace $0x9FFFFFFF  }
0xd1: {  	(tm) =	ssettm $0x7FFFFFFF  }
tec
execute0_lowered:
.L_overlay_start_1:
0x0: {  	(tag) =	ssettag $0x1  }
0x1: {  	s17 =	stileid.u32  }
0x2: {  	s6 =	smul.u32 $0x13800, s17  }
0x3: {  	s9 =	smul.u32 $0x2700, s17  }
0x4: {  	s0 =	srdreg.scid;
	s16 =	smul.u32 $0x4E000, s17  }
0x5: {  	s5 =	rddreg [dreg:$0x0];
	s0 =	sand.u32 $0x1, s0;
	s28 =	smul.u32 $0x9C000, s17  }
0x6: {  	s2 =	rddreg [dreg:$0x1];
	s3 =	simm.s32 $0x0;
	s14 =	smul.u32 $0x138800, s0  }
0x7: {  	[smem:$0x7FF] =	sst s3;
	p1 =	seq.s32 s17, $0xF;
	s23 =	smul.u32 $0x270, s0  }
0x8: {  	s21 =	sshll.u32 s17, $0x6;
	s1 =	sshll.u32 s0, $0x4;
	s25 =	smul.u32 $0x4E000, s0  }
0x9: {  	s15 =	ssub.s32 $0x2, s0;
	p0 =	seq.s32 s0, $0x1;
	s0 =	smul.u32 $0x9C0000, s0  }
0xa: {  	s1 =	sor.u32 s17, s1;
	s20 =	sshrl.u32 s16, $0x2;
	s16 =	smul.u32 $0x4E00, s17  }
0xb: {  	_ =	strace $0x8000004D;
	s9 =	sadd.s32 s9, s5;
	s4 =	smul.u32 $0x27, s1  }
0xc: {  	s11 =	sshrl.u32 s15, $0x1;
	s6 =	sadd.s32 s14, s6;
	s19 =	smul.u32 $0x13800, s1  }
0xd: {  	s13 =	ssub.s32 s15, s11;
	s1 =	smul.u32 $0x9C000, s1;
	s22 =	sadd.s32 $0x2A6C00, s9  }
0xe: {  	s15 =	smul.u32 $0x27, s17;
	s0 =	sadd.s32 s28, s0;
	s6 =	sshrl.u32 s6, $0x3  }
0xf: {  	[dreg:$0x4] =	wrdreg s22;
	s13 =	smax.u32 s13, $0x1;
	s16 =	sadd.s32 s16, s25  }
0x10: {  	s30 =	sadd.s32 $0xC000, s0;
	s22 =	simm.s32 $0x5C00;
	s7 =	sadd.s32 $0x4E2, s4  }
0x11: {  	s25 =	simm.s32 $0x0;
	s4 =	sadd.s32 $0x35C00, s5;
	s8 =	sand.u32 $0xFF8, s7  }
0x12: {  	s12 =	sadd.s32 s6, s5;
	s1 =	sshrl.u32 s1, $0x3;
	s8 =	smin.u32 s8, $0x990  }
0x13: {  	s15 =	sadd.s32 s15, s23;
	s31 =	sshrl.u32 s30, $0x3;
	s10 =	sshll.u32 s8, $0x4  }
0x14: {  	s23 =	simm.s32 $0x80;
	s10 =	sadd.s32 s10, s5;
	s5 =	simm.s32 $0x29  }
0x15: {  	s9 =	sadd.s32 s4, s19;
	s1 =	sadd.s32 s4, s1;
	s5 =	simm.s32 @!p0 $0x27  }
0x16: {  	s26 =	sadd.s32 $0x4E2, s15;
	s14 =	ssub.s32 s7, s8;
	s5 =	simm.s32 @!p1 $0x27  }
0x17: {  	s12 =	sadd.s32 $0x2CDE00, s12;
	s17 =	sadd.s32 s31, s4;
	s14 =	sadd.s32 s5, s14  }
0x18: {  	s19 =	simm.s32 $0x3;
	s8 =	sor.u32 $0x1C03, s21;
	s24 =	sshll.u32 s14, $0x9  }
0x19: {  	s18 =	sadd.s32 $0x2BE00, s10;
	s10 =	sadd.s32 $0x800, s1;
	s1 =	sshra.s32 s24, $0x2  }
0x1a: {  	s21 =	simm.s32 $0x1C00;
	s11 =	sadd.s32 $0xFFFFFF80, s1;
	s1 =	sand.u32 $0xFF8, s26  }
0x1b: {  	[dreg:$0x3] =	wrdreg s18;
	s18 =	sadd.s32 s20, s2;
	s1 =	smin.u32 s1, $0x990  }
0x1c: {  	s20 =	simm.s32 $0x1;
	s29 =	sshll.u32 s5, $0x9;
	s1 =	sshll.u32 s1, $0x9  }
0x1d: {  	s18 =	sshrl.u32 s18, $0x3;
	s14 =	sand.u32 $0x5C00, s29;
	s1 =	ssub.s32 s16, s1  }
0x1e: {  	s24 =	simm.s32 $0x2;
	s16 =	sadd.s32 $0x8000, s0;
	s15 =	sshra.s32 s1, $0x2  }
.LBB2_1:
0x1f: {  	s0 =	rddreg [dreg:$0x3]  }
0x20: {  	s6 =	rddreg [dreg:$0x4]  }
0x21: {  	[tilespmem:s3], [sflag:$0x1] =	stream.linear.gather [hbm4b:s0+s3], $0x1C00, $0x38;
	[tilespmem:$0x1D480] =	vst v63  }
0x22: {  	[spmem:s18], [sflag:s8] =	dma.local [hbm:s6], $0x2800  }
0x23: {  	_ =	swait.ge [sflag:s19], $0x2800  }
0x24: {  	[sflag:s19] =	ssyncset.done $0x0  }
0x25: {  	[sflag:s19] =	ssyncadd.s32 $0xFFFFD800  }
0x26: {  	_ =	swait.ge [sflag:s20], $0x1C00  }
0x27: {  	[sflag:s20] =	ssyncset.done $0x0  }
0x28: {  	[sflag:s20] =	ssyncadd.s32 $0xFFFFE400  }
0x29: {  	[bflag:$0x0] =	sbarrier.arrive $0xFFFF  }
0x2a: {  	[tilespmem:s21], [sflag:$0x1] =	stream.linear.gather [hbm4b:s9+s3], $0x4000, $0x38;
	[tilespmem:$0x1D480] =	vst v63  }
0x2b: {  	_ = 	snop  }
0x2c: {  	[tilespmem:s22], [sflag:$0x2] =	stream.linear.gather [hbm4b:s10+s3], $0x4000, $0x38;
	[tilespmem:$0x1D480] =	vst v63  }
0x2d: {  	_ =	swait.ge [sflag:s20], $0x4000  }
0x2e: {  	s7 =	sadd.s32 $0x0, s15;
	[sflag:s20] =	ssyncset.done $0x0  }
0x2f: {  	s1 =	sadd.s32 $0x27100, s7;
	[sflag:s20] =	ssyncadd.s32 $0xFFFFC000  }
0x30: {  	[spmem:s2] =	stream.indirect.scatter.add.f32 [tilespmem:s21], [sflag:$0x3], $0x80, s1, s23, $0xb8;
	[tilespmem:$0x1D480] =	vst v63  }
0x31: {  	p0 =	sle.u32 s5, $0x2;
	_ =	swait.ge [sflag:s19], $0x4000  }
0x32: {  	s26 =	simm.s32 @!p0 $0x1C00;
	s1 =	sshrl.u32 @!p0 s16, $0x3;
	[sflag:s19] =	ssyncset.done $0x0  }
0x33: {  	s28 =	simm.s32 @!p0 $0x0;
	s1 =	sadd.s32 @!p0 s4, s1;
	[sflag:s19] =	ssyncadd.s32 $0xFFFFC000  }
0x34: {  	[tilespmem:s26], [sflag:$0x1] =	stream.linear.gather @!p0 [hbm4b:s1+s28], $0x4000, $0x38;
	[tilespmem:$0x1D480] =	vst v63  }
0x35: {  	s29 =	simm.s32 $0x4;
	_ =	swait.ge [sflag:s24], $0x4000  }
0x36: {  	p1 =	sle.u32 s5, $0x3;
	p0 =	sne.s32 s14, $0x400;
	[sflag:s24] =	ssyncset.done $0x0  }
.Ltmp0:
0x37: {  	s0 =	sadd.s32 $0x27180, s7;
	[sflag:s24] =	ssyncadd.s32 $0xFFFFC000;
	(pc) =	sbr.rel @!p0 .LBB2_3-.Ltmp0, $4  }
0x38: {  	[spmem:s2] =	stream.indirect.scatter.add.f32 [tilespmem:s22], [sflag:$0x3], $0x80, s0, s23, $0xb8;
	[tilespmem:$0x1D480] =	vst v63  }
0x39: {  	s30 =	sadd.s32 $0x8000, s16;
	s31 =	smov.u32 s17;
	_ =	swait.ge [sflag:s19], $0x4000  }
0x3a: {  	s26 =	simm.s32 $0x400;
	s28 =	sadd.s32 $0x1000, s17;
	[sflag:s19] =	ssyncset.done $0x0  }
0x3b: {  	s1 =	simm.s32 @!p1 $0x0;
	s0 =	simm.s32 @!p1 $0x5C00;
	[sflag:s19] =	ssyncadd.s32 $0xFFFFC000  }
.LBB2_2:
0x3c: {  	[tilespmem:s0], [sflag:$0x2] =	stream.linear.gather @!p1 [hbm4b:s31+s1], $0x4000, $0x38;
	[tilespmem:$0x1D480] =	vst v63  }
0x3d: {  	s0 =	sshra.s32 s26, $0x2;
	s26 =	sadd.s32 $0x400, s26;
	_ =	swait.ge [sflag:s20], $0x4000  }
0x3e: {  	s0 =	sadd.s32 s0, s15;
	p0 =	sne.s32 s14, s26;
	[sflag:s20] =	ssyncset.done $0x0  }
0x3f: {  	s31 =	smov.u32 s28;
	s1 =	sadd.s32 $0x27100, s0;
	[sflag:s20] =	ssyncadd.s32 $0xFFFFC000  }
0x40: {  	[spmem:s2] =	stream.indirect.scatter.add.f32 [tilespmem:s21], [sflag:$0x3], $0x80, s1, s23, $0xb8;
	[tilespmem:$0x1D480] =	vst v63  }
0x41: {  	p1 =	sge.u32 s29, s5;
	_ =	swait.ge [sflag:s19], $0x4000  }
0x42: {  	s6 =	simm.s32 @!p1 $0x1C00;
	s1 =	sshrl.u32 @!p1 s30, $0x3;
	[sflag:s19] =	ssyncset.done $0x0  }
0x43: {  	s7 =	simm.s32 @!p1 $0x0;
	s1 =	sadd.s32 @!p1 s4, s1;
	[sflag:s19] =	ssyncadd.s32 $0xFFFFC000  }
0x44: {  	[tilespmem:s6], [sflag:$0x1] =	stream.linear.gather @!p1 [hbm4b:s1+s7], $0x4000, $0x38;
	[tilespmem:$0x1D480] =	vst v63  }
0x45: {  	_ =	swait.ge [sflag:s24], $0x4000  }
0x46: {  	s28 =	sadd.s32 $0x1000, s28;
	[sflag:s24] =	ssyncset.done $0x0  }
.Ltmp1:
0x47: {  	s0 =	sadd.s32 $0x27180, s0;
	[sflag:s24] =	ssyncadd.s32 $0xFFFFC000;
	(pc) =	sbr.rel @p0 .LBB2_2-.Ltmp1, $4  }
0x48: {  	[spmem:s2] =	stream.indirect.scatter.add.f32 [tilespmem:s22], [sflag:$0x3], $0x80, s0, s23, $0xb8;
	[tilespmem:$0x1D480] =	vst v63  }
0x49: {  	s0 =	sadd.s32 $0x1, s29;
	s29 =	sadd.s32 $0x2, s29;
	_ =	swait.ge [sflag:s19], $0x4000  }
0x4a: {  	s30 =	sadd.s32 $0x8000, s30;
	p1 =	sge.u32 s0, s5;
	[sflag:s19] =	ssyncset.done $0x0  }
0x4b: {  	s1 =	simm.s32 @!p1 $0x0;
	s0 =	simm.s32 @!p1 $0x5C00;
	[sflag:s19] =	ssyncadd.s32 $0xFFFFC000  }
.LBB2_3:
0x4c: {  	[tilespmem:s0], [sflag:$0x2] =	stream.linear.gather @!p1 [hbm4b:s31+s1], $0x4000, $0x38;
	[tilespmem:$0x1D480] =	vst v63  }
0x4d: {  	_ =	swait.ge [sflag:s20], $0x4000  }
0x4e: {  	[sflag:s20] =	ssyncset.done $0x0  }
0x4f: {  	[sflag:s20] =	ssyncadd.s32 $0xFFFFC000  }
0x50: {  	[spmem:s2] =	stream.indirect.scatter.add.f32 [tilespmem:s21], [sflag:$0x3], $0x80, s11, s23, $0xb8;
	[tilespmem:$0x1D480] =	vst v63  }
0x51: {  	_ =	swait.ge [sflag:s19], $0x4000  }
0x52: {  	s25 =	sadd.s32 $0x1, s25;
	[sflag:s19] =	ssyncset.done $0x0  }
0x53: {  	p0 =	sne.s32 s25, s13;
	[sflag:s19] =	ssyncadd.s32 $0xFFFFC000  }
.Ltmp2:
0x54: {  	[bflag:$0x0] =	sbarrier.arrive $0xFFFF;
	(pc) =	sbr.rel @p0 .LBB2_1-.Ltmp2, $4  }
0x55: {  	[hbm:s12], [sflag:s8] =	dma.local [spmem:s18], $0x2800  }
0x56: {  	_ =	swait.ge [sflag:s19], $0x2800  }
0x57: {  	[sflag:s19] =	ssyncset.done $0x0  }
0x58: {  	[sflag:s19] =	ssyncadd.s32 $0xFFFFD800  }
0x59: {  	_ =	sfence.sel $0x180000  }
0x5a: {  	[bflag:$0x0] =	sbarrier.arrive $0xFFFF  }
0x5b: {  	_ =	strace $0x9000004D  }
0x5c: {  	s0 =	stileid.u32;
	[bflag:$0x2] =	sbarrier.arrive $0xFFFF  }
0x5d: {  	p0 =	sne.s32 s0, $0x0;
	s0 =	rddreg [dreg:$0x2]  }
0x5e: {  	s0 =	sadd.s32 @!p0 $0x100000, s0  }
0x5f: {  	[sflag:s0] =	ssyncadd.tile.s32 @!p0 $0x1;
	_ =	shalt  }
.Lfunc_end2:
_tile_overlayer_lowered:
.L_overlay_start_2:
0x60: {  	(tag) =	ssettag $0x2  }
0x61: {  	s0 =	rddreg [dreg:$0x0];
	s2 =	stileid.u32  }
0x62: {  	s1 =	rddreg [dreg:$0x1];
	p0 =	sne.s32 s2, $0x0  }
0x63: {  	s3 =	rddreg [dreg:$0x2];
	[bflag:$0x3] =	sbarrier.arrive $0xFFFF;
	s2 =	simm.s32 @!p0 $0x1C03  }
0x64: {  	[timem:s3], [sflag:s2] =	dma.local @!p0 [hbm:s0], s1  }
0x65: {  	s0 =	simm.s32 @!p0 $0x3  }
0x66: {  	_ =	swait.ge @!p0 [sflag:s0], s1  }
0x67: {  	s1 =	ssub.s32 @!p0 $0x0, s1;
	[sflag:s0] =	ssyncset.done @!p0 $0x0  }
0x68: {  	[sflag:s0] =	ssyncadd.s32 @!p0 s1  }
0x69: {  	[bflag:$0x3] =	sbarrier.arrive $0xFFFF  }
0x6a: {  	_ =	shalt  }

// kernel: kernel.9.cloned.1.call-start
scs
__scs_entry_jumppad:
0x0: {  	(pc) =	sbr.rel $0x88, $3  }
0x1: {  	(tag) =	ssettag $0x0;
	lr =	simm.s32 $0x1  }
0x2: {  	[smem:$0x3F95] =	sst lr;
	_ =	strace $0xD0000000  }
0x3: {  	_ = 	snop  }
0x4: {  	_ = 	snop  }
0x5: {  	_ = 	snop  }
0x6: {  	_ = 	snop  }
0x7: {  	_ = 	snop  }
__scs_overlays_trampoline_lowered:
0x8: {  	[smem:$0x3FA4] =	sst s0  }
0x9: {  	[smem:$0x3FA5] =	sst s1  }
0xa: {  	[smem:$0x3FA6] =	sst s2  }
0xb: {  	[smem:$0x3FA7] =	sst s3  }
0xc: {  	[smem:$0x3FA8] =	sst s4  }
0xd: {  	[smem:$0x3FA9] =	sst s5  }
0xe: {  	[smem:$0x3FAA] =	sst s6  }
0xf: {  	[smem:$0x3FAB] =	sst s7  }
0x10: {  	[smem:$0x3FAC] =	sst s8  }
0x11: {  	[smem:$0x3FAD] =	sst s9;
	s0 =	simm.s32 @!p0 $0x0  }
0x12: {  	s1 =	sld [smem:$0x3F93];
	s0 =	simm.s32 @p0 $0x1  }
0x13: {  	[smem:$0x3FAE] =	sst s0;
	s0 =	simm.s32 @!p1 $0x0  }
0x14: {  	s2 =	sld [smem:$0x3F92];
	s0 =	simm.s32 @p1 $0x1  }
0x15: {  	[smem:$0x3FAF] =	sst s0;
	s0 =	simm.s32 @!p2 $0x0  }
0x16: {  	s3 =	sld [smem:$0x3FDB];
	s0 =	simm.s32 @p2 $0x1  }
0x17: {  	s4 =	simm.s32 $0x1BF5;
	[smem:$0x3FB1] =	sst s0  }
0x18: {  	s0 =	sld [smem:$0x3F94];
	_ =	swait.ge [sflag:s4], $0x0  }
0x19: {  	s7 =	sld [smem:$0x3F95]  }
0x1a: {  	s8 =	sadd.s32 $0xFFFFE003, lr  }
0x1b: {  	s9 =	sadd.s32 $0xFFFFFEF7, lr;
	s5 =	simm.s32 $0xFFFFFFFF;
	p2 =	slt.u32 s8, $0xFFFFF086  }
0x1c: {  	p1 =	slt.u32 s9, $0xF7A;
	s5 =	simm.s32 @!p2 $0x0  }
0x1d: {  	s5 =	simm.s32 @p1 $0x1;
	p0 =	seq.s32 s7, s2  }
0x1e: {  	s7 =	smul.u32 @!p0 $0xF7A, s2;
	p2 =	seq.s32 @!p0 s5, $0x0  }
0x1f: {  	s9 =	smul.u32 $0xF7A, s1;
	s8 =	simm.s32 @!p0 $0x1BF5;
	p2 =	por !p2, p0  }
0x20: {  	[sflag:s8] =	ssyncset.s32 @!p0 $0xFFFFF086;
	s6 =	sadd.s32 @!p0 s3, s7;
	s7 =	simm.s32 @!p0 $0x108  }
0x21: {  	s3 =	sadd.s32 s3, s9;
	s6 =	sadd.s32 @!p0 $0x88, s6;
	s7 =	simm.s32 @p2 $0x1082  }
0x22: {  	[simem:s7], [sflag:s8] =	dma.local @!p0 [hbm:s6], $0xF7A  }
0x23: {  	s9 =	sor.u32 $0xD0000000, s2;
	s6 =	simm.s32 $0x108;
	_ =	swait.ge @!p0 [sflag:s8], $0x0  }
0x24: {  	s3 =	sadd.s32 $0x88, s3;
	s6 =	simm.s32 @!p1 $0x1082;
	[sflag:s4] =	ssyncset.s32 $0xFFFFF086  }
0x25: {  	[simem:s6], [sflag:s4] =	dma.local [hbm:s3], $0xF7A  }
0x26: {  	[smem:$0x3F95] =	sst s1;
	(tag) =	ssettag s2;
	_ =	strace s9  }
0x27: {  	s1 =	sld [smem:$0x3FA5]  }
0x28: {  	s2 =	sld [smem:$0x3FA6]  }
0x29: {  	s4 =	sld [smem:$0x3FA8]  }
0x2a: {  	p0 =	seq.s32 s5, $0x0;
	s5 =	sld [smem:$0x3FA9]  }
0x2b: {  	s6 =	sld [smem:$0x3FAA]  }
0x2c: {  	s7 =	sld [smem:$0x3FAB]  }
0x2d: {  	s3 =	simm.s32 $0x108;
	s8 =	sld [smem:$0x3FAC]  }
0x2e: {  	s3 =	simm.s32 @!p0 $0x1082;
	s9 =	sld [smem:$0x3FAD]  }
0x2f: {  	lr =	sadd.s32 s0, s3;
	s0 =	sld [smem:$0x3FA4]  }
0x30: {  	s3 =	sld [smem:$0x3FA7]  }
0x31: {  	[smem:$0x3FB0] =	sst s10  }
0x32: {  	s10 =	sld [smem:$0x3FAE];
	_ =	sdelay $0x3  }
0x33: {  	p0 =	seq.s32 s10, $0x1;
	s10 =	sld [smem:$0x3FB0];
	_ =	sdelay $0x3  }
0x34: {  	[smem:$0x3FB0] =	sst s10  }
0x35: {  	s10 =	sld [smem:$0x3FAF];
	_ =	sdelay $0x3  }
0x36: {  	p1 =	seq.s32 s10, $0x1;
	s10 =	sld [smem:$0x3FB0];
	_ =	sdelay $0x3  }
0x37: {  	[smem:$0x3FB0] =	sst s10  }
0x38: {  	s10 =	sld [smem:$0x3FB1]  }
0x39: {  	_ = 	snop;
	(pc) =	sbr.ind lr, $3  }
0x3a: {  	_ = 	snop  }
0x3b: {  	_ = 	snop  }
0x3c: {  	p2 =	seq.s32 s10, $0x1;
	s10 =	sld [smem:$0x3FB0]  }
0x3d: {  	_ =	shalt  }
0x3e: {  	_ =	shalt  }
0x3f: {  	_ =	shalt  }
0x40: {  	_ =	shalt  }
0x41: {  	_ =	shalt  }
0x42: {  	_ =	shalt  }
0x43: {  	_ =	shalt  }
0x44: {  	_ =	shalt  }
0x45: {  	_ =	shalt  }
0x46: {  	_ =	shalt  }
0x47: {  	_ =	shalt  }
0x48: {  	_ =	shalt  }
0x49: {  	_ =	shalt  }
0x4a: {  	_ =	shalt  }
0x4b: {  	_ =	shalt  }
0x4c: {  	_ =	shalt  }
0x4d: {  	_ =	shalt  }
0x4e: {  	_ =	shalt  }
0x4f: {  	_ =	shalt  }
0x50: {  	_ =	shalt  }
0x51: {  	_ =	shalt  }
0x52: {  	_ =	shalt  }
0x53: {  	_ =	shalt  }
0x54: {  	_ =	shalt  }
0x55: {  	_ =	shalt  }
0x56: {  	_ =	shalt  }
0x57: {  	_ =	shalt  }
0x58: {  	_ =	shalt  }
0x59: {  	_ =	shalt  }
0x5a: {  	_ =	shalt  }
0x5b: {  	_ =	shalt  }
0x5c: {  	_ =	shalt  }
0x5d: {  	_ =	shalt  }
0x5e: {  	_ =	shalt  }
0x5f: {  	_ =	shalt  }
0x60: {  	_ =	shalt  }
0x61: {  	_ =	shalt  }
0x62: {  	_ =	shalt  }
0x63: {  	_ =	shalt  }
0x64: {  	_ =	shalt  }
0x65: {  	_ =	shalt  }
0x66: {  	_ =	shalt  }
0x67: {  	_ =	shalt  }
0x68: {  	_ =	shalt  }
0x69: {  	_ =	shalt  }
0x6a: {  	_ =	shalt  }
0x6b: {  	_ =	shalt  }
0x6c: {  	_ =	shalt  }
0x6d: {  	_ =	shalt  }
0x6e: {  	_ =	shalt  }
0x6f: {  	_ =	shalt  }
0x70: {  	_ =	shalt  }
0x71: {  	_ =	shalt  }
0x72: {  	_ =	shalt  }
0x73: {  	_ =	shalt  }
0x74: {  	_ =	shalt  }
0x75: {  	_ =	shalt  }
0x76: {  	_ =	shalt  }
0x77: {  	_ =	shalt  }
0x78: {  	_ =	shalt  }
0x79: {  	_ =	shalt  }
0x7a: {  	_ =	shalt  }
0x7b: {  	_ =	shalt  }
0x7c: {  	_ =	shalt  }
0x7d: {  	_ =	shalt  }
0x7e: {  	_ =	shalt  }
0x7f: {  	_ =	shalt  }
0x80: {  	_ =	shalt  }
0x81: {  	_ =	shalt  }
0x82: {  	_ =	shalt  }
0x83: {  	_ =	shalt  }
0x84: {  	_ =	shalt  }
0x85: {  	_ =	shalt  }
0x86: {  	_ =	shalt  }
0x87: {  	_ =	shalt  }
.Lfunc_end0:
.L_simem_size_0:
called_computation_lowered:
.L_overlay_start_0:
0x88: {  	s2 =	sld [smem:$0x3FD9]  }
0x89: {  	s3 =	sld [smem:$0x3FFE];
	_ =	sdelay $0x1  }
0x8a: {  	s1 =	srdreg.scid  }
0x8b: {  	s0 =	sand.u32 $0x1, s1  }
0x8c: {  	s17 =	sshll.u32 s0, $0xA;
	s2 =	sadd.s32 s3, s2  }
0x8d: {  	s2 =	sadd.s32 s2, s17  }
0x8e: {  	[smem:$0x3FBC] =	sst s2  }
0x8f: {  	_ = 	snop  }
0x90: {  	s18 =	sld [smem:$0x3FC9];
	(tm) =	ssettm $0x1  }
0x91: {  	s19 =	sld [smem:$0x3FFB];
	_ =	sdelay $0x3  }
0x92: {  	_ =	strace s19  }
0x93: {  	s2 =	sld [smem:$0x3FFC];
	_ =	sdelay $0x3  }
0x94: {  	_ =	strace s2  }
0x95: {  	s2 =	sld [smem:$0x3FFD];
	_ =	sdelay $0x3  }
0x96: {  	_ =	strace s2  }
0x97: {  	_ =	strace $0x8FFFFFFF  }
0x98: {  	s20 =	sld [smem:$0x3FDB];
	_ =	sdelay $0x1  }
0x99: {  	s4 =	simm.s32 $_scs_section_size  }
0x9a: {  	s5 =	simm.s32 $_size__tile_overlayer_lowered;
	s6 =	simm.s32 $_tile_overlayer_lowered  }
0x9b: {  	s7 =	simm.s32 $0x1BFF;
	s21 =	sshll.u32 s6, $0x1;
	s4 =	sadd.s32 s4, s20  }
0x9c: {  	s22 =	simm.s32 $0x0;
	s5 =	sshll.u32 s5, $0x1;
	s6 =	sadd.s32 s21, s4  }
0x9d: {  	[timem:s22], [sflag:s7] =	dma.local [hbm:s6], s5  }
0x9e: {  	_ =	swait.ge [sflag:s7], s5  }
0x9f: {  	s5 =	ssub.s32 $0x0, s5;
	[sflag:s7] =	ssyncset.done $0x0  }
0xa0: {  	[sflag:s7] =	ssyncadd.s32 s5;
	_ =	sdelay $0x1  }
0xa1: {  	s23 =	simm.s32 $0x1B8B  }
0xa2: {  	_ =	swait.ge [sflag:s23], $0x1  }
0xa3: {  	[sflag:s23] =	ssyncset.done $0x0  }
0xa4: {  	[sflag:s23] =	ssyncadd.s32 $0xFFFFFFFF  }
0xa5: {  	s5 =	sld [smem:$0x0]  }
0xa6: {  	s6 =	sand.u32 $0xFFFFFFFE, s1  }
0xa7: {  	p0 =	sne.s32 s1, s6  }
0xa8: {  	s6 =	sshll.u32 @p0 s6, $0xE  }
0xa9: {  	s6 =	sadd.s32 @p0 $0x11B8D, s6;
	s7 =	sshll.u32 @p0 s5, $0x11  }
0xaa: {  	s6 =	sor.u32 @p0 s7, s6  }
0xab: {  	[sflag:s6] =	ssyncadd.remote.s32 @p0 $0x1;
	_ =	sdelay $0x1  }
0xac: {  	s6 =	simm.s32 @p0 $0x1B8D  }
0xad: {  	_ =	swait.eq @p0 [sflag:s6], $0x1  }
0xae: {  	[sflag:s6] =	ssyncadd.s32 @p0 $0xFFFFFFFF  }
0xaf: {  	s7 =	sshll.u32 @!p0 s1, $0xE  }
0xb0: {  	s7 =	sor.u32 @!p0 $0x4000, s7;
	s6 =	simm.s32 @!p0 $0x1B8D  }
0xb1: {  	s5 =	sshll.u32 @!p0 s5, $0x11;
	s7 =	sadd.s32 @!p0 $0x11B8D, s7;
	_ =	swait.eq @!p0 [sflag:s6], $0x1  }
0xb2: {  	s5 =	sor.u32 @!p0 s5, s7;
	[sflag:s6] =	ssyncadd.s32 @!p0 $0xFFFFFFFF  }
0xb3: {  	s25 =	simm.s32 $0x1B8E;
	s24 =	sld [smem:$0x3FFE];
	[sflag:s5] =	ssyncadd.remote.s32 @!p0 $0x1  }
0xb4: {  	s26 =	simm.s32 $execute0_lowered;
	[smem:$0x3FD2] =	sst s25  }
0xb5: {  	s6 =	sshll.u32 s26, $0x1;
	_ =	strace $0x80000049;
	[dreg:$0x1] =	wrdreg $0xFFFFFFFF  }
0xb6: {  	s28 =	simm.s32 $_size_execute0_lowered;
	s4 =	sadd.s32 s4, s6;
	[dreg:$0x0] =	wrdreg $0x0  }
0xb7: {  	s6 =	sshll.u32 s28, $0x1;
	[dreg:$0x2] =	wrdreg s4  }
0xb8: {  	[dreg:$0x3] =	wrdreg s6  }
0xb9: {  	[dreg:$0x4] =	wrdreg $0xC0  }
0xba: {  	_ =	task [dreg:s22], $0x5FFFF  }
0xbb: {  	[dreg:$0x1] =	wrdreg $0xFFFFFFFF  }
0xbc: {  	[dreg:$0x0] =	wrdreg $0x60  }
0xbd: {  	[dreg:$0x2] =	wrdreg s24  }
0xbe: {  	[dreg:$0x3] =	wrdreg s18  }
0xbf: {  	[dreg:$0x4] =	wrdreg $0x9  }
0xc0: {  	_ =	task.clear_ibuf [dreg:s22], $0x5FFFF;
	_ =	strace $0x90000049  }
0xc1: {  	s29 =	simm.s32 $0x9;
	_ =	strace $0x8000004B  }
0xc2: {  	_ =	swait.ge [sflag:s29], $0x1  }
0xc3: {  	[sflag:s29] =	ssyncadd.s32 $0xFFFFFFFF  }
0xc4: {  	_ =	strace $0x9000004B  }
0xc5: {  	_ =	sfence  }
0xc6: {  	s30 =	sld [smem:$0x0];
	_ =	sdelay $0x2  }
0xc7: {  	s31 =	sshll.u32 s1, $0xD;
	s1 =	sshrl.u32 s1, $0x2  }
0xc8: {  	s4 =	sand.u32 $0x4000, s31;
	s1 =	sadd.s32 s1, s30  }
0xc9: {  	s0 =	sor.u32 s4, s0;
	s1 =	sshll.u32 s1, $0x11  }
0xca: {  	s0 =	sor.u32 s1, s0  }
0xcb: {  	s0 =	sadd.s32 $0x8F2B, s0  }
0xcc: {  	[sflag:s0] =	ssyncadd.remote.s32 $0x1  }
0xcd: {  	_ =	sfence.sel $0xFFFF  }
0xce: {  	[dreg:$0x0] =	wrdreg $0xFFFFFFFF;
	(pc) =	sbr.abs _section_cstart, $3  }
0xcf: {  	[dreg:$0x1] =	wrdreg $0xFFFFFFFF  }
0xd0: {  	_ =	task.clear_ibuf [dreg:s22], $0x2FFFF;
	_ =	strace $0x9FFFFFFF  }
0xd1: {  	(tm) =	ssettm $0x7FFFFFFF  }
tec
execute0_lowered:
.L_overlay_start_1:
0x0: {  	(tag) =	ssettag $0x1  }
0x1: {  	s5 =	rddreg [dreg:$0x0]  }
0x2: {  	s0 =	srdreg.scid;
	s2 =	rddreg [dreg:$0x1]  }
0x3: {  	s3 =	simm.s32 $0x0;
	s11 =	simm.s32 $0x7580;
	s4 =	sand.u32 $0x1, s0  }
0x4: {  	s12 =	simm.s32 $0x9D00;
	s0 =	stileid.u32;
	s1 =	sshll.u32 s4, $0x4  }
0x5: {  	s13 =	simm.s32 $0xB100;
	s14 =	simm.s32 $0xC500;
	s6 =	sor.u32 s0, s1  }
0x6: {  	s15 =	simm.s32 $0xD900;
	s16 =	simm.s32 $0x0;
	s6 =	smul.u32 $0x1388, s6  }
0x7: {  	[smem:$0x7FF] =	sst s3;
	s7 =	ssub.s32 $0x2, s4;
	s4 =	sadd.s32 $0x3400, s5  }
0x8: {  	s1 =	rddreg [dreg:$0x2];
	s8 =	sshrl.u32 s7, $0x1;
	s6 =	sshrl.u32 s6, $0x3  }
0x9: {  	_ =	strace $0x8000004A;
	s10 =	ssub.s32 s7, s8;
	s9 =	sadd.s32 s6, s5  }
0xa: {  	s5 =	sadd.s32 $0x4400, s9;
	s6 =	sadd.s32 $0xE040, s9;
	s7 =	sadd.s32 $0x21E00, s9  }
0xb: {  	s8 =	sadd.s32 $0x26E00, s9;
	s9 =	smax.u32 s10, $0x1;
	s10 =	simm.s32 $0x1  }
.LBB2_1:
0xc: {  	[tilespmem:s3], [sflag:$0x1] =	stream.linear.gather [hbm4b:s4+s3], $0x7580, $0x38;
	[tilespmem:$0xED00] =	vst v63  }
0xd: {  	_ =	swait.ge [sflag:s10], $0x7580  }
0xe: {  	[sflag:s10] =	ssyncset.done $0x0  }
0xf: {  	[sflag:s10] =	ssyncadd.s32 $0xFFFF8A80  }
0x10: {  	[tilespmem:s11], [sflag:$0x1] =	stream.linear.gather [hbm4b:s2+s3], $0x2780, $0x38;
	[tilespmem:$0xED00] =	vst v63  }
0x11: {  	_ =	swait.ge [sflag:s10], $0x2780  }
0x12: {  	[sflag:s10] =	ssyncset.done $0x0  }
0x13: {  	[sflag:s10] =	ssyncadd.s32 $0xFFFFD880  }
0x14: {  	[tilespmem:s12], [sflag:$0x1] =	stream.linear.gather [hbm4b:s5+s3], $0x1388, $0x38;
	[tilespmem:$0xED00] =	vst v63  }
0x15: {  	_ =	swait.ge [sflag:s10], $0x1388  }
0x16: {  	[sflag:s10] =	ssyncset.done $0x0  }
0x17: {  	[sflag:s10] =	ssyncadd.s32 $0xFFFFEC78  }
0x18: {  	[tilespmem:s13], [sflag:$0x1] =	stream.linear.gather [hbm4b:s6+s3], $0x1388, $0x38;
	[tilespmem:$0xED00] =	vst v63  }
0x19: {  	_ =	swait.ge [sflag:s10], $0x1388  }
0x1a: {  	[sflag:s10] =	ssyncset.done $0x0  }
0x1b: {  	s17 =	simm.s32 $0x0;
	[sflag:s10] =	ssyncadd.s32 $0xFFFFEC78  }
0x1c: {  	v0 =	vld [tilespmem:s17+$0xB100]  }
0x1d: {  	v1 =	vld [tilespmem:s17+$0x9D00];
	_ =	sdelay $0x3  }
0x1e: {  	vm0 =	vgt.s32 v0, $0x0  }
0x1f: {  	vm1 =	vgt.s32 v1, $0x0;
	v0 =	vnsel vm0, $0x0, v0  }
0x20: {  	v1 =	vnsel vm1, $0x0, v1;
	v2 =	vmin.u32 v0, $0x270F  }
0x21: {  	v0 =	vmin.u32 v1, $0x270F;
	v1 =	vmul.u32 $0x3, v2  }
0x22: {  	v2 =	vmul.u32 $0x3, v0;
	_ =	sdelay $0x1  }
0x23: {  	v3 =	vadd.s32 $0x1, v2  }
0x24: {  	v4 =	vadd.s32 $0x1, v1  }
0x25: {  	v5 =	vadd.s32 $0x2, v2  }
0x26: {  	v6 =	vld.idx.msk [tilespmem:v1+s3+$0x0], $0xffff;
	v1 =	vadd.s32 $0x2, v1  }
0x27: {  	v2 =	vld.idx.msk [tilespmem:v2+s3+$0x0], $0xffff  }
0x28: {  	v3 =	vld.idx.msk [tilespmem:v3+s3+$0x0], $0xffff  }
0x29: {  	v4 =	vld.idx.msk [tilespmem:v4+s3+$0x0], $0xffff  }
0x2a: {  	v5 =	vld.idx.msk [tilespmem:v5+s3+$0x0], $0xffff  }
0x2b: {  	v7 =	vld.idx.msk [tilespmem:v1+s3+$0x0], $0xffff;
	_ =	sdelay $0x2  }
0x2c: {  	v2 =	vsub.f32 v2, v6;
	v6 =	vsub.f32 v3, v4  }
0x2d: {  	s18 =	simm.s32 $0x10  }
0x2e: {  	v1 =	vld [tilespmem:s18+$0xB100];
	v4 =	vmul.f32 v2, v2;
	v3 =	vsub.f32 v5, v7;
	v5 =	vmul.f32 v6, v6  }
0x2f: {  	s19 =	simm.s32 $0x80;
	v2 =	vld [tilespmem:s18+$0x9D00]  }
.LBB2_2:
0x30: {  	p0 =	sne.s32 s19, $0x4E00;
	v4 =	vadd.f32 v5, v4;
	v3 =	vmul.f32 v3, v3;
	_ =	sdelay $0x1  }
0x31: {  	v3 =	vadd.f32 v3, v4  }
0x32: {  	vm0 =	vgt.s32 v1, $0x0  }
0x33: {  	vm1 =	vgt.s32 v2, $0x0;
	v1 =	vnsel vm0, $0x0, v1;
	[tilespmem:s17+$0xC500] =	vst v3  }
0x34: {  	v2 =	vnsel vm1, $0x0, v2;
	v1 =	vmin.u32 v1, $0x270F;
	v3 =	vld.idx.msk [tilespmem:v0+s11+$0x0], $0xffff  }
0x35: {  	v0 =	vmin.u32 v2, $0x270F;
	v1 =	vmul.u32 $0x3, v1  }
0x36: {  	v2 =	vmul.u32 $0x3, v0;
	_ =	sdelay $0x1  }
0x37: {  	v4 =	vadd.s32 $0x1, v2  }
0x38: {  	v5 =	vadd.s32 $0x1, v1  }
0x39: {  	v6 =	vadd.s32 $0x2, v2;
	[tilespmem:s17+$0xD900] =	vst v3;
	s17 =	smov.u32 s18  }
0x3a: {  	v3 =	vld.idx.msk [tilespmem:v1+s3+$0x0], $0xffff;
	v1 =	vadd.s32 $0x2, v1  }
0x3b: {  	v2 =	vld.idx.msk [tilespmem:v2+s3+$0x0], $0xffff  }
0x3c: {  	v4 =	vld.idx.msk [tilespmem:v4+s3+$0x0], $0xffff  }
0x3d: {  	v5 =	vld.idx.msk [tilespmem:v5+s3+$0x0], $0xffff  }
0x3e: {  	v6 =	vld.idx.msk [tilespmem:v6+s3+$0x0], $0xffff  }
0x3f: {  	v7 =	vld.idx.msk [tilespmem:v1+s3+$0x0], $0xffff;
	_ =	sdelay $0x2  }
.Ltmp0:
0x40: {  	(pc) =	sbr.rel @p0 .LBB2_2-.Ltmp0, $4  }
0x41: {  	v2 =	vsub.f32 v2, v3;
	v5 =	vsub.f32 v4, v5  }
0x42: {  	s18 =	sshra.s32 s19, $0x2  }
0x43: {  	v4 =	vmul.f32 v2, v2;
	v3 =	vsub.f32 v6, v7;
	v5 =	vmul.f32 v5, v5;
	v1 =	vld [tilespmem:s18+$0xB100]  }
0x44: {  	s19 =	sadd.s32 $0x40, s19;
	v2 =	vld [tilespmem:s18+$0x9D00]  }
0x45: {  	_ = 	snop  }
0x46: {  	v4 =	vadd.f32 v5, v4;
	v3 =	vmul.f32 v3, v3;
	_ =	sdelay $0x1  }
0x47: {  	v3 =	vadd.f32 v3, v4;
	vm0 =	vgt.s32 v1, $0x0  }
0x48: {  	vm1 =	vgt.s32 v2, $0x0;
	v1 =	vnsel vm0, $0x0, v1  }
0x49: {  	[tilespmem:s17+$0xC500] =	vst v3;
	v2 =	vnsel vm1, $0x0, v2;
	v1 =	vmin.u32 v1, $0x270F  }
0x4a: {  	v0 =	vld.idx.msk [tilespmem:v0+s11+$0x0], $0xffff;
	v2 =	vmin.u32 v2, $0x270F;
	v1 =	vmul.u32 $0x3, v1  }
0x4b: {  	v60 =	vmul.u32 $0x3, v2;
	_ =	sdelay $0x1  }
0x4c: {  	v62 =	vadd.s32 $0x1, v1  }
0x4d: {  	v61 =	vadd.s32 $0x1, v60  }
0x4e: {  	v6 =	vadd.s32 $0x2, v60;
	[tilespmem:s17+$0xD900] =	vst v0  }
0x4f: {  	v0 =	vld.idx.msk [tilespmem:v1+s3+$0x0], $0xffff;
	v1 =	vadd.s32 $0x2, v1  }
0x50: {  	v3 =	vld.idx.msk [tilespmem:v60+s3+$0x0], $0xffff  }
0x51: {  	v5 =	vld.idx.msk [tilespmem:v62+s3+$0x0], $0xffff  }
0x52: {  	v4 =	vld.idx.msk [tilespmem:v61+s3+$0x0], $0xffff  }
0x53: {  	v6 =	vld.idx.msk [tilespmem:v6+s3+$0x0], $0xffff  }
0x54: {  	v1 =	vld.idx.msk [tilespmem:v1+s3+$0x0], $0xffff;
	_ =	sdelay $0x2  }
0x55: {  	v0 =	vsub.f32 v3, v0;
	v63 =	vsub.f32 v4, v5;
	_ =	sdelay $0x1  }
0x56: {  	v0 =	vmul.f32 v0, v0;
	v3 =	vmul.f32 v63, v63;
	v1 =	vsub.f32 v6, v1;
	_ =	sdelay $0x1  }
0x57: {  	v0 =	vadd.f32 v3, v0;
	v1 =	vmul.f32 v1, v1;
	_ =	sdelay $0x1  }
0x58: {  	v0 =	vadd.f32 v1, v0;
	_ =	sdelay $0x1  }
0x59: {  	[tilespmem:s18+$0xC500] =	vst v0  }
0x5a: {  	v0 =	vld.idx.msk [tilespmem:v2+s11+$0x0], $0xffff;
	_ =	sdelay $0x4  }
0x5b: {  	[tilespmem:s18+$0xD900] =	vst v0  }
0x5c: {  	[hbm4b:s7+s3] =	stream.linear.scatter [tilespmem:s14], [sflag:$0x1], $0x1388, $0x38;
	[tilespmem:$0xED00] =	vst v63  }
0x5d: {  	s16 =	sadd.s32 $0x1, s16;
	_ =	swait.ge [sflag:s10], $0x1388  }
0x5e: {  	p0 =	sne.s32 s16, s9;
	[sflag:s10] =	ssyncset.done $0x0  }
.Ltmp1:
0x5f: {  	[sflag:s10] =	ssyncadd.s32 $0xFFFFEC78;
	(pc) =	sbr.rel @p0 .LBB2_1-.Ltmp1, $4  }
0x60: {  	[hbm4b:s8+s3] =	stream.linear.scatter [tilespmem:s15], [sflag:$0x1], $0x1388, $0x38;
	[tilespmem:$0xED00] =	vst v63  }
0x61: {  	_ =	swait.ge [sflag:s10], $0x1388  }
0x62: {  	[sflag:s10] =	ssyncset.done $0x0  }
0x63: {  	[sflag:s10] =	ssyncadd.s32 $0xFFFFEC78  }
0x64: {  	_ =	sfence.sel $0x180000  }
0x65: {  	[bflag:$0x0] =	sbarrier.arrive $0xFFFF  }
0x66: {  	p0 =	sne.s32 s0, $0x0;
	_ =	strace $0x9000004A  }
0x67: {  	s0 =	sadd.s32 @!p0 $0x100000, s1;
	[bflag:$0x2] =	sbarrier.arrive $0xFFFF  }
0x68: {  	[sflag:s0] =	ssyncadd.tile.s32 @!p0 $0x1;
	_ =	shalt  }
.Lfunc_end2:
_tile_overlayer_lowered:
.L_overlay_start_2:
0x69: {  	(tag) =	ssettag $0x2  }
0x6a: {  	s0 =	rddreg [dreg:$0x0];
	s2 =	stileid.u32  }
0x6b: {  	s1 =	rddreg [dreg:$0x1];
	p0 =	sne.s32 s2, $0x0  }
0x6c: {  	s3 =	rddreg [dreg:$0x2];
	[bflag:$0x3] =	sbarrier.arrive $0xFFFF;
	s2 =	simm.s32 @!p0 $0x1C01  }
0x6d: {  	[timem:s3], [sflag:s2] =	dma.local @!p0 [hbm:s0], s1  }
0x6e: {  	s0 =	simm.s32 @!p0 $0x1  }
0x6f: {  	_ =	swait.ge @!p0 [sflag:s0], s1  }
0x70: {  	s1 =	ssub.s32 @!p0 $0x0, s1;
	[sflag:s0] =	ssyncset.done @!p0 $0x0  }
0x71: {  	[sflag:s0] =	ssyncadd.s32 @!p0 s1  }
0x72: {  	[bflag:$0x3] =	sbarrier.arrive $0xFFFF  }
0x73: {  	_ =	shalt  }

</sc_bundles>
